<compile_context>
chip_gen: v7x
topology: tpu7x:2x2x1
jax: 0.10.2.dev20260603
libtpu: 0.0.44.dev20260713+nightly
codegen_flags: <defaults>
</compile_context>

<pallas_src>
import functools

import jax
import jax.numpy as jnp
from jax import lax
from jax.experimental import pallas as pl
from jax.experimental.pallas import tpu as pltpu
from jax.experimental.pallas import tpu_sc as plsc

_WEIGHT = 1.0
_EPS = 1e-05
_LANES = 16


@functools.lru_cache(maxsize=None)
def _build(n_pred, n_tgt, n_joint, n_limb, n_match):
    n_workers = 32
    mpw = n_match // n_workers
    groups = mpw // _LANES
    assert n_joint == 17

    mesh = plsc.VectorSubcoreMesh(core_axis_name="c", subcore_axis_name="s")

    @functools.partial(
        pl.kernel,
        out_type=jax.ShapeDtypeStruct((n_workers, 2 * _LANES), jnp.float32),
        mesh=mesh,
        compiler_params=pltpu.CompilerParams(needs_layout_passes=False,
                                             use_tc_tiling_on_sc=False),
        scratch_types=[
            pltpu.VMEM((mpw,), jnp.int32),
            pltpu.VMEM((mpw,), jnp.int32),
            pltpu.VMEM((2 * mpw,), jnp.int32),
            pltpu.VMEM((2 * mpw,), jnp.int32),
            pltpu.VMEM((mpw,), jnp.int32),
            pltpu.VMEM((mpw,), jnp.int32),
            pltpu.VMEM((2 * mpw, _LANES), jnp.float32),
            pltpu.VMEM((2 * mpw, _LANES), jnp.float32),
            pltpu.VMEM((2 * mpw, _LANES), jnp.float32),
            pltpu.VMEM((2 * mpw, _LANES), jnp.float32),
            pltpu.VMEM((2 * mpw, _LANES), jnp.float32),
            pltpu.VMEM((mpw,), jnp.float32),
            pltpu.VMEM((mpw,), jnp.float32),
            pltpu.VMEM((n_limb * 2 * _LANES,), jnp.int32),
            pltpu.VMEM((2 * _LANES,), jnp.float32),
            pltpu.SemaphoreType.DMA,
            pltpu.SemaphoreType.DMA,
        ],
    )
    def limb_loss(px_hbm, py_hbm, tx_hbm, ty_hbm, ta_hbm, vf_hbm, lc_hbm,
                  sid_hbm, tid_hbm, out_hbm,
                  idx_s, idx_t, gidx_s, gidx_t, off_s, off_t,
                  px_v, py_v, tx_v, ty_v, vf_v, ta_v, scale_v,
                  lc_v, part_v, sem_a, sem_b):
        wid = lax.axis_index("s") * 2 + lax.axis_index("c")
        base = wid * mpw

        pltpu.sync_copy(sid_hbm.at[pl.ds(base, mpw)], idx_s)
        pltpu.sync_copy(tid_hbm.at[pl.ds(base, mpw)], idx_t)
        cp_ta = pltpu.async_copy(ta_hbm.at[idx_t], ta_v, sem_a)
        pltpu.sync_copy(lc_hbm, lc_v)

        lane = lax.broadcasted_iota(jnp.int32, (_LANES,), 0)

        def build_body(g, _):
            m_vec = g * _LANES + lane
            m2 = 2 * m_vec
            ids_s = idx_s[pl.ds(g * _LANES, _LANES)]
            r0 = (17 * ids_s) >> 4
            plsc.store_scatter(gidx_s, [m2], r0)
            plsc.store_scatter(gidx_s, [m2 + 1], r0 + 1)
            off_s[pl.ds(g * _LANES, _LANES)] = ids_s & 15
            ids_t = idx_t[pl.ds(g * _LANES, _LANES)]
            r0t = (17 * ids_t) >> 4
            plsc.store_scatter(gidx_t, [m2], r0t)
            plsc.store_scatter(gidx_t, [m2 + 1], r0t + 1)
            off_t[pl.ds(g * _LANES, _LANES)] = ids_t & 15
            return 0
        lax.fori_loop(0, groups, build_body, 0)

        copies = [
            pltpu.async_copy(px_hbm.at[gidx_s], px_v, sem_b),
            pltpu.async_copy(py_hbm.at[gidx_s], py_v, sem_b),
            pltpu.async_copy(tx_hbm.at[gidx_t], tx_v, sem_b),
            pltpu.async_copy(ty_hbm.at[gidx_t], ty_v, sem_b),
            pltpu.async_copy(vf_hbm.at[gidx_t], vf_v, sem_b),
        ]

        cp_ta.wait()

        def scale_body(g, _):
            av = ta_v[pl.ds(g * _LANES, _LANES)]
            seed = 0x5F3759DF - (lax.bitcast_convert_type(av, jnp.int32) >> 1)
            y = lax.bitcast_convert_type(seed, jnp.float32)
            half = 0.5 * av
            y = y * (1.5 - half * y * y)
            y = y * (1.5 - half * y * y)
            y = y * (1.5 - half * y * y)
            scale_v[pl.ds(g * _LANES, _LANES)] = 1.0 / (av * y + _EPS)
            return 0
        lax.fori_loop(0, groups, scale_body, 0)

        for cp in copies:
            cp.wait()

        def group_body(g, carry):
            acc_n, acc_d = carry
            gb = g * _LANES
            m_vec = gb + lane
            m32 = m_vec << 5
            bfs = m32 + off_s[pl.ds(gb, _LANES)]
            bft = m32 + off_t[pl.ds(gb, _LANES)]
            sc = scale_v[pl.ds(gb, _LANES)]
            for l in range(n_limb):
                c_vs = lc_v[pl.ds((l * 2 + 0) * _LANES, _LANES)]
                c_vd = lc_v[pl.ds((l * 2 + 1) * _LANES, _LANES)]
                ts1 = bfs + c_vs
                ts2 = bfs + c_vd
                tt1 = bft + c_vs
                tt2 = bft + c_vd
                rs1, ls1 = ts1 >> 4, ts1 & 15
                rs2, ls2 = ts2 >> 4, ts2 & 15
                rt1, lt1 = tt1 >> 4, tt1 & 15
                rt2, lt2 = tt2 >> 4, tt2 & 15
                psx = plsc.load_gather(px_v, [rs1, ls1])
                psy = plsc.load_gather(py_v, [rs1, ls1])
                pdx = plsc.load_gather(px_v, [rs2, ls2])
                pdy = plsc.load_gather(py_v, [rs2, ls2])
                tsx = plsc.load_gather(tx_v, [rt1, lt1])
                tsy = plsc.load_gather(ty_v, [rt1, lt1])
                tdx = plsc.load_gather(tx_v, [rt2, lt2])
                tdy = plsc.load_gather(ty_v, [rt2, lt2])
                vfs = plsc.load_gather(vf_v, [rt1, lt1])
                vfd = plsc.load_gather(vf_v, [rt2, lt2])
                gx = (psx - pdx) - (tsx - tdx)
                gy = (psy - pdy) - (tsy - tdy)
                tl1 = jnp.abs(gx) + jnp.abs(gy)
                flag = vfs * vfd
                acc_n = acc_n + tl1 * flag * sc
                acc_d = acc_d + flag
            return acc_n, acc_d

        num, den = lax.fori_loop(
            0, groups, group_body,
            (jnp.zeros((_LANES,), jnp.float32),
             jnp.zeros((_LANES,), jnp.float32)))

        part_v[pl.ds(0, _LANES)] = num
        part_v[pl.ds(_LANES, _LANES)] = den
        pltpu.sync_copy(part_v, out_hbm.at[wid])

    return limb_loss


def kernel(pred_joints, target_joints, target_areas, visible_flags,
           limbs_table, src_ids, tgt_ids):
    n_pred, n_joint, _ = pred_joints.shape
    n_tgt = target_joints.shape[0]
    n_limb = limbs_table.shape[0]
    n_match = src_ids.shape[0]

    pj = pred_joints.astype(jnp.float32)
    tj = target_joints.astype(jnp.float32)
    px = pj[:, :, 0].reshape(-1, _LANES)
    py = pj[:, :, 1].reshape(-1, _LANES)
    tx = tj[:, :, 0].reshape(-1, _LANES)
    ty = tj[:, :, 1].reshape(-1, _LANES)
    vfg = visible_flags.astype(jnp.float32).reshape(-1, _LANES)

    sj = limbs_table[:, 0].astype(jnp.int32)
    dj = limbs_table[:, 1].astype(jnp.int32)
    lc = jnp.stack([sj, dj], axis=1)
    lc = jnp.broadcast_to(lc[:, :, None], (n_limb, 2, _LANES))
    lc = lc.reshape(n_limb * 2 * _LANES)

    fn = _build(n_pred, n_tgt, n_joint, n_limb, n_match)
    part = fn(px, py, tx, ty, target_areas.astype(jnp.float32), vfg, lc,
              src_ids.astype(jnp.int32), tgt_ids.astype(jnp.int32))
    num = part[:, :_LANES].sum()
    den = part[:, _LANES:].sum()
    return (num / (den + _EPS)) * _WEIGHT

# --- scband reference (transcript-rebuilt; emitter-appended) ---
"""Pipeline reference for scband-limb-l1-loss-84250078478649 (READ-ONLY COPY).

The authoritative reference and input builder live on the scoring server;
editing this copy changes nothing except your own understanding.
"""

import jax, jax.numpy as jnp
import numpy as np

WEIGHT = 1.0
EPS = 1e-05

def setup_inputs(seed: int = 0) -> dict:
    key = jax.random.key(seed)
    k1, k2, k3, k4, k5, k6, k7 = jax.random.split(key, 7)
    pred_joints = jax.random.normal(k1, (20000, 17, 2), dtype=jnp.float32)
    target_joints = jax.random.normal(k2, (8192, 17, 2), dtype=jnp.float32)
    target_areas = jax.random.uniform(k3, (8192,), dtype=jnp.float32)
    visible_flags = jax.random.uniform(k4, (8192, 17), dtype=jnp.float32)
    limbs_table = jax.random.randint(k5, (19, 2), 0, 17, dtype=jnp.int64 if jax.config.jax_enable_x64 else jnp.int32)
    src_ids = jax.random.randint(k6, (8192,), 0, 20000, dtype=jnp.int64 if jax.config.jax_enable_x64 else jnp.int32)
    tgt_ids = jax.random.randint(k7, (8192,), 0, 8192, dtype=jnp.int64 if jax.config.jax_enable_x64 else jnp.int32)
    return {
        'pred_joints': pred_joints,
        'target_joints': target_joints,
        'target_areas': target_areas,
        'visible_flags': visible_flags,
        'limbs_table': limbs_table,
        'src_ids': src_ids,
        'tgt_ids': tgt_ids,
    }

def reference(pred_joints, target_joints, target_areas, visible_flags, limbs_table, src_ids, tgt_ids):
    # gather matched predictions / targets
    pj = jnp.take(pred_joints, src_ids, axis=0)           # [M, J, 2]
    tj = jnp.take(target_joints, tgt_ids, axis=0)         # [M, J, 2]
    ta = jnp.take(target_areas, tgt_ids, axis=0)          # [M]
    vf = jnp.take(visible_flags, tgt_ids, axis=0)         # [M, J]
    src_idx = limbs_table[:, 0]                            # [L]
    dst_idx = limbs_table[:, 1]                            # [L]
    pred_limbs = jnp.take(pj, src_idx, axis=1) - jnp.take(pj, dst_idx, axis=1)    # [M, L, 2]
    target_limbs = jnp.take(tj, src_idx, axis=1) - jnp.take(tj, dst_idx, axis=1)  # [M, L, 2]
    limb_flags = jnp.take(vf, src_idx, axis=1) * jnp.take(vf, dst_idx, axis=1)    # [M, L]
    loss = jnp.abs(pred_limbs - target_limbs).sum(axis=-1)                        # [M, L]
    loss = loss / (jnp.sqrt(ta)[:, None] + EPS)
    loss = (loss * limb_flags).sum() / (limb_flags.sum() + EPS)
    return loss * WEIGHT

if __name__ == "__main__":
    import jax
    _d = setup_inputs()
    print(jax.jit(kernel)(*tuple(_d.values())))

</pallas_src>

<mosaic_0001>
#map = affine_map<(d0, d1) -> (0, 0)>
#map1 = affine_map<(d0, d1) -> (0)>
module attributes {stable_mosaic.version = 14 : i64} {
  func.func @limb_loss(%arg0: i32, %arg1: i32, %arg2: memref<21250x16xf32, #tpu.memory_space<hbm>>, %arg3: memref<21250x16xf32, #tpu.memory_space<hbm>>, %arg4: memref<8704x16xf32, #tpu.memory_space<hbm>>, %arg5: memref<8704x16xf32, #tpu.memory_space<hbm>>, %arg6: memref<8192xf32, #tpu.memory_space<hbm>>, %arg7: memref<8704x16xf32, #tpu.memory_space<hbm>>, %arg8: memref<608xi32, #tpu.memory_space<hbm>>, %arg9: memref<8192xi32, #tpu.memory_space<hbm>>, %arg10: memref<8192xi32, #tpu.memory_space<hbm>>, %arg11: memref<32x32xf32, #tpu.memory_space<hbm>>, %arg12: memref<256xi32, #tpu.memory_space<vmem>>, %arg13: memref<256xi32, #tpu.memory_space<vmem>>, %arg14: memref<512xi32, #tpu.memory_space<vmem>>, %arg15: memref<512xi32, #tpu.memory_space<vmem>>, %arg16: memref<256xi32, #tpu.memory_space<vmem>>, %arg17: memref<256xi32, #tpu.memory_space<vmem>>, %arg18: memref<512x16xf32, #tpu.memory_space<vmem>>, %arg19: memref<512x16xf32, #tpu.memory_space<vmem>>, %arg20: memref<512x16xf32, #tpu.memory_space<vmem>>, %arg21: memref<512x16xf32, #tpu.memory_space<vmem>>, %arg22: memref<512x16xf32, #tpu.memory_space<vmem>>, %arg23: memref<256xf32, #tpu.memory_space<vmem>>, %arg24: memref<256xf32, #tpu.memory_space<vmem>>, %arg25: memref<608xi32, #tpu.memory_space<vmem>>, %arg26: memref<32xf32, #tpu.memory_space<vmem>>, %arg27: memref<!tpu.dma_semaphore, #tpu.memory_space<semaphore_mem>>, %arg28: memref<!tpu.dma_semaphore, #tpu.memory_space<semaphore_mem>>) attributes {dimension_semantics = [#tpu.dimension_semantics<core_parallel>, #tpu.dimension_semantics<subcore_parallel>], iteration_bounds = array<i64: 2, 16>, scalar_prefetch = 0 : i64, scratch_operands = 17 : i64, tpu.core_type = #tpu.core_type<sc_vector_subcore>, window_params = [{transform_indices = #map}, {transform_indices = #map}, {transform_indices = #map}, {transform_indices = #map}, {transform_indices = #map1}, {transform_indices = #map}, {transform_indices = #map1}, {transform_indices = #map1}, {transform_indices = #map1}, {transform_indices = #map}]} {
    %mul3A = arith.constant 2 : i32
    %mul3A_0 = arith.muli %arg1, %mul3A : i32
    %add3A = arith.addi %mul3A_0, %arg0 : i32
    %mul3A_1 = arith.constant 256 : i32
    %mul3A_2 = arith.muli %add3A, %mul3A_1 : i32
    "tpu.region"() ({
      %run_scoped3A = tpu.sem_alloc : memref<!tpu.dma_semaphore, #tpu.memory_space<semaphore_mem>>
      %dma_start3A_60 = tpu.memref_slice %arg9[%mul3A_2] : memref<8192xi32, #tpu.memory_space<hbm>> -> memref<256xi32, #tpu.memory_space<hbm>>
      %dma_start3A_61 = tpu.memref_slice %arg9[%mul3A_2] : memref<8192xi32, #tpu.memory_space<hbm>> -> memref<256xi32, #tpu.memory_space<hbm>>
      tpu.enqueue_dma source(%dma_start3A_61 : memref<256xi32, #tpu.memory_space<hbm>>) target(%arg12 : memref<256xi32, #tpu.memory_space<vmem>>) target_semaphore(%run_scoped3A : memref<!tpu.dma_semaphore, #tpu.memory_space<semaphore_mem>>)
      %dma_wait3A_62 = tpu.memref_slice %arg9[%mul3A_2] : memref<8192xi32, #tpu.memory_space<hbm>> -> memref<256xi32, #tpu.memory_space<hbm>>
      %dma_wait3A_63 = tpu.memref_slice %arg9[%mul3A_2] : memref<8192xi32, #tpu.memory_space<hbm>> -> memref<256xi32, #tpu.memory_space<hbm>>
      tpu.wait_dma2 semaphore(%run_scoped3A : memref<!tpu.dma_semaphore, #tpu.memory_space<semaphore_mem>>) src(%dma_wait3A_63 : memref<256xi32, #tpu.memory_space<hbm>>) dst(%arg12 : memref<256xi32, #tpu.memory_space<vmem>>)
      tpu.yield
    }) : () -> ()
    "tpu.region"() ({
      %run_scoped3A = tpu.sem_alloc : memref<!tpu.dma_semaphore, #tpu.memory_space<semaphore_mem>>
      %dma_start3A_60 = tpu.memref_slice %arg10[%mul3A_2] : memref<8192xi32, #tpu.memory_space<hbm>> -> memref<256xi32, #tpu.memory_space<hbm>>
      %dma_start3A_61 = tpu.memref_slice %arg10[%mul3A_2] : memref<8192xi32, #tpu.memory_space<hbm>> -> memref<256xi32, #tpu.memory_space<hbm>>
      tpu.enqueue_dma source(%dma_start3A_61 : memref<256xi32, #tpu.memory_space<hbm>>) target(%arg13 : memref<256xi32, #tpu.memory_space<vmem>>) target_semaphore(%run_scoped3A : memref<!tpu.dma_semaphore, #tpu.memory_space<semaphore_mem>>)
      %dma_wait3A_62 = tpu.memref_slice %arg10[%mul3A_2] : memref<8192xi32, #tpu.memory_space<hbm>> -> memref<256xi32, #tpu.memory_space<hbm>>
      %dma_wait3A_63 = tpu.memref_slice %arg10[%mul3A_2] : memref<8192xi32, #tpu.memory_space<hbm>> -> memref<256xi32, #tpu.memory_space<hbm>>
      tpu.wait_dma2 semaphore(%run_scoped3A : memref<!tpu.dma_semaphore, #tpu.memory_space<semaphore_mem>>) src(%dma_wait3A_63 : memref<256xi32, #tpu.memory_space<hbm>>) dst(%arg13 : memref<256xi32, #tpu.memory_space<vmem>>)
      tpu.yield
    }) : () -> ()
    %dma_start3A = arith.constant 0 : i32
    %dma_start3A_3 = tpu.memref_slice %arg6[%dma_start3A] : memref<8192xf32, #tpu.memory_space<hbm>> -> memref<8192xf32, #tpu.memory_space<hbm>>
    tpu.enqueue_indirect_dma source(%dma_start3A_3 : memref<8192xf32, #tpu.memory_space<hbm>>) target(%arg23 : memref<256xf32, #tpu.memory_space<vmem>>) offsets(%arg13 : memref<256xi32, #tpu.memory_space<vmem>>) semaphore(%arg27 : memref<!tpu.dma_semaphore, #tpu.memory_space<semaphore_mem>>)
    "tpu.region"() ({
      %run_scoped3A = tpu.sem_alloc : memref<!tpu.dma_semaphore, #tpu.memory_space<semaphore_mem>>
      tpu.enqueue_dma source(%arg8 : memref<608xi32, #tpu.memory_space<hbm>>) target(%arg25 : memref<608xi32, #tpu.memory_space<vmem>>) target_semaphore(%run_scoped3A : memref<!tpu.dma_semaphore, #tpu.memory_space<semaphore_mem>>)
      tpu.wait_dma2 semaphore(%run_scoped3A : memref<!tpu.dma_semaphore, #tpu.memory_space<semaphore_mem>>) src(%arg8 : memref<608xi32, #tpu.memory_space<hbm>>) dst(%arg25 : memref<608xi32, #tpu.memory_space<vmem>>)
      tpu.yield
    }) : () -> ()
    %iota3A = tpu.iota {dimensions = array<i32: 0>} : vector<16xi32>
    %scan3A = arith.constant 0 : i32
    %scan3A_4 = arith.constant 0 : i32
    %scan3A_5 = arith.constant 16 : i32
    %scan3A_6 = arith.addi %scan3A_4, %scan3A_5 : i32
    %scan3A_7 = arith.constant 1 : i32
    %scan3A_8 = scf.for %scan3A_60 = %scan3A_4 to %scan3A_6 step %scan3A_7 iter_args(%scan3A_61 = %scan3A) -> (i32)  : i32 {
      %mul3A_62 = arith.constant 16 : i32
      %mul3A_63 = arith.muli %scan3A_60, %mul3A_62 : i32
      %add3A_64 = vector.broadcast %mul3A_63 : i32 to vector<16xi32>
      %add3A_65 = arith.addi %add3A_64, %iota3A : vector<16xi32>
      %mul3A_66 = arith.constant 2 : i32
      %mul3A_67 = vector.broadcast %mul3A_66 : i32 to vector<16xi32>
      %mul3A_68 = arith.muli %mul3A_67, %add3A_65 : vector<16xi32>
      %mul3A_69 = arith.constant 16 : i32
      %mul3A_70 = arith.muli %scan3A_60, %mul3A_69 : i32
      %get3A = arith.index_cast %mul3A_70 : i32 to index
      %get3A_71 = tpu.vector_load %arg12[%get3A] {strides = array<i32>} : memref<256xi32, #tpu.memory_space<vmem>>, vector<16xi32>,
      %mul3A_72 = arith.constant 17 : i32
      %mul3A_73 = vector.broadcast %mul3A_72 : i32 to vector<16xi32>
      %mul3A_74 = arith.muli %mul3A_73, %get3A_71 : vector<16xi32>
      %shift_right_arithmetic3A = arith.constant 4 : i32
      %shift_right_arithmetic3A_75 = vector.broadcast %shift_right_arithmetic3A : i32 to vector<16xi32>
      %shift_right_arithmetic3A_76 = arith.shrsi %mul3A_74, %shift_right_arithmetic3A_75 : vector<16xi32>
      tpu.vector_store_idx %arg14[%mul3A_68], %shift_right_arithmetic3A_76 : memref<512xi32, #tpu.memory_space<vmem>>[vector<16xi32>], vector<16xi32>,
      %add3A_77 = arith.constant 1 : i32
      %add3A_78 = vector.broadcast %add3A_77 : i32 to vector<16xi32>
      %add3A_79 = arith.addi %mul3A_68, %add3A_78 : vector<16xi32>
      %add3A_80 = arith.constant 1 : i32
      %add3A_81 = vector.broadcast %add3A_80 : i32 to vector<16xi32>
      %add3A_82 = arith.addi %shift_right_arithmetic3A_76, %add3A_81 : vector<16xi32>
      tpu.vector_store_idx %arg14[%add3A_79], %add3A_82 : memref<512xi32, #tpu.memory_space<vmem>>[vector<16xi32>], vector<16xi32>,
      %and3A = arith.constant 15 : i32
      %and3A_83 = vector.broadcast %and3A : i32 to vector<16xi32>
      %and3A_84 = arith.andi %get3A_71, %and3A_83 : vector<16xi32>
      %mul3A_85 = arith.constant 16 : i32
      %mul3A_86 = arith.muli %scan3A_60, %mul3A_85 : i32
      %swap3A_87 = arith.index_cast %mul3A_86 : i32 to index
      %swap3A_88 = tpu.vector_load %arg16[%swap3A_87] {strides = array<i32>} : memref<256xi32, #tpu.memory_space<vmem>>, vector<16xi32>,
      tpu.vector_store %arg16[%swap3A_87], %and3A_84 {strides = array<i32>} : memref<256xi32, #tpu.memory_space<vmem>>, vector<16xi32>,
      %mul3A_89 = arith.constant 16 : i32
      %mul3A_90 = arith.muli %scan3A_60, %mul3A_89 : i32
      %get3A_91 = arith.index_cast %mul3A_90 : i32 to index
      %get3A_92 = tpu.vector_load %arg13[%get3A_91] {strides = array<i32>} : memref<256xi32, #tpu.memory_space<vmem>>, vector<16xi32>,
      %mul3A_93 = arith.constant 17 : i32
      %mul3A_94 = vector.broadcast %mul3A_93 : i32 to vector<16xi32>
      %mul3A_95 = arith.muli %mul3A_94, %get3A_92 : vector<16xi32>
      %shift_right_arithmetic3A_96 = arith.constant 4 : i32
      %shift_right_arithmetic3A_97 = vector.broadcast %shift_right_arithmetic3A_96 : i32 to vector<16xi32>
      %shift_right_arithmetic3A_98 = arith.shrsi %mul3A_95, %shift_right_arithmetic3A_97 : vector<16xi32>
      tpu.vector_store_idx %arg15[%mul3A_68], %shift_right_arithmetic3A_98 : memref<512xi32, #tpu.memory_space<vmem>>[vector<16xi32>], vector<16xi32>,
      %add3A_99 = arith.constant 1 : i32
      %add3A_100 = vector.broadcast %add3A_99 : i32 to vector<16xi32>
      %add3A_101 = arith.addi %mul3A_68, %add3A_100 : vector<16xi32>
      %add3A_102 = arith.constant 1 : i32
      %add3A_103 = vector.broadcast %add3A_102 : i32 to vector<16xi32>
      %add3A_104 = arith.addi %shift_right_arithmetic3A_98, %add3A_103 : vector<16xi32>
      tpu.vector_store_idx %arg15[%add3A_101], %add3A_104 : memref<512xi32, #tpu.memory_space<vmem>>[vector<16xi32>], vector<16xi32>,
      %and3A_105 = arith.constant 15 : i32
      %and3A_106 = vector.broadcast %and3A_105 : i32 to vector<16xi32>
      %and3A_107 = arith.andi %get3A_92, %and3A_106 : vector<16xi32>
      %mul3A_108 = arith.constant 16 : i32
      %mul3A_109 = arith.muli %scan3A_60, %mul3A_108 : i32
      %swap3A_110 = arith.index_cast %mul3A_109 : i32 to index
      %swap3A_111 = tpu.vector_load %arg17[%swap3A_110] {strides = array<i32>} : memref<256xi32, #tpu.memory_space<vmem>>, vector<16xi32>,
      tpu.vector_store %arg17[%swap3A_110], %and3A_107 {strides = array<i32>} : memref<256xi32, #tpu.memory_space<vmem>>, vector<16xi32>,
      %scan3A_112 = arith.constant 0 : i32
      scf.yield %scan3A_112 : i32
    }
    %scan3A_9 = arith.constant 16 : i32
    %dma_start3A_10 = arith.constant 0 : i32
    %dma_start3A_11 = arith.constant 0 : i32
    %dma_start3A_12 = tpu.memref_slice %arg2[%dma_start3A_10, %dma_start3A_11] : memref<21250x16xf32, #tpu.memory_space<hbm>> -> memref<21250x16xf32, #tpu.memory_space<hbm>>
    tpu.enqueue_indirect_dma source(%dma_start3A_12 : memref<21250x16xf32, #tpu.memory_space<hbm>>) target(%arg18 : memref<512x16xf32, #tpu.memory_space<vmem>>) offsets(%arg14 : memref<512xi32, #tpu.memory_space<vmem>>) semaphore(%arg28 : memref<!tpu.dma_semaphore, #tpu.memory_space<semaphore_mem>>)
    %dma_start3A_13 = arith.constant 0 : i32
    %dma_start3A_14 = arith.constant 0 : i32
    %dma_start3A_15 = tpu.memref_slice %arg3[%dma_start3A_13, %dma_start3A_14] : memref<21250x16xf32, #tpu.memory_space<hbm>> -> memref<21250x16xf32, #tpu.memory_space<hbm>>
    tpu.enqueue_indirect_dma source(%dma_start3A_15 : memref<21250x16xf32, #tpu.memory_space<hbm>>) target(%arg19 : memref<512x16xf32, #tpu.memory_space<vmem>>) offsets(%arg14 : memref<512xi32, #tpu.memory_space<vmem>>) semaphore(%arg28 : memref<!tpu.dma_semaphore, #tpu.memory_space<semaphore_mem>>)
    %dma_start3A_16 = arith.constant 0 : i32
    %dma_start3A_17 = arith.constant 0 : i32
    %dma_start3A_18 = tpu.memref_slice %arg4[%dma_start3A_16, %dma_start3A_17] : memref<8704x16xf32, #tpu.memory_space<hbm>> -> memref<8704x16xf32, #tpu.memory_space<hbm>>
    tpu.enqueue_indirect_dma source(%dma_start3A_18 : memref<8704x16xf32, #tpu.memory_space<hbm>>) target(%arg20 : memref<512x16xf32, #tpu.memory_space<vmem>>) offsets(%arg15 : memref<512xi32, #tpu.memory_space<vmem>>) semaphore(%arg28 : memref<!tpu.dma_semaphore, #tpu.memory_space<semaphore_mem>>)
    %dma_start3A_19 = arith.constant 0 : i32
    %dma_start3A_20 = arith.constant 0 : i32
    %dma_start3A_21 = tpu.memref_slice %arg5[%dma_start3A_19, %dma_start3A_20] : memref<8704x16xf32, #tpu.memory_space<hbm>> -> memref<8704x16xf32, #tpu.memory_space<hbm>>
    tpu.enqueue_indirect_dma source(%dma_start3A_21 : memref<8704x16xf32, #tpu.memory_space<hbm>>) target(%arg21 : memref<512x16xf32, #tpu.memory_space<vmem>>) offsets(%arg15 : memref<512xi32, #tpu.memory_space<vmem>>) semaphore(%arg28 : memref<!tpu.dma_semaphore, #tpu.memory_space<semaphore_mem>>)
    %dma_start3A_22 = arith.constant 0 : i32
    %dma_start3A_23 = arith.constant 0 : i32
    %dma_start3A_24 = tpu.memref_slice %arg7[%dma_start3A_22, %dma_start3A_23] : memref<8704x16xf32, #tpu.memory_space<hbm>> -> memref<8704x16xf32, #tpu.memory_space<hbm>>
    tpu.enqueue_indirect_dma source(%dma_start3A_24 : memref<8704x16xf32, #tpu.memory_space<hbm>>) target(%arg22 : memref<512x16xf32, #tpu.memory_space<vmem>>) offsets(%arg15 : memref<512xi32, #tpu.memory_space<vmem>>) semaphore(%arg28 : memref<!tpu.dma_semaphore, #tpu.memory_space<semaphore_mem>>)
    %dma_wait3A = arith.constant 0 : i32
    %dma_wait3A_25 = tpu.memref_slice %arg6[%dma_wait3A] : memref<8192xf32, #tpu.memory_space<hbm>> -> memref<8192xf32, #tpu.memory_space<hbm>>
    tpu.wait_indirect_dma semaphore(%arg27 : memref<!tpu.dma_semaphore, #tpu.memory_space<semaphore_mem>>) src(%dma_wait3A_25 : memref<8192xf32, #tpu.memory_space<hbm>>) dst(%arg23 : memref<256xf32, #tpu.memory_space<vmem>>)
    %scan3A_26 = arith.constant 0 : i32
    %scan3A_27 = arith.constant 0 : i32
    %scan3A_28 = arith.constant 16 : i32
    %scan3A_29 = arith.addi %scan3A_27, %scan3A_28 : i32
    %scan3A_30 = arith.constant 1 : i32
    %scan3A_31 = scf.for %scan3A_60 = %scan3A_27 to %scan3A_29 step %scan3A_30 iter_args(%scan3A_61 = %scan3A_26) -> (i32)  : i32 {
      %mul3A_62 = arith.constant 16 : i32
      %mul3A_63 = arith.muli %scan3A_60, %mul3A_62 : i32
      %get3A = arith.index_cast %mul3A_63 : i32 to index
      %get3A_64 = tpu.vector_load %arg23[%get3A] {strides = array<i32>} : memref<256xf32, #tpu.memory_space<vmem>>, vector<16xf32>,
      %bitcast_convert_type3A = tpu.bitcast %get3A_64 : vector<16xf32> -> vector<16xi32>
      %shift_right_arithmetic3A = arith.constant 1 : i32
      %shift_right_arithmetic3A_65 = vector.broadcast %shift_right_arithmetic3A : i32 to vector<16xi32>
      %shift_right_arithmetic3A_66 = arith.shrsi %bitcast_convert_type3A, %shift_right_arithmetic3A_65 : vector<16xi32>
      %sub3A = arith.constant 1597463007 : i32
      %sub3A_67 = vector.broadcast %sub3A : i32 to vector<16xi32>
      %sub3A_68 = arith.subi %sub3A_67, %shift_right_arithmetic3A_66 : vector<16xi32>
      %bitcast_convert_type3A_69 = tpu.bitcast %sub3A_68 : vector<16xi32> -> vector<16xf32>
      %mul3A_70 = arith.constant 5.000000e-01 : f32
      %mul3A_71 = vector.broadcast %mul3A_70 : f32 to vector<16xf32>
      %mul3A_72 = arith.mulf %mul3A_71, %get3A_64 : vector<16xf32>
      %mul3A_73 = arith.mulf %mul3A_72, %bitcast_convert_type3A_69 : vector<16xf32>
      %mul3A_74 = arith.mulf %mul3A_73, %bitcast_convert_type3A_69 : vector<16xf32>
      %sub3A_75 = arith.constant 1.500000e+00 : f32
      %sub3A_76 = vector.broadcast %sub3A_75 : f32 to vector<16xf32>
      %sub3A_77 = arith.subf %sub3A_76, %mul3A_74 : vector<16xf32>
      %mul3A_78 = arith.mulf %bitcast_convert_type3A_69, %sub3A_77 : vector<16xf32>
      %mul3A_79 = arith.mulf %mul3A_72, %mul3A_78 : vector<16xf32>
      %mul3A_80 = arith.mulf %mul3A_79, %mul3A_78 : vector<16xf32>
      %sub3A_81 = arith.constant 1.500000e+00 : f32
      %sub3A_82 = vector.broadcast %sub3A_81 : f32 to vector<16xf32>
      %sub3A_83 = arith.subf %sub3A_82, %mul3A_80 : vector<16xf32>
      %mul3A_84 = arith.mulf %mul3A_78, %sub3A_83 : vector<16xf32>
      %mul3A_85 = arith.mulf %mul3A_72, %mul3A_84 : vector<16xf32>
      %mul3A_86 = arith.mulf %mul3A_85, %mul3A_84 : vector<16xf32>
      %sub3A_87 = arith.constant 1.500000e+00 : f32
      %sub3A_88 = vector.broadcast %sub3A_87 : f32 to vector<16xf32>
      %sub3A_89 = arith.subf %sub3A_88, %mul3A_86 : vector<16xf32>
      %mul3A_90 = arith.mulf %mul3A_84, %sub3A_89 : vector<16xf32>
      %mul3A_91 = arith.mulf %get3A_64, %mul3A_90 : vector<16xf32>
      %add3A_92 = arith.constant 9.99999974E-6 : f32
      %add3A_93 = vector.broadcast %add3A_92 : f32 to vector<16xf32>
      %add3A_94 = arith.addf %mul3A_91, %add3A_93 : vector<16xf32>
      %div3A = arith.constant 1.000000e+00 : f32
      %div3A_95 = vector.broadcast %div3A : f32 to vector<16xf32>
      %div3A_96 = arith.divf %div3A_95, %add3A_94 : vector<16xf32>
      %mul3A_97 = arith.constant 16 : i32
      %mul3A_98 = arith.muli %scan3A_60, %mul3A_97 : i32
      %swap3A_99 = arith.index_cast %mul3A_98 : i32 to index
      %swap3A_100 = tpu.vector_load %arg24[%swap3A_99] {strides = array<i32>} : memref<256xf32, #tpu.memory_space<vmem>>, vector<16xf32>,
      tpu.vector_store %arg24[%swap3A_99], %div3A_96 {strides = array<i32>} : memref<256xf32, #tpu.memory_space<vmem>>, vector<16xf32>,
      %scan3A_101 = arith.constant 0 : i32
      scf.yield %scan3A_101 : i32
    }
    %scan3A_32 = arith.constant 16 : i32
    %dma_wait3A_33 = arith.constant 0 : i32
    %dma_wait3A_34 = arith.constant 0 : i32
    %dma_wait3A_35 = tpu.memref_slice %arg2[%dma_wait3A_33, %dma_wait3A_34] : memref<21250x16xf32, #tpu.memory_space<hbm>> -> memref<21250x16xf32, #tpu.memory_space<hbm>>
    tpu.wait_indirect_dma semaphore(%arg28 : memref<!tpu.dma_semaphore, #tpu.memory_space<semaphore_mem>>) src(%dma_wait3A_35 : memref<21250x16xf32, #tpu.memory_space<hbm>>) dst(%arg18 : memref<512x16xf32, #tpu.memory_space<vmem>>)
    %dma_wait3A_36 = arith.constant 0 : i32
    %dma_wait3A_37 = arith.constant 0 : i32
    %dma_wait3A_38 = tpu.memref_slice %arg3[%dma_wait3A_36, %dma_wait3A_37] : memref<21250x16xf32, #tpu.memory_space<hbm>> -> memref<21250x16xf32, #tpu.memory_space<hbm>>
    tpu.wait_indirect_dma semaphore(%arg28 : memref<!tpu.dma_semaphore, #tpu.memory_space<semaphore_mem>>) src(%dma_wait3A_38 : memref<21250x16xf32, #tpu.memory_space<hbm>>) dst(%arg19 : memref<512x16xf32, #tpu.memory_space<vmem>>)
    %dma_wait3A_39 = arith.constant 0 : i32
    %dma_wait3A_40 = arith.constant 0 : i32
    %dma_wait3A_41 = tpu.memref_slice %arg4[%dma_wait3A_39, %dma_wait3A_40] : memref<8704x16xf32, #tpu.memory_space<hbm>> -> memref<8704x16xf32, #tpu.memory_space<hbm>>
    tpu.wait_indirect_dma semaphore(%arg28 : memref<!tpu.dma_semaphore, #tpu.memory_space<semaphore_mem>>) src(%dma_wait3A_41 : memref<8704x16xf32, #tpu.memory_space<hbm>>) dst(%arg20 : memref<512x16xf32, #tpu.memory_space<vmem>>)
    %dma_wait3A_42 = arith.constant 0 : i32
    %dma_wait3A_43 = arith.constant 0 : i32
    %dma_wait3A_44 = tpu.memref_slice %arg5[%dma_wait3A_42, %dma_wait3A_43] : memref<8704x16xf32, #tpu.memory_space<hbm>> -> memref<8704x16xf32, #tpu.memory_space<hbm>>
    tpu.wait_indirect_dma semaphore(%arg28 : memref<!tpu.dma_semaphore, #tpu.memory_space<semaphore_mem>>) src(%dma_wait3A_44 : memref<8704x16xf32, #tpu.memory_space<hbm>>) dst(%arg21 : memref<512x16xf32, #tpu.memory_space<vmem>>)
    %dma_wait3A_45 = arith.constant 0 : i32
    %dma_wait3A_46 = arith.constant 0 : i32
    %dma_wait3A_47 = tpu.memref_slice %arg7[%dma_wait3A_45, %dma_wait3A_46] : memref<8704x16xf32, #tpu.memory_space<hbm>> -> memref<8704x16xf32, #tpu.memory_space<hbm>>
    tpu.wait_indirect_dma semaphore(%arg28 : memref<!tpu.dma_semaphore, #tpu.memory_space<semaphore_mem>>) src(%dma_wait3A_47 : memref<8704x16xf32, #tpu.memory_space<hbm>>) dst(%arg22 : memref<512x16xf32, #tpu.memory_space<vmem>>)
    %broadcast_in_dim3A = arith.constant 0.000000e+00 : f32
    %broadcast_in_dim3A_48 = vector.broadcast %broadcast_in_dim3A : f32 to vector<16xf32>
    %broadcast_in_dim3A_49 = arith.constant 0.000000e+00 : f32
    %broadcast_in_dim3A_50 = vector.broadcast %broadcast_in_dim3A_49 : f32 to vector<16xf32>
    %scan3A_51 = arith.constant 0 : i32
    %scan3A_52 = arith.constant 16 : i32
    %scan3A_53 = arith.addi %scan3A_51, %scan3A_52 : i32
    %scan3A_54 = arith.constant 1 : i32
    %scan3A_55:2 = scf.for %scan3A_60 = %scan3A_51 to %scan3A_53 step %scan3A_54 iter_args(%scan3A_61 = %broadcast_in_dim3A_48, %scan3A_62 = %broadcast_in_dim3A_50) -> (vector<16xf32>, vector<16xf32>)  : i32 {
      %mul3A_63 = arith.constant 16 : i32
      %mul3A_64 = arith.muli %scan3A_60, %mul3A_63 : i32
      %add3A_65 = vector.broadcast %mul3A_64 : i32 to vector<16xi32>
      %add3A_66 = arith.addi %add3A_65, %iota3A : vector<16xi32>
      %shift_left3A = arith.constant 5 : i32
      %shift_left3A_67 = vector.broadcast %shift_left3A : i32 to vector<16xi32>
      %shift_left3A_68 = arith.shli %add3A_66, %shift_left3A_67 : vector<16xi32>
      %get3A = arith.index_cast %mul3A_64 : i32 to index
      %get3A_69 = tpu.vector_load %arg16[%get3A] {strides = array<i32>} : memref<256xi32, #tpu.memory_space<vmem>>, vector<16xi32>,
      %add3A_70 = arith.addi %shift_left3A_68, %get3A_69 : vector<16xi32>
      %get3A_71 = arith.index_cast %mul3A_64 : i32 to index
      %get3A_72 = tpu.vector_load %arg17[%get3A_71] {strides = array<i32>} : memref<256xi32, #tpu.memory_space<vmem>>, vector<16xi32>,
      %add3A_73 = arith.addi %shift_left3A_68, %get3A_72 : vector<16xi32>
      %get3A_74 = arith.index_cast %mul3A_64 : i32 to index
      %get3A_75 = tpu.vector_load %arg24[%get3A_74] {strides = array<i32>} : memref<256xf32, #tpu.memory_space<vmem>>, vector<16xf32>,
      %get3A_76 = arith.constant 0 : index
      %get3A_77 = tpu.vector_load %arg25[%get3A_76] {strides = array<i32>} : memref<608xi32, #tpu.memory_space<vmem>>, vector<16xi32>,
      %get3A_78 = arith.constant 16 : index
      %get3A_79 = tpu.vector_load %arg25[%get3A_78] {strides = array<i32>} : memref<608xi32, #tpu.memory_space<vmem>>, vector<16xi32>,
      %add3A_80 = arith.addi %add3A_70, %get3A_77 : vector<16xi32>
      %add3A_81 = arith.addi %add3A_70, %get3A_79 : vector<16xi32>
      %add3A_82 = arith.addi %add3A_73, %get3A_77 : vector<16xi32>
      %add3A_83 = arith.addi %add3A_73, %get3A_79 : vector<16xi32>
      %shift_right_arithmetic3A = arith.constant 4 : i32
      %shift_right_arithmetic3A_84 = vector.broadcast %shift_right_arithmetic3A : i32 to vector<16xi32>
      %shift_right_arithmetic3A_85 = arith.shrsi %add3A_80, %shift_right_arithmetic3A_84 : vector<16xi32>
      %and3A = arith.constant 15 : i32
      %and3A_86 = vector.broadcast %and3A : i32 to vector<16xi32>
      %and3A_87 = arith.andi %add3A_80, %and3A_86 : vector<16xi32>
      %shift_right_arithmetic3A_88 = arith.constant 4 : i32
      %shift_right_arithmetic3A_89 = vector.broadcast %shift_right_arithmetic3A_88 : i32 to vector<16xi32>
      %shift_right_arithmetic3A_90 = arith.shrsi %add3A_81, %shift_right_arithmetic3A_89 : vector<16xi32>
      %and3A_91 = arith.constant 15 : i32
      %and3A_92 = vector.broadcast %and3A_91 : i32 to vector<16xi32>
      %and3A_93 = arith.andi %add3A_81, %and3A_92 : vector<16xi32>
      %shift_right_arithmetic3A_94 = arith.constant 4 : i32
      %shift_right_arithmetic3A_95 = vector.broadcast %shift_right_arithmetic3A_94 : i32 to vector<16xi32>
      %shift_right_arithmetic3A_96 = arith.shrsi %add3A_82, %shift_right_arithmetic3A_95 : vector<16xi32>
      %and3A_97 = arith.constant 15 : i32
      %and3A_98 = vector.broadcast %and3A_97 : i32 to vector<16xi32>
      %and3A_99 = arith.andi %add3A_82, %and3A_98 : vector<16xi32>
      %shift_right_arithmetic3A_100 = arith.constant 4 : i32
      %shift_right_arithmetic3A_101 = vector.broadcast %shift_right_arithmetic3A_100 : i32 to vector<16xi32>
      %shift_right_arithmetic3A_102 = arith.shrsi %add3A_83, %shift_right_arithmetic3A_101 : vector<16xi32>
      %and3A_103 = arith.constant 15 : i32
      %and3A_104 = vector.broadcast %and3A_103 : i32 to vector<16xi32>
      %and3A_105 = arith.andi %add3A_83, %and3A_104 : vector<16xi32>
      %gather3A = tpu.vector_load_idx %arg18[%shift_right_arithmetic3A_85, %and3A_87] : memref<512x16xf32, #tpu.memory_space<vmem>>[vector<16xi32>, vector<16xi32>], vector<16xf32>,
      %gather3A_106 = tpu.vector_load_idx %arg19[%shift_right_arithmetic3A_85, %and3A_87] : memref<512x16xf32, #tpu.memory_space<vmem>>[vector<16xi32>, vector<16xi32>], vector<16xf32>,
      %gather3A_107 = tpu.vector_load_idx %arg18[%shift_right_arithmetic3A_90, %and3A_93] : memref<512x16xf32, #tpu.memory_space<vmem>>[vector<16xi32>, vector<16xi32>], vector<16xf32>,
      %gather3A_108 = tpu.vector_load_idx %arg19[%shift_right_arithmetic3A_90, %and3A_93] : memref<512x16xf32, #tpu.memory_space<vmem>>[vector<16xi32>, vector<16xi32>], vector<16xf32>,
      %gather3A_109 = tpu.vector_load_idx %arg20[%shift_right_arithmetic3A_96, %and3A_99] : memref<512x16xf32, #tpu.memory_space<vmem>>[vector<16xi32>, vector<16xi32>], vector<16xf32>,
      %gather3A_110 = tpu.vector_load_idx %arg21[%shift_right_arithmetic3A_96, %and3A_99] : memref<512x16xf32, #tpu.memory_space<vmem>>[vector<16xi32>, vector<16xi32>], vector<16xf32>,
      %gather3A_111 = tpu.vector_load_idx %arg20[%shift_right_arithmetic3A_102, %and3A_105] : memref<512x16xf32, #tpu.memory_space<vmem>>[vector<16xi32>, vector<16xi32>], vector<16xf32>,
      %gather3A_112 = tpu.vector_load_idx %arg21[%shift_right_arithmetic3A_102, %and3A_105] : memref<512x16xf32, #tpu.memory_space<vmem>>[vector<16xi32>, vector<16xi32>], vector<16xf32>,
      %gather3A_113 = tpu.vector_load_idx %arg22[%shift_right_arithmetic3A_96, %and3A_99] : memref<512x16xf32, #tpu.memory_space<vmem>>[vector<16xi32>, vector<16xi32>], vector<16xf32>,
      %gather3A_114 = tpu.vector_load_idx %arg22[%shift_right_arithmetic3A_102, %and3A_105] : memref<512x16xf32, #tpu.memory_space<vmem>>[vector<16xi32>, vector<16xi32>], vector<16xf32>,
      %sub3A = arith.subf %gather3A, %gather3A_107 : vector<16xf32>
      %sub3A_115 = arith.subf %gather3A_109, %gather3A_111 : vector<16xf32>
      %sub3A_116 = arith.subf %sub3A, %sub3A_115 : vector<16xf32>
      %sub3A_117 = arith.subf %gather3A_106, %gather3A_108 : vector<16xf32>
      %sub3A_118 = arith.subf %gather3A_110, %gather3A_112 : vector<16xf32>
      %sub3A_119 = arith.subf %sub3A_117, %sub3A_118 : vector<16xf32>
      %abs3A = math.absf %sub3A_116 : vector<16xf32>
      %abs3A_120 = math.absf %sub3A_119 : vector<16xf32>
      %add3A_121 = arith.addf %abs3A, %abs3A_120 : vector<16xf32>
      %mul3A_122 = arith.mulf %gather3A_113, %gather3A_114 : vector<16xf32>
      %mul3A_123 = arith.mulf %add3A_121, %mul3A_122 : vector<16xf32>
      %mul3A_124 = arith.mulf %mul3A_123, %get3A_75 : vector<16xf32>
      %add3A_125 = arith.addf %scan3A_61, %mul3A_124 : vector<16xf32>
      %add3A_126 = arith.addf %scan3A_62, %mul3A_122 : vector<16xf32>
      %get3A_127 = arith.constant 32 : index
      %get3A_128 = tpu.vector_load %arg25[%get3A_127] {strides = array<i32>} : memref<608xi32, #tpu.memory_space<vmem>>, vector<16xi32>,
      %get3A_129 = arith.constant 48 : index
      %get3A_130 = tpu.vector_load %arg25[%get3A_129] {strides = array<i32>} : memref<608xi32, #tpu.memory_space<vmem>>, vector<16xi32>,
      %add3A_131 = arith.addi %add3A_70, %get3A_128 : vector<16xi32>
      %add3A_132 = arith.addi %add3A_70, %get3A_130 : vector<16xi32>
      %add3A_133 = arith.addi %add3A_73, %get3A_128 : vector<16xi32>
      %add3A_134 = arith.addi %add3A_73, %get3A_130 : vector<16xi32>
      %shift_right_arithmetic3A_135 = arith.constant 4 : i32
      %shift_right_arithmetic3A_136 = vector.broadcast %shift_right_arithmetic3A_135 : i32 to vector<16xi32>
      %shift_right_arithmetic3A_137 = arith.shrsi %add3A_131, %shift_right_arithmetic3A_136 : vector<16xi32>
      %and3A_138 = arith.constant 15 : i32
      %and3A_139 = vector.broadcast %and3A_138 : i32 to vector<16xi32>
      %and3A_140 = arith.andi %add3A_131, %and3A_139 : vector<16xi32>
      %shift_right_arithmetic3A_141 = arith.constant 4 : i32
      %shift_right_arithmetic3A_142 = vector.broadcast %shift_right_arithmetic3A_141 : i32 to vector<16xi32>
      %shift_right_arithmetic3A_143 = arith.shrsi %add3A_132, %shift_right_arithmetic3A_142 : vector<16xi32>
      %and3A_144 = arith.constant 15 : i32
      %and3A_145 = vector.broadcast %and3A_144 : i32 to vector<16xi32>
      %and3A_146 = arith.andi %add3A_132, %and3A_145 : vector<16xi32>
      %shift_right_arithmetic3A_147 = arith.constant 4 : i32
      %shift_right_arithmetic3A_148 = vector.broadcast %shift_right_arithmetic3A_147 : i32 to vector<16xi32>
      %shift_right_arithmetic3A_149 = arith.shrsi %add3A_133, %shift_right_arithmetic3A_148 : vector<16xi32>
      %and3A_150 = arith.constant 15 : i32
      %and3A_151 = vector.broadcast %and3A_150 : i32 to vector<16xi32>
      %and3A_152 = arith.andi %add3A_133, %and3A_151 : vector<16xi32>
      %shift_right_arithmetic3A_153 = arith.constant 4 : i32
      %shift_right_arithmetic3A_154 = vector.broadcast %shift_right_arithmetic3A_153 : i32 to vector<16xi32>
      %shift_right_arithmetic3A_155 = arith.shrsi %add3A_134, %shift_right_arithmetic3A_154 : vector<16xi32>
      %and3A_156 = arith.constant 15 : i32
      %and3A_157 = vector.broadcast %and3A_156 : i32 to vector<16xi32>
      %and3A_158 = arith.andi %add3A_134, %and3A_157 : vector<16xi32>
      %gather3A_159 = tpu.vector_load_idx %arg18[%shift_right_arithmetic3A_137, %and3A_140] : memref<512x16xf32, #tpu.memory_space<vmem>>[vector<16xi32>, vector<16xi32>], vector<16xf32>,
      %gather3A_160 = tpu.vector_load_idx %arg19[%shift_right_arithmetic3A_137, %and3A_140] : memref<512x16xf32, #tpu.memory_space<vmem>>[vector<16xi32>, vector<16xi32>], vector<16xf32>,
      %gather3A_161 = tpu.vector_load_idx %arg18[%shift_right_arithmetic3A_143, %and3A_146] : memref<512x16xf32, #tpu.memory_space<vmem>>[vector<16xi32>, vector<16xi32>], vector<16xf32>,
      %gather3A_162 = tpu.vector_load_idx %arg19[%shift_right_arithmetic3A_143, %and3A_146] : memref<512x16xf32, #tpu.memory_space<vmem>>[vector<16xi32>, vector<16xi32>], vector<16xf32>,
      %gather3A_163 = tpu.vector_load_idx %arg20[%shift_right_arithmetic3A_149, %and3A_152] : memref<512x16xf32, #tpu.memory_space<vmem>>[vector<16xi32>, vector<16xi32>], vector<16xf32>,
      %gather3A_164 = tpu.vector_load_idx %arg21[%shift_right_arithmetic3A_149, %and3A_152] : memref<512x16xf32, #tpu.memory_space<vmem>>[vector<16xi32>, vector<16xi32>], vector<16xf32>,
      %gather3A_165 = tpu.vector_load_idx %arg20[%shift_right_arithmetic3A_155, %and3A_158] : memref<512x16xf32, #tpu.memory_space<vmem>>[vector<16xi32>, vector<16xi32>], vector<16xf32>,
      %gather3A_166 = tpu.vector_load_idx %arg21[%shift_right_arithmetic3A_155, %and3A_158] : memref<512x16xf32, #tpu.memory_space<vmem>>[vector<16xi32>, vector<16xi32>], vector<16xf32>,
      %gather3A_167 = tpu.vector_load_idx %arg22[%shift_right_arithmetic3A_149, %and3A_152] : memref<512x16xf32, #tpu.memory_space<vmem>>[vector<16xi32>, vector<16xi32>], vector<16xf32>,
      %gather3A_168 = tpu.vector_load_idx %arg22[%shift_right_arithmetic3A_155, %and3A_158] : memref<512x16xf32, #tpu.memory_space<vmem>>[vector<16xi32>, vector<16xi32>], vector<16xf32>,
      %sub3A_169 = arith.subf %gather3A_159, %gather3A_161 : vector<16xf32>
      %sub3A_170 = arith.subf %gather3A_163, %gather3A_165 : vector<16xf32>
      %sub3A_171 = arith.subf %sub3A_169, %sub3A_170 : vector<16xf32>
      %sub3A_172 = arith.subf %gather3A_160, %gather3A_162 : vector<16xf32>
      %sub3A_173 = arith.subf %gather3A_164, %gather3A_166 : vector<16xf32>
      %sub3A_174 = arith.subf %sub3A_172, %sub3A_173 : vector<16xf32>
      %abs3A_175 = math.absf %sub3A_171 : vector<16xf32>
      %abs3A_176 = math.absf %sub3A_174 : vector<16xf32>
      %add3A_177 = arith.addf %abs3A_175, %abs3A_176 : vector<16xf32>
      %mul3A_178 = arith.mulf %gather3A_167, %gather3A_168 : vector<16xf32>
      %mul3A_179 = arith.mulf %add3A_177, %mul3A_178 : vector<16xf32>
      %mul3A_180 = arith.mulf %mul3A_179, %get3A_75 : vector<16xf32>
      %add3A_181 = arith.addf %add3A_125, %mul3A_180 : vector<16xf32>
      %add3A_182 = arith.addf %add3A_126, %mul3A_178 : vector<16xf32>
      %get3A_183 = arith.constant 64 : index
      %get3A_184 = tpu.vector_load %arg25[%get3A_183] {strides = array<i32>} : memref<608xi32, #tpu.memory_space<vmem>>, vector<16xi32>,
      %get3A_185 = arith.constant 80 : index
      %get3A_186 = tpu.vector_load %arg25[%get3A_185] {strides = array<i32>} : memref<608xi32, #tpu.memory_space<vmem>>, vector<16xi32>,
      %add3A_187 = arith.addi %add3A_70, %get3A_184 : vector<16xi32>
      %add3A_188 = arith.addi %add3A_70, %get3A_186 : vector<16xi32>
      %add3A_189 = arith.addi %add3A_73, %get3A_184 : vector<16xi32>
      %add3A_190 = arith.addi %add3A_73, %get3A_186 : vector<16xi32>
      %shift_right_arithmetic3A_191 = arith.constant 4 : i32
      %shift_right_arithmetic3A_192 = vector.broadcast %shift_right_arithmetic3A_191 : i32 to vector<16xi32>
      %shift_right_arithmetic3A_193 = arith.shrsi %add3A_187, %shift_right_arithmetic3A_192 : vector<16xi32>
      %and3A_194 = arith.constant 15 : i32
      %and3A_195 = vector.broadcast %and3A_194 : i32 to vector<16xi32>
      %and3A_196 = arith.andi %add3A_187, %and3A_195 : vector<16xi32>
      %shift_right_arithmetic3A_197 = arith.constant 4 : i32
      %shift_right_arithmetic3A_198 = vector.broadcast %shift_right_arithmetic3A_197 : i32 to vector<16xi32>
      %shift_right_arithmetic3A_199 = arith.shrsi %add3A_188, %shift_right_arithmetic3A_198 : vector<16xi32>
      %and3A_200 = arith.constant 15 : i32
      %and3A_201 = vector.broadcast %and3A_200 : i32 to vector<16xi32>
      %and3A_202 = arith.andi %add3A_188, %and3A_201 : vector<16xi32>
      %shift_right_arithmetic3A_203 = arith.constant 4 : i32
      %shift_right_arithmetic3A_204 = vector.broadcast %shift_right_arithmetic3A_203 : i32 to vector<16xi32>
      %shift_right_arithmetic3A_205 = arith.shrsi %add3A_189, %shift_right_arithmetic3A_204 : vector<16xi32>
      %and3A_206 = arith.constant 15 : i32
      %and3A_207 = vector.broadcast %and3A_206 : i32 to vector<16xi32>
      %and3A_208 = arith.andi %add3A_189, %and3A_207 : vector<16xi32>
      %shift_right_arithmetic3A_209 = arith.constant 4 : i32
      %shift_right_arithmetic3A_210 = vector.broadcast %shift_right_arithmetic3A_209 : i32 to vector<16xi32>
      %shift_right_arithmetic3A_211 = arith.shrsi %add3A_190, %shift_right_arithmetic3A_210 : vector<16xi32>
      %and3A_212 = arith.constant 15 : i32
      %and3A_213 = vector.broadcast %and3A_212 : i32 to vector<16xi32>
      %and3A_214 = arith.andi %add3A_190, %and3A_213 : vector<16xi32>
      %gather3A_215 = tpu.vector_load_idx %arg18[%shift_right_arithmetic3A_193, %and3A_196] : memref<512x16xf32, #tpu.memory_space<vmem>>[vector<16xi32>, vector<16xi32>], vector<16xf32>,
      %gather3A_216 = tpu.vector_load_idx %arg19[%shift_right_arithmetic3A_193, %and3A_196] : memref<512x16xf32, #tpu.memory_space<vmem>>[vector<16xi32>, vector<16xi32>], vector<16xf32>,
      %gather3A_217 = tpu.vector_load_idx %arg18[%shift_right_arithmetic3A_199, %and3A_202] : memref<512x16xf32, #tpu.memory_space<vmem>>[vector<16xi32>, vector<16xi32>], vector<16xf32>,
      %gather3A_218 = tpu.vector_load_idx %arg19[%shift_right_arithmetic3A_199, %and3A_202] : memref<512x16xf32, #tpu.memory_space<vmem>>[vector<16xi32>, vector<16xi32>], vector<16xf32>,
      %gather3A_219 = tpu.vector_load_idx %arg20[%shift_right_arithmetic3A_205, %and3A_208] : memref<512x16xf32, #tpu.memory_space<vmem>>[vector<16xi32>, vector<16xi32>], vector<16xf32>,
      %gather3A_220 = tpu.vector_load_idx %arg21[%shift_right_arithmetic3A_205, %and3A_208] : memref<512x16xf32, #tpu.memory_space<vmem>>[vector<16xi32>, vector<16xi32>], vector<16xf32>,
      %gather3A_221 = tpu.vector_load_idx %arg20[%shift_right_arithmetic3A_211, %and3A_214] : memref<512x16xf32, #tpu.memory_space<vmem>>[vector<16xi32>, vector<16xi32>], vector<16xf32>,
      %gather3A_222 = tpu.vector_load_idx %arg21[%shift_right_arithmetic3A_211, %and3A_214] : memref<512x16xf32, #tpu.memory_space<vmem>>[vector<16xi32>, vector<16xi32>], vector<16xf32>,
      %gather3A_223 = tpu.vector_load_idx %arg22[%shift_right_arithmetic3A_205, %and3A_208] : memref<512x16xf32, #tpu.memory_space<vmem>>[vector<16xi32>, vector<16xi32>], vector<16xf32>,
      %gather3A_224 = tpu.vector_load_idx %arg22[%shift_right_arithmetic3A_211, %and3A_214] : memref<512x16xf32, #tpu.memory_space<vmem>>[vector<16xi32>, vector<16xi32>], vector<16xf32>,
      %sub3A_225 = arith.subf %gather3A_215, %gather3A_217 : vector<16xf32>
      %sub3A_226 = arith.subf %gather3A_219, %gather3A_221 : vector<16xf32>
      %sub3A_227 = arith.subf %sub3A_225, %sub3A_226 : vector<16xf32>
      %sub3A_228 = arith.subf %gather3A_216, %gather3A_218 : vector<16xf32>
      %sub3A_229 = arith.subf %gather3A_220, %gather3A_222 : vector<16xf32>
      %sub3A_230 = arith.subf %sub3A_228, %sub3A_229 : vector<16xf32>
      %abs3A_231 = math.absf %sub3A_227 : vector<16xf32>
      %abs3A_232 = math.absf %sub3A_230 : vector<16xf32>
      %add3A_233 = arith.addf %abs3A_231, %abs3A_232 : vector<16xf32>
      %mul3A_234 = arith.mulf %gather3A_223, %gather3A_224 : vector<16xf32>
      %mul3A_235 = arith.mulf %add3A_233, %mul3A_234 : vector<16xf32>
      %mul3A_236 = arith.mulf %mul3A_235, %get3A_75 : vector<16xf32>
      %add3A_237 = arith.addf %add3A_181, %mul3A_236 : vector<16xf32>
      %add3A_238 = arith.addf %add3A_182, %mul3A_234 : vector<16xf32>
      %get3A_239 = arith.constant 96 : index
      %get3A_240 = tpu.vector_load %arg25[%get3A_239] {strides = array<i32>} : memref<608xi32, #tpu.memory_space<vmem>>, vector<16xi32>,
      %get3A_241 = arith.constant 112 : index
      %get3A_242 = tpu.vector_load %arg25[%get3A_241] {strides = array<i32>} : memref<608xi32, #tpu.memory_space<vmem>>, vector<16xi32>,
      %add3A_243 = arith.addi %add3A_70, %get3A_240 : vector<16xi32>
      %add3A_244 = arith.addi %add3A_70, %get3A_242 : vector<16xi32>
      %add3A_245 = arith.addi %add3A_73, %get3A_240 : vector<16xi32>
      %add3A_246 = arith.addi %add3A_73, %get3A_242 : vector<16xi32>
      %shift_right_arithmetic3A_247 = arith.constant 4 : i32
      %shift_right_arithmetic3A_248 = vector.broadcast %shift_right_arithmetic3A_247 : i32 to vector<16xi32>
      %shift_right_arithmetic3A_249 = arith.shrsi %add3A_243, %shift_right_arithmetic3A_248 : vector<16xi32>
      %and3A_250 = arith.constant 15 : i32
      %and3A_251 = vector.broadcast %and3A_250 : i32 to vector<16xi32>
      %and3A_252 = arith.andi %add3A_243, %and3A_251 : vector<16xi32>
      %shift_right_arithmetic3A_253 = arith.constant 4 : i32
      %shift_right_arithmetic3A_254 = vector.broadcast %shift_right_arithmetic3A_253 : i32 to vector<16xi32>
      %shift_right_arithmetic3A_255 = arith.shrsi %add3A_244, %shift_right_arithmetic3A_254 : vector<16xi32>
      %and3A_256 = arith.constant 15 : i32
      %and3A_257 = vector.broadcast %and3A_256 : i32 to vector<16xi32>
      %and3A_258 = arith.andi %add3A_244, %and3A_257 : vector<16xi32>
      %shift_right_arithmetic3A_259 = arith.constant 4 : i32
      %shift_right_arithmetic3A_260 = vector.broadcast %shift_right_arithmetic3A_259 : i32 to vector<16xi32>
      %shift_right_arithmetic3A_261 = arith.shrsi %add3A_245, %shift_right_arithmetic3A_260 : vector<16xi32>
      %and3A_262 = arith.constant 15 : i32
      %and3A_263 = vector.broadcast %and3A_262 : i32 to vector<16xi32>
      %and3A_264 = arith.andi %add3A_245, %and3A_263 : vector<16xi32>
      %shift_right_arithmetic3A_265 = arith.constant 4 : i32
      %shift_right_arithmetic3A_266 = vector.broadcast %shift_right_arithmetic3A_265 : i32 to vector<16xi32>
      %shift_right_arithmetic3A_267 = arith.shrsi %add3A_246, %shift_right_arithmetic3A_266 : vector<16xi32>
      %and3A_268 = arith.constant 15 : i32
      %and3A_269 = vector.broadcast %and3A_268 : i32 to vector<16xi32>
      %and3A_270 = arith.andi %add3A_246, %and3A_269 : vector<16xi32>
      %gather3A_271 = tpu.vector_load_idx %arg18[%shift_right_arithmetic3A_249, %and3A_252] : memref<512x16xf32, #tpu.memory_space<vmem>>[vector<16xi32>, vector<16xi32>], vector<16xf32>,
      %gather3A_272 = tpu.vector_load_idx %arg19[%shift_right_arithmetic3A_249, %and3A_252] : memref<512x16xf32, #tpu.memory_space<vmem>>[vector<16xi32>, vector<16xi32>], vector<16xf32>,
      %gather3A_273 = tpu.vector_load_idx %arg18[%shift_right_arithmetic3A_255, %and3A_258] : memref<512x16xf32, #tpu.memory_space<vmem>>[vector<16xi32>, vector<16xi32>], vector<16xf32>,
      %gather3A_274 = tpu.vector_load_idx %arg19[%shift_right_arithmetic3A_255, %and3A_258] : memref<512x16xf32, #tpu.memory_space<vmem>>[vector<16xi32>, vector<16xi32>], vector<16xf32>,
      %gather3A_275 = tpu.vector_load_idx %arg20[%shift_right_arithmetic3A_261, %and3A_264] : memref<512x16xf32, #tpu.memory_space<vmem>>[vector<16xi32>, vector<16xi32>], vector<16xf32>,
      %gather3A_276 = tpu.vector_load_idx %arg21[%shift_right_arithmetic3A_261, %and3A_264] : memref<512x16xf32, #tpu.memory_space<vmem>>[vector<16xi32>, vector<16xi32>], vector<16xf32>,
      %gather3A_277 = tpu.vector_load_idx %arg20[%shift_right_arithmetic3A_267, %and3A_270] : memref<512x16xf32, #tpu.memory_space<vmem>>[vector<16xi32>, vector<16xi32>], vector<16xf32>,
      %gather3A_278 = tpu.vector_load_idx %arg21[%shift_right_arithmetic3A_267, %and3A_270] : memref<512x16xf32, #tpu.memory_space<vmem>>[vector<16xi32>, vector<16xi32>], vector<16xf32>,
      %gather3A_279 = tpu.vector_load_idx %arg22[%shift_right_arithmetic3A_261, %and3A_264] : memref<512x16xf32, #tpu.memory_space<vmem>>[vector<16xi32>, vector<16xi32>], vector<16xf32>,
      %gather3A_280 = tpu.vector_load_idx %arg22[%shift_right_arithmetic3A_267, %and3A_270] : memref<512x16xf32, #tpu.memory_space<vmem>>[vector<16xi32>, vector<16xi32>], vector<16xf32>,
      %sub3A_281 = arith.subf %gather3A_271, %gather3A_273 : vector<16xf32>
      %sub3A_282 = arith.subf %gather3A_275, %gather3A_277 : vector<16xf32>
      %sub3A_283 = arith.subf %sub3A_281, %sub3A_282 : vector<16xf32>
      %sub3A_284 = arith.subf %gather3A_272, %gather3A_274 : vector<16xf32>
      %sub3A_285 = arith.subf %gather3A_276, %gather3A_278 : vector<16xf32>
      %sub3A_286 = arith.subf %sub3A_284, %sub3A_285 : vector<16xf32>
      %abs3A_287 = math.absf %sub3A_283 : vector<16xf32>
      %abs3A_288 = math.absf %sub3A_286 : vector<16xf32>
      %add3A_289 = arith.addf %abs3A_287, %abs3A_288 : vector<16xf32>
      %mul3A_290 = arith.mulf %gather3A_279, %gather3A_280 : vector<16xf32>
      %mul3A_291 = arith.mulf %add3A_289, %mul3A_290 : vector<16xf32>
      %mul3A_292 = arith.mulf %mul3A_291, %get3A_75 : vector<16xf32>
      %add3A_293 = arith.addf %add3A_237, %mul3A_292 : vector<16xf32>
      %add3A_294 = arith.addf %add3A_238, %mul3A_290 : vector<16xf32>
      %get3A_295 = arith.constant 128 : index
      %get3A_296 = tpu.vector_load %arg25[%get3A_295] {strides = array<i32>} : memref<608xi32, #tpu.memory_space<vmem>>, vector<16xi32>,
      %get3A_297 = arith.constant 144 : index
      %get3A_298 = tpu.vector_load %arg25[%get3A_297] {strides = array<i32>} : memref<608xi32, #tpu.memory_space<vmem>>, vector<16xi32>,
      %add3A_299 = arith.addi %add3A_70, %get3A_296 : vector<16xi32>
      %add3A_300 = arith.addi %add3A_70, %get3A_298 : vector<16xi32>
      %add3A_301 = arith.addi %add3A_73, %get3A_296 : vector<16xi32>
      %add3A_302 = arith.addi %add3A_73, %get3A_298 : vector<16xi32>
      %shift_right_arithmetic3A_303 = arith.constant 4 : i32
      %shift_right_arithmetic3A_304 = vector.broadcast %shift_right_arithmetic3A_303 : i32 to vector<16xi32>
      %shift_right_arithmetic3A_305 = arith.shrsi %add3A_299, %shift_right_arithmetic3A_304 : vector<16xi32>
      %and3A_306 = arith.constant 15 : i32
      %and3A_307 = vector.broadcast %and3A_306 : i32 to vector<16xi32>
      %and3A_308 = arith.andi %add3A_299, %and3A_307 : vector<16xi32>
      %shift_right_arithmetic3A_309 = arith.constant 4 : i32
      %shift_right_arithmetic3A_310 = vector.broadcast %shift_right_arithmetic3A_309 : i32 to vector<16xi32>
      %shift_right_arithmetic3A_311 = arith.shrsi %add3A_300, %shift_right_arithmetic3A_310 : vector<16xi32>
      %and3A_312 = arith.constant 15 : i32
      %and3A_313 = vector.broadcast %and3A_312 : i32 to vector<16xi32>
      %and3A_314 = arith.andi %add3A_300, %and3A_313 : vector<16xi32>
      %shift_right_arithmetic3A_315 = arith.constant 4 : i32
      %shift_right_arithmetic3A_316 = vector.broadcast %shift_right_arithmetic3A_315 : i32 to vector<16xi32>
      %shift_right_arithmetic3A_317 = arith.shrsi %add3A_301, %shift_right_arithmetic3A_316 : vector<16xi32>
      %and3A_318 = arith.constant 15 : i32
      %and3A_319 = vector.broadcast %and3A_318 : i32 to vector<16xi32>
      %and3A_320 = arith.andi %add3A_301, %and3A_319 : vector<16xi32>
      %shift_right_arithmetic3A_321 = arith.constant 4 : i32
      %shift_right_arithmetic3A_322 = vector.broadcast %shift_right_arithmetic3A_321 : i32 to vector<16xi32>
      %shift_right_arithmetic3A_323 = arith.shrsi %add3A_302, %shift_right_arithmetic3A_322 : vector<16xi32>
      %and3A_324 = arith.constant 15 : i32
      %and3A_325 = vector.broadcast %and3A_324 : i32 to vector<16xi32>
      %and3A_326 = arith.andi %add3A_302, %and3A_325 : vector<16xi32>
      %gather3A_327 = tpu.vector_load_idx %arg18[%shift_right_arithmetic3A_305, %and3A_308] : memref<512x16xf32, #tpu.memory_space<vmem>>[vector<16xi32>, vector<16xi32>], vector<16xf32>,
      %gather3A_328 = tpu.vector_load_idx %arg19[%shift_right_arithmetic3A_305, %and3A_308] : memref<512x16xf32, #tpu.memory_space<vmem>>[vector<16xi32>, vector<16xi32>], vector<16xf32>,
      %gather3A_329 = tpu.vector_load_idx %arg18[%shift_right_arithmetic3A_311, %and3A_314] : memref<512x16xf32, #tpu.memory_space<vmem>>[vector<16xi32>, vector<16xi32>], vector<16xf32>,
      %gather3A_330 = tpu.vector_load_idx %arg19[%shift_right_arithmetic3A_311, %and3A_314] : memref<512x16xf32, #tpu.memory_space<vmem>>[vector<16xi32>, vector<16xi32>], vector<16xf32>,
      %gather3A_331 = tpu.vector_load_idx %arg20[%shift_right_arithmetic3A_317, %and3A_320] : memref<512x16xf32, #tpu.memory_space<vmem>>[vector<16xi32>, vector<16xi32>], vector<16xf32>,
      %gather3A_332 = tpu.vector_load_idx %arg21[%shift_right_arithmetic3A_317, %and3A_320] : memref<512x16xf32, #tpu.memory_space<vmem>>[vector<16xi32>, vector<16xi32>], vector<16xf32>,
      %gather3A_333 = tpu.vector_load_idx %arg20[%shift_right_arithmetic3A_323, %and3A_326] : memref<512x16xf32, #tpu.memory_space<vmem>>[vector<16xi32>, vector<16xi32>], vector<16xf32>,
      %gather3A_334 = tpu.vector_load_idx %arg21[%shift_right_arithmetic3A_323, %and3A_326] : memref<512x16xf32, #tpu.memory_space<vmem>>[vector<16xi32>, vector<16xi32>], vector<16xf32>,
      %gather3A_335 = tpu.vector_load_idx %arg22[%shift_right_arithmetic3A_317, %and3A_320] : memref<512x16xf32, #tpu.memory_space<vmem>>[vector<16xi32>, vector<16xi32>], vector<16xf32>,
      %gather3A_336 = tpu.vector_load_idx %arg22[%shift_right_arithmetic3A_323, %and3A_326] : memref<512x16xf32, #tpu.memory_space<vmem>>[vector<16xi32>, vector<16xi32>], vector<16xf32>,
      %sub3A_337 = arith.subf %gather3A_327, %gather3A_329 : vector<16xf32>
      %sub3A_338 = arith.subf %gather3A_331, %gather3A_333 : vector<16xf32>
      %sub3A_339 = arith.subf %sub3A_337, %sub3A_338 : vector<16xf32>
      %sub3A_340 = arith.subf %gather3A_328, %gather3A_330 : vector<16xf32>
      %sub3A_341 = arith.subf %gather3A_332, %gather3A_334 : vector<16xf32>
      %sub3A_342 = arith.subf %sub3A_340, %sub3A_341 : vector<16xf32>
      %abs3A_343 = math.absf %sub3A_339 : vector<16xf32>
      %abs3A_344 = math.absf %sub3A_342 : vector<16xf32>
      %add3A_345 = arith.addf %abs3A_343, %abs3A_344 : vector<16xf32>
      %mul3A_346 = arith.mulf %gather3A_335, %gather3A_336 : vector<16xf32>
      %mul3A_347 = arith.mulf %add3A_345, %mul3A_346 : vector<16xf32>
      %mul3A_348 = arith.mulf %mul3A_347, %get3A_75 : vector<16xf32>
      %add3A_349 = arith.addf %add3A_293, %mul3A_348 : vector<16xf32>
      %add3A_350 = arith.addf %add3A_294, %mul3A_346 : vector<16xf32>
      %get3A_351 = arith.constant 160 : index
      %get3A_352 = tpu.vector_load %arg25[%get3A_351] {strides = array<i32>} : memref<608xi32, #tpu.memory_space<vmem>>, vector<16xi32>,
      %get3A_353 = arith.constant 176 : index
      %get3A_354 = tpu.vector_load %arg25[%get3A_353] {strides = array<i32>} : memref<608xi32, #tpu.memory_space<vmem>>, vector<16xi32>,
      %add3A_355 = arith.addi %add3A_70, %get3A_352 : vector<16xi32>
      %add3A_356 = arith.addi %add3A_70, %get3A_354 : vector<16xi32>
      %add3A_357 = arith.addi %add3A_73, %get3A_352 : vector<16xi32>
      %add3A_358 = arith.addi %add3A_73, %get3A_354 : vector<16xi32>
      %shift_right_arithmetic3A_359 = arith.constant 4 : i32
      %shift_right_arithmetic3A_360 = vector.broadcast %shift_right_arithmetic3A_359 : i32 to vector<16xi32>
      %shift_right_arithmetic3A_361 = arith.shrsi %add3A_355, %shift_right_arithmetic3A_360 : vector<16xi32>
      %and3A_362 = arith.constant 15 : i32
      %and3A_363 = vector.broadcast %and3A_362 : i32 to vector<16xi32>
      %and3A_364 = arith.andi %add3A_355, %and3A_363 : vector<16xi32>
      %shift_right_arithmetic3A_365 = arith.constant 4 : i32
      %shift_right_arithmetic3A_366 = vector.broadcast %shift_right_arithmetic3A_365 : i32 to vector<16xi32>
      %shift_right_arithmetic3A_367 = arith.shrsi %add3A_356, %shift_right_arithmetic3A_366 : vector<16xi32>
      %and3A_368 = arith.constant 15 : i32
      %and3A_369 = vector.broadcast %and3A_368 : i32 to vector<16xi32>
      %and3A_370 = arith.andi %add3A_356, %and3A_369 : vector<16xi32>
      %shift_right_arithmetic3A_371 = arith.constant 4 : i32
      %shift_right_arithmetic3A_372 = vector.broadcast %shift_right_arithmetic3A_371 : i32 to vector<16xi32>
      %shift_right_arithmetic3A_373 = arith.shrsi %add3A_357, %shift_right_arithmetic3A_372 : vector<16xi32>
      %and3A_374 = arith.constant 15 : i32
      %and3A_375 = vector.broadcast %and3A_374 : i32 to vector<16xi32>
      %and3A_376 = arith.andi %add3A_357, %and3A_375 : vector<16xi32>
      %shift_right_arithmetic3A_377 = arith.constant 4 : i32
      %shift_right_arithmetic3A_378 = vector.broadcast %shift_right_arithmetic3A_377 : i32 to vector<16xi32>
      %shift_right_arithmetic3A_379 = arith.shrsi %add3A_358, %shift_right_arithmetic3A_378 : vector<16xi32>
      %and3A_380 = arith.constant 15 : i32
      %and3A_381 = vector.broadcast %and3A_380 : i32 to vector<16xi32>
      %and3A_382 = arith.andi %add3A_358, %and3A_381 : vector<16xi32>
      %gather3A_383 = tpu.vector_load_idx %arg18[%shift_right_arithmetic3A_361, %and3A_364] : memref<512x16xf32, #tpu.memory_space<vmem>>[vector<16xi32>, vector<16xi32>], vector<16xf32>,
      %gather3A_384 = tpu.vector_load_idx %arg19[%shift_right_arithmetic3A_361, %and3A_364] : memref<512x16xf32, #tpu.memory_space<vmem>>[vector<16xi32>, vector<16xi32>], vector<16xf32>,
      %gather3A_385 = tpu.vector_load_idx %arg18[%shift_right_arithmetic3A_367, %and3A_370] : memref<512x16xf32, #tpu.memory_space<vmem>>[vector<16xi32>, vector<16xi32>], vector<16xf32>,
      %gather3A_386 = tpu.vector_load_idx %arg19[%shift_right_arithmetic3A_367, %and3A_370] : memref<512x16xf32, #tpu.memory_space<vmem>>[vector<16xi32>, vector<16xi32>], vector<16xf32>,
      %gather3A_387 = tpu.vector_load_idx %arg20[%shift_right_arithmetic3A_373, %and3A_376] : memref<512x16xf32, #tpu.memory_space<vmem>>[vector<16xi32>, vector<16xi32>], vector<16xf32>,
      %gather3A_388 = tpu.vector_load_idx %arg21[%shift_right_arithmetic3A_373, %and3A_376] : memref<512x16xf32, #tpu.memory_space<vmem>>[vector<16xi32>, vector<16xi32>], vector<16xf32>,
      %gather3A_389 = tpu.vector_load_idx %arg20[%shift_right_arithmetic3A_379, %and3A_382] : memref<512x16xf32, #tpu.memory_space<vmem>>[vector<16xi32>, vector<16xi32>], vector<16xf32>,
      %gather3A_390 = tpu.vector_load_idx %arg21[%shift_right_arithmetic3A_379, %and3A_382] : memref<512x16xf32, #tpu.memory_space<vmem>>[vector<16xi32>, vector<16xi32>], vector<16xf32>,
      %gather3A_391 = tpu.vector_load_idx %arg22[%shift_right_arithmetic3A_373, %and3A_376] : memref<512x16xf32, #tpu.memory_space<vmem>>[vector<16xi32>, vector<16xi32>], vector<16xf32>,
      %gather3A_392 = tpu.vector_load_idx %arg22[%shift_right_arithmetic3A_379, %and3A_382] : memref<512x16xf32, #tpu.memory_space<vmem>>[vector<16xi32>, vector<16xi32>], vector<16xf32>,
      %sub3A_393 = arith.subf %gather3A_383, %gather3A_385 : vector<16xf32>
      %sub3A_394 = arith.subf %gather3A_387, %gather3A_389 : vector<16xf32>
      %sub3A_395 = arith.subf %sub3A_393, %sub3A_394 : vector<16xf32>
      %sub3A_396 = arith.subf %gather3A_384, %gather3A_386 : vector<16xf32>
      %sub3A_397 = arith.subf %gather3A_388, %gather3A_390 : vector<16xf32>
      %sub3A_398 = arith.subf %sub3A_396, %sub3A_397 : vector<16xf32>
      %abs3A_399 = math.absf %sub3A_395 : vector<16xf32>
      %abs3A_400 = math.absf %sub3A_398 : vector<16xf32>
      %add3A_401 = arith.addf %abs3A_399, %abs3A_400 : vector<16xf32>
      %mul3A_402 = arith.mulf %gather3A_391, %gather3A_392 : vector<16xf32>
      %mul3A_403 = arith.mulf %add3A_401, %mul3A_402 : vector<16xf32>
      %mul3A_404 = arith.mulf %mul3A_403, %get3A_75 : vector<16xf32>
      %add3A_405 = arith.addf %add3A_349, %mul3A_404 : vector<16xf32>
      %add3A_406 = arith.addf %add3A_350, %mul3A_402 : vector<16xf32>
      %get3A_407 = arith.constant 192 : index
      %get3A_408 = tpu.vector_load %arg25[%get3A_407] {strides = array<i32>} : memref<608xi32, #tpu.memory_space<vmem>>, vector<16xi32>,
      %get3A_409 = arith.constant 208 : index
      %get3A_410 = tpu.vector_load %arg25[%get3A_409] {strides = array<i32>} : memref<608xi32, #tpu.memory_space<vmem>>, vector<16xi32>,
      %add3A_411 = arith.addi %add3A_70, %get3A_408 : vector<16xi32>
      %add3A_412 = arith.addi %add3A_70, %get3A_410 : vector<16xi32>
      %add3A_413 = arith.addi %add3A_73, %get3A_408 : vector<16xi32>
      %add3A_414 = arith.addi %add3A_73, %get3A_410 : vector<16xi32>
      %shift_right_arithmetic3A_415 = arith.constant 4 : i32
      %shift_right_arithmetic3A_416 = vector.broadcast %shift_right_arithmetic3A_415 : i32 to vector<16xi32>
      %shift_right_arithmetic3A_417 = arith.shrsi %add3A_411, %shift_right_arithmetic3A_416 : vector<16xi32>
      %and3A_418 = arith.constant 15 : i32
      %and3A_419 = vector.broadcast %and3A_418 : i32 to vector<16xi32>
      %and3A_420 = arith.andi %add3A_411, %and3A_419 : vector<16xi32>
      %shift_right_arithmetic3A_421 = arith.constant 4 : i32
      %shift_right_arithmetic3A_422 = vector.broadcast %shift_right_arithmetic3A_421 : i32 to vector<16xi32>
      %shift_right_arithmetic3A_423 = arith.shrsi %add3A_412, %shift_right_arithmetic3A_422 : vector<16xi32>
      %and3A_424 = arith.constant 15 : i32
      %and3A_425 = vector.broadcast %and3A_424 : i32 to vector<16xi32>
      %and3A_426 = arith.andi %add3A_412, %and3A_425 : vector<16xi32>
      %shift_right_arithmetic3A_427 = arith.constant 4 : i32
      %shift_right_arithmetic3A_428 = vector.broadcast %shift_right_arithmetic3A_427 : i32 to vector<16xi32>
      %shift_right_arithmetic3A_429 = arith.shrsi %add3A_413, %shift_right_arithmetic3A_428 : vector<16xi32>
      %and3A_430 = arith.constant 15 : i32
      %and3A_431 = vector.broadcast %and3A_430 : i32 to vector<16xi32>
      %and3A_432 = arith.andi %add3A_413, %and3A_431 : vector<16xi32>
      %shift_right_arithmetic3A_433 = arith.constant 4 : i32
      %shift_right_arithmetic3A_434 = vector.broadcast %shift_right_arithmetic3A_433 : i32 to vector<16xi32>
      %shift_right_arithmetic3A_435 = arith.shrsi %add3A_414, %shift_right_arithmetic3A_434 : vector<16xi32>
      %and3A_436 = arith.constant 15 : i32
      %and3A_437 = vector.broadcast %and3A_436 : i32 to vector<16xi32>
      %and3A_438 = arith.andi %add3A_414, %and3A_437 : vector<16xi32>
      %gather3A_439 = tpu.vector_load_idx %arg18[%shift_right_arithmetic3A_417, %and3A_420] : memref<512x16xf32, #tpu.memory_space<vmem>>[vector<16xi32>, vector<16xi32>], vector<16xf32>,
      %gather3A_440 = tpu.vector_load_idx %arg19[%shift_right_arithmetic3A_417, %and3A_420] : memref<512x16xf32, #tpu.memory_space<vmem>>[vector<16xi32>, vector<16xi32>], vector<16xf32>,
      %gather3A_441 = tpu.vector_load_idx %arg18[%shift_right_arithmetic3A_423, %and3A_426] : memref<512x16xf32, #tpu.memory_space<vmem>>[vector<16xi32>, vector<16xi32>], vector<16xf32>,
      %gather3A_442 = tpu.vector_load_idx %arg19[%shift_right_arithmetic3A_423, %and3A_426] : memref<512x16xf32, #tpu.memory_space<vmem>>[vector<16xi32>, vector<16xi32>], vector<16xf32>,
      %gather3A_443 = tpu.vector_load_idx %arg20[%shift_right_arithmetic3A_429, %and3A_432] : memref<512x16xf32, #tpu.memory_space<vmem>>[vector<16xi32>, vector<16xi32>], vector<16xf32>,
      %gather3A_444 = tpu.vector_load_idx %arg21[%shift_right_arithmetic3A_429, %and3A_432] : memref<512x16xf32, #tpu.memory_space<vmem>>[vector<16xi32>, vector<16xi32>], vector<16xf32>,
      %gather3A_445 = tpu.vector_load_idx %arg20[%shift_right_arithmetic3A_435, %and3A_438] : memref<512x16xf32, #tpu.memory_space<vmem>>[vector<16xi32>, vector<16xi32>], vector<16xf32>,
      %gather3A_446 = tpu.vector_load_idx %arg21[%shift_right_arithmetic3A_435, %and3A_438] : memref<512x16xf32, #tpu.memory_space<vmem>>[vector<16xi32>, vector<16xi32>], vector<16xf32>,
      %gather3A_447 = tpu.vector_load_idx %arg22[%shift_right_arithmetic3A_429, %and3A_432] : memref<512x16xf32, #tpu.memory_space<vmem>>[vector<16xi32>, vector<16xi32>], vector<16xf32>,
      %gather3A_448 = tpu.vector_load_idx %arg22[%shift_right_arithmetic3A_435, %and3A_438] : memref<512x16xf32, #tpu.memory_space<vmem>>[vector<16xi32>, vector<16xi32>], vector<16xf32>,
      %sub3A_449 = arith.subf %gather3A_439, %gather3A_441 : vector<16xf32>
      %sub3A_450 = arith.subf %gather3A_443, %gather3A_445 : vector<16xf32>
      %sub3A_451 = arith.subf %sub3A_449, %sub3A_450 : vector<16xf32>
      %sub3A_452 = arith.subf %gather3A_440, %gather3A_442 : vector<16xf32>
      %sub3A_453 = arith.subf %gather3A_444, %gather3A_446 : vector<16xf32>
      %sub3A_454 = arith.subf %sub3A_452, %sub3A_453 : vector<16xf32>
      %abs3A_455 = math.absf %sub3A_451 : vector<16xf32>
      %abs3A_456 = math.absf %sub3A_454 : vector<16xf32>
      %add3A_457 = arith.addf %abs3A_455, %abs3A_456 : vector<16xf32>
      %mul3A_458 = arith.mulf %gather3A_447, %gather3A_448 : vector<16xf32>
      %mul3A_459 = arith.mulf %add3A_457, %mul3A_458 : vector<16xf32>
      %mul3A_460 = arith.mulf %mul3A_459, %get3A_75 : vector<16xf32>
      %add3A_461 = arith.addf %add3A_405, %mul3A_460 : vector<16xf32>
      %add3A_462 = arith.addf %add3A_406, %mul3A_458 : vector<16xf32>
      %get3A_463 = arith.constant 224 : index
      %get3A_464 = tpu.vector_load %arg25[%get3A_463] {strides = array<i32>} : memref<608xi32, #tpu.memory_space<vmem>>, vector<16xi32>,
      %get3A_465 = arith.constant 240 : index
      %get3A_466 = tpu.vector_load %arg25[%get3A_465] {strides = array<i32>} : memref<608xi32, #tpu.memory_space<vmem>>, vector<16xi32>,
      %add3A_467 = arith.addi %add3A_70, %get3A_464 : vector<16xi32>
      %add3A_468 = arith.addi %add3A_70, %get3A_466 : vector<16xi32>
      %add3A_469 = arith.addi %add3A_73, %get3A_464 : vector<16xi32>
      %add3A_470 = arith.addi %add3A_73, %get3A_466 : vector<16xi32>
      %shift_right_arithmetic3A_471 = arith.constant 4 : i32
      %shift_right_arithmetic3A_472 = vector.broadcast %shift_right_arithmetic3A_471 : i32 to vector<16xi32>
      %shift_right_arithmetic3A_473 = arith.shrsi %add3A_467, %shift_right_arithmetic3A_472 : vector<16xi32>
      %and3A_474 = arith.constant 15 : i32
      %and3A_475 = vector.broadcast %and3A_474 : i32 to vector<16xi32>
      %and3A_476 = arith.andi %add3A_467, %and3A_475 : vector<16xi32>
      %shift_right_arithmetic3A_477 = arith.constant 4 : i32
      %shift_right_arithmetic3A_478 = vector.broadcast %shift_right_arithmetic3A_477 : i32 to vector<16xi32>
      %shift_right_arithmetic3A_479 = arith.shrsi %add3A_468, %shift_right_arithmetic3A_478 : vector<16xi32>
      %and3A_480 = arith.constant 15 : i32
      %and3A_481 = vector.broadcast %and3A_480 : i32 to vector<16xi32>
      %and3A_482 = arith.andi %add3A_468, %and3A_481 : vector<16xi32>
      %shift_right_arithmetic3A_483 = arith.constant 4 : i32
      %shift_right_arithmetic3A_484 = vector.broadcast %shift_right_arithmetic3A_483 : i32 to vector<16xi32>
      %shift_right_arithmetic3A_485 = arith.shrsi %add3A_469, %shift_right_arithmetic3A_484 : vector<16xi32>
      %and3A_486 = arith.constant 15 : i32
      %and3A_487 = vector.broadcast %and3A_486 : i32 to vector<16xi32>
      %and3A_488 = arith.andi %add3A_469, %and3A_487 : vector<16xi32>
      %shift_right_arithmetic3A_489 = arith.constant 4 : i32
      %shift_right_arithmetic3A_490 = vector.broadcast %shift_right_arithmetic3A_489 : i32 to vector<16xi32>
      %shift_right_arithmetic3A_491 = arith.shrsi %add3A_470, %shift_right_arithmetic3A_490 : vector<16xi32>
      %and3A_492 = arith.constant 15 : i32
      %and3A_493 = vector.broadcast %and3A_492 : i32 to vector<16xi32>
      %and3A_494 = arith.andi %add3A_470, %and3A_493 : vector<16xi32>
      %gather3A_495 = tpu.vector_load_idx %arg18[%shift_right_arithmetic3A_473, %and3A_476] : memref<512x16xf32, #tpu.memory_space<vmem>>[vector<16xi32>, vector<16xi32>], vector<16xf32>,
      %gather3A_496 = tpu.vector_load_idx %arg19[%shift_right_arithmetic3A_473, %and3A_476] : memref<512x16xf32, #tpu.memory_space<vmem>>[vector<16xi32>, vector<16xi32>], vector<16xf32>,
      %gather3A_497 = tpu.vector_load_idx %arg18[%shift_right_arithmetic3A_479, %and3A_482] : memref<512x16xf32, #tpu.memory_space<vmem>>[vector<16xi32>, vector<16xi32>], vector<16xf32>,
      %gather3A_498 = tpu.vector_load_idx %arg19[%shift_right_arithmetic3A_479, %and3A_482] : memref<512x16xf32, #tpu.memory_space<vmem>>[vector<16xi32>, vector<16xi32>], vector<16xf32>,
      %gather3A_499 = tpu.vector_load_idx %arg20[%shift_right_arithmetic3A_485, %and3A_488] : memref<512x16xf32, #tpu.memory_space<vmem>>[vector<16xi32>, vector<16xi32>], vector<16xf32>,
      %gather3A_500 = tpu.vector_load_idx %arg21[%shift_right_arithmetic3A_485, %and3A_488] : memref<512x16xf32, #tpu.memory_space<vmem>>[vector<16xi32>, vector<16xi32>], vector<16xf32>,
      %gather3A_501 = tpu.vector_load_idx %arg20[%shift_right_arithmetic3A_491, %and3A_494] : memref<512x16xf32, #tpu.memory_space<vmem>>[vector<16xi32>, vector<16xi32>], vector<16xf32>,
      %gather3A_502 = tpu.vector_load_idx %arg21[%shift_right_arithmetic3A_491, %and3A_494] : memref<512x16xf32, #tpu.memory_space<vmem>>[vector<16xi32>, vector<16xi32>], vector<16xf32>,
      %gather3A_503 = tpu.vector_load_idx %arg22[%shift_right_arithmetic3A_485, %and3A_488] : memref<512x16xf32, #tpu.memory_space<vmem>>[vector<16xi32>, vector<16xi32>], vector<16xf32>,
      %gather3A_504 = tpu.vector_load_idx %arg22[%shift_right_arithmetic3A_491, %and3A_494] : memref<512x16xf32, #tpu.memory_space<vmem>>[vector<16xi32>, vector<16xi32>], vector<16xf32>,
      %sub3A_505 = arith.subf %gather3A_495, %gather3A_497 : vector<16xf32>
      %sub3A_506 = arith.subf %gather3A_499, %gather3A_501 : vector<16xf32>
      %sub3A_507 = arith.subf %sub3A_505, %sub3A_506 : vector<16xf32>
      %sub3A_508 = arith.subf %gather3A_496, %gather3A_498 : vector<16xf32>
      %sub3A_509 = arith.subf %gather3A_500, %gather3A_502 : vector<16xf32>
      %sub3A_510 = arith.subf %sub3A_508, %sub3A_509 : vector<16xf32>
      %abs3A_511 = math.absf %sub3A_507 : vector<16xf32>
      %abs3A_512 = math.absf %sub3A_510 : vector<16xf32>
      %add3A_513 = arith.addf %abs3A_511, %abs3A_512 : vector<16xf32>
      %mul3A_514 = arith.mulf %gather3A_503, %gather3A_504 : vector<16xf32>
      %mul3A_515 = arith.mulf %add3A_513, %mul3A_514 : vector<16xf32>
      %mul3A_516 = arith.mulf %mul3A_515, %get3A_75 : vector<16xf32>
      %add3A_517 = arith.addf %add3A_461, %mul3A_516 : vector<16xf32>
      %add3A_518 = arith.addf %add3A_462, %mul3A_514 : vector<16xf32>
      %get3A_519 = arith.constant 256 : index
      %get3A_520 = tpu.vector_load %arg25[%get3A_519] {strides = array<i32>} : memref<608xi32, #tpu.memory_space<vmem>>, vector<16xi32>,
      %get3A_521 = arith.constant 272 : index
      %get3A_522 = tpu.vector_load %arg25[%get3A_521] {strides = array<i32>} : memref<608xi32, #tpu.memory_space<vmem>>, vector<16xi32>,
      %add3A_523 = arith.addi %add3A_70, %get3A_520 : vector<16xi32>
      %add3A_524 = arith.addi %add3A_70, %get3A_522 : vector<16xi32>
      %add3A_525 = arith.addi %add3A_73, %get3A_520 : vector<16xi32>
      %add3A_526 = arith.addi %add3A_73, %get3A_522 : vector<16xi32>
      %shift_right_arithmetic3A_527 = arith.constant 4 : i32
      %shift_right_arithmetic3A_528 = vector.broadcast %shift_right_arithmetic3A_527 : i32 to vector<16xi32>
      %shift_right_arithmetic3A_529 = arith.shrsi %add3A_523, %shift_right_arithmetic3A_528 : vector<16xi32>
      %and3A_530 = arith.constant 15 : i32
      %and3A_531 = vector.broadcast %and3A_530 : i32 to vector<16xi32>
      %and3A_532 = arith.andi %add3A_523, %and3A_531 : vector<16xi32>
      %shift_right_arithmetic3A_533 = arith.constant 4 : i32
      %shift_right_arithmetic3A_534 = vector.broadcast %shift_right_arithmetic3A_533 : i32 to vector<16xi32>
      %shift_right_arithmetic3A_535 = arith.shrsi %add3A_524, %shift_right_arithmetic3A_534 : vector<16xi32>
      %and3A_536 = arith.constant 15 : i32
      %and3A_537 = vector.broadcast %and3A_536 : i32 to vector<16xi32>
      %and3A_538 = arith.andi %add3A_524, %and3A_537 : vector<16xi32>
      %shift_right_arithmetic3A_539 = arith.constant 4 : i32
      %shift_right_arithmetic3A_540 = vector.broadcast %shift_right_arithmetic3A_539 : i32 to vector<16xi32>
      %shift_right_arithmetic3A_541 = arith.shrsi %add3A_525, %shift_right_arithmetic3A_540 : vector<16xi32>
      %and3A_542 = arith.constant 15 : i32
      %and3A_543 = vector.broadcast %and3A_542 : i32 to vector<16xi32>
      %and3A_544 = arith.andi %add3A_525, %and3A_543 : vector<16xi32>
      %shift_right_arithmetic3A_545 = arith.constant 4 : i32
      %shift_right_arithmetic3A_546 = vector.broadcast %shift_right_arithmetic3A_545 : i32 to vector<16xi32>
      %shift_right_arithmetic3A_547 = arith.shrsi %add3A_526, %shift_right_arithmetic3A_546 : vector<16xi32>
      %and3A_548 = arith.constant 15 : i32
      %and3A_549 = vector.broadcast %and3A_548 : i32 to vector<16xi32>
      %and3A_550 = arith.andi %add3A_526, %and3A_549 : vector<16xi32>
      %gather3A_551 = tpu.vector_load_idx %arg18[%shift_right_arithmetic3A_529, %and3A_532] : memref<512x16xf32, #tpu.memory_space<vmem>>[vector<16xi32>, vector<16xi32>], vector<16xf32>,
      %gather3A_552 = tpu.vector_load_idx %arg19[%shift_right_arithmetic3A_529, %and3A_532] : memref<512x16xf32, #tpu.memory_space<vmem>>[vector<16xi32>, vector<16xi32>], vector<16xf32>,
      %gather3A_553 = tpu.vector_load_idx %arg18[%shift_right_arithmetic3A_535, %and3A_538] : memref<512x16xf32, #tpu.memory_space<vmem>>[vector<16xi32>, vector<16xi32>], vector<16xf32>,
      %gather3A_554 = tpu.vector_load_idx %arg19[%shift_right_arithmetic3A_535, %and3A_538] : memref<512x16xf32, #tpu.memory_space<vmem>>[vector<16xi32>, vector<16xi32>], vector<16xf32>,
      %gather3A_555 = tpu.vector_load_idx %arg20[%shift_right_arithmetic3A_541, %and3A_544] : memref<512x16xf32, #tpu.memory_space<vmem>>[vector<16xi32>, vector<16xi32>], vector<16xf32>,
      %gather3A_556 = tpu.vector_load_idx %arg21[%shift_right_arithmetic3A_541, %and3A_544] : memref<512x16xf32, #tpu.memory_space<vmem>>[vector<16xi32>, vector<16xi32>], vector<16xf32>,
      %gather3A_557 = tpu.vector_load_idx %arg20[%shift_right_arithmetic3A_547, %and3A_550] : memref<512x16xf32, #tpu.memory_space<vmem>>[vector<16xi32>, vector<16xi32>], vector<16xf32>,
      %gather3A_558 = tpu.vector_load_idx %arg21[%shift_right_arithmetic3A_547, %and3A_550] : memref<512x16xf32, #tpu.memory_space<vmem>>[vector<16xi32>, vector<16xi32>], vector<16xf32>,
      %gather3A_559 = tpu.vector_load_idx %arg22[%shift_right_arithmetic3A_541, %and3A_544] : memref<512x16xf32, #tpu.memory_space<vmem>>[vector<16xi32>, vector<16xi32>], vector<16xf32>,
      %gather3A_560 = tpu.vector_load_idx %arg22[%shift_right_arithmetic3A_547, %and3A_550] : memref<512x16xf32, #tpu.memory_space<vmem>>[vector<16xi32>, vector<16xi32>], vector<16xf32>,
      %sub3A_561 = arith.subf %gather3A_551, %gather3A_553 : vector<16xf32>
      %sub3A_562 = arith.subf %gather3A_555, %gather3A_557 : vector<16xf32>
      %sub3A_563 = arith.subf %sub3A_561, %sub3A_562 : vector<16xf32>
      %sub3A_564 = arith.subf %gather3A_552, %gather3A_554 : vector<16xf32>
      %sub3A_565 = arith.subf %gather3A_556, %gather3A_558 : vector<16xf32>
      %sub3A_566 = arith.subf %sub3A_564, %sub3A_565 : vector<16xf32>
      %abs3A_567 = math.absf %sub3A_563 : vector<16xf32>
      %abs3A_568 = math.absf %sub3A_566 : vector<16xf32>
      %add3A_569 = arith.addf %abs3A_567, %abs3A_568 : vector<16xf32>
      %mul3A_570 = arith.mulf %gather3A_559, %gather3A_560 : vector<16xf32>
      %mul3A_571 = arith.mulf %add3A_569, %mul3A_570 : vector<16xf32>
      %mul3A_572 = arith.mulf %mul3A_571, %get3A_75 : vector<16xf32>
      %add3A_573 = arith.addf %add3A_517, %mul3A_572 : vector<16xf32>
      %add3A_574 = arith.addf %add3A_518, %mul3A_570 : vector<16xf32>
      %get3A_575 = arith.constant 288 : index
      %get3A_576 = tpu.vector_load %arg25[%get3A_575] {strides = array<i32>} : memref<608xi32, #tpu.memory_space<vmem>>, vector<16xi32>,
      %get3A_577 = arith.constant 304 : index
      %get3A_578 = tpu.vector_load %arg25[%get3A_577] {strides = array<i32>} : memref<608xi32, #tpu.memory_space<vmem>>, vector<16xi32>,
      %add3A_579 = arith.addi %add3A_70, %get3A_576 : vector<16xi32>
      %add3A_580 = arith.addi %add3A_70, %get3A_578 : vector<16xi32>
      %add3A_581 = arith.addi %add3A_73, %get3A_576 : vector<16xi32>
      %add3A_582 = arith.addi %add3A_73, %get3A_578 : vector<16xi32>
      %shift_right_arithmetic3A_583 = arith.constant 4 : i32
      %shift_right_arithmetic3A_584 = vector.broadcast %shift_right_arithmetic3A_583 : i32 to vector<16xi32>
      %shift_right_arithmetic3A_585 = arith.shrsi %add3A_579, %shift_right_arithmetic3A_584 : vector<16xi32>
      %and3A_586 = arith.constant 15 : i32
      %and3A_587 = vector.broadcast %and3A_586 : i32 to vector<16xi32>
      %and3A_588 = arith.andi %add3A_579, %and3A_587 : vector<16xi32>
      %shift_right_arithmetic3A_589 = arith.constant 4 : i32
      %shift_right_arithmetic3A_590 = vector.broadcast %shift_right_arithmetic3A_589 : i32 to vector<16xi32>
      %shift_right_arithmetic3A_591 = arith.shrsi %add3A_580, %shift_right_arithmetic3A_590 : vector<16xi32>
      %and3A_592 = arith.constant 15 : i32
      %and3A_593 = vector.broadcast %and3A_592 : i32 to vector<16xi32>
      %and3A_594 = arith.andi %add3A_580, %and3A_593 : vector<16xi32>
      %shift_right_arithmetic3A_595 = arith.constant 4 : i32
      %shift_right_arithmetic3A_596 = vector.broadcast %shift_right_arithmetic3A_595 : i32 to vector<16xi32>
      %shift_right_arithmetic3A_597 = arith.shrsi %add3A_581, %shift_right_arithmetic3A_596 : vector<16xi32>
      %and3A_598 = arith.constant 15 : i32
      %and3A_599 = vector.broadcast %and3A_598 : i32 to vector<16xi32>
      %and3A_600 = arith.andi %add3A_581, %and3A_599 : vector<16xi32>
      %shift_right_arithmetic3A_601 = arith.constant 4 : i32
      %shift_right_arithmetic3A_602 = vector.broadcast %shift_right_arithmetic3A_601 : i32 to vector<16xi32>
      %shift_right_arithmetic3A_603 = arith.shrsi %add3A_582, %shift_right_arithmetic3A_602 : vector<16xi32>
      %and3A_604 = arith.constant 15 : i32
      %and3A_605 = vector.broadcast %and3A_604 : i32 to vector<16xi32>
      %and3A_606 = arith.andi %add3A_582, %and3A_605 : vector<16xi32>
      %gather3A_607 = tpu.vector_load_idx %arg18[%shift_right_arithmetic3A_585, %and3A_588] : memref<512x16xf32, #tpu.memory_space<vmem>>[vector<16xi32>, vector<16xi32>], vector<16xf32>,
      %gather3A_608 = tpu.vector_load_idx %arg19[%shift_right_arithmetic3A_585, %and3A_588] : memref<512x16xf32, #tpu.memory_space<vmem>>[vector<16xi32>, vector<16xi32>], vector<16xf32>,
      %gather3A_609 = tpu.vector_load_idx %arg18[%shift_right_arithmetic3A_591, %and3A_594] : memref<512x16xf32, #tpu.memory_space<vmem>>[vector<16xi32>, vector<16xi32>], vector<16xf32>,
      %gather3A_610 = tpu.vector_load_idx %arg19[%shift_right_arithmetic3A_591, %and3A_594] : memref<512x16xf32, #tpu.memory_space<vmem>>[vector<16xi32>, vector<16xi32>], vector<16xf32>,
      %gather3A_611 = tpu.vector_load_idx %arg20[%shift_right_arithmetic3A_597, %and3A_600] : memref<512x16xf32, #tpu.memory_space<vmem>>[vector<16xi32>, vector<16xi32>], vector<16xf32>,
      %gather3A_612 = tpu.vector_load_idx %arg21[%shift_right_arithmetic3A_597, %and3A_600] : memref<512x16xf32, #tpu.memory_space<vmem>>[vector<16xi32>, vector<16xi32>], vector<16xf32>,
      %gather3A_613 = tpu.vector_load_idx %arg20[%shift_right_arithmetic3A_603, %and3A_606] : memref<512x16xf32, #tpu.memory_space<vmem>>[vector<16xi32>, vector<16xi32>], vector<16xf32>,
      %gather3A_614 = tpu.vector_load_idx %arg21[%shift_right_arithmetic3A_603, %and3A_606] : memref<512x16xf32, #tpu.memory_space<vmem>>[vector<16xi32>, vector<16xi32>], vector<16xf32>,
      %gather3A_615 = tpu.vector_load_idx %arg22[%shift_right_arithmetic3A_597, %and3A_600] : memref<512x16xf32, #tpu.memory_space<vmem>>[vector<16xi32>, vector<16xi32>], vector<16xf32>,
      %gather3A_616 = tpu.vector_load_idx %arg22[%shift_right_arithmetic3A_603, %and3A_606] : memref<512x16xf32, #tpu.memory_space<vmem>>[vector<16xi32>, vector<16xi32>], vector<16xf32>,
      %sub3A_617 = arith.subf %gather3A_607, %gather3A_609 : vector<16xf32>
      %sub3A_618 = arith.subf %gather3A_611, %gather3A_613 : vector<16xf32>
      %sub3A_619 = arith.subf %sub3A_617, %sub3A_618 : vector<16xf32>
      %sub3A_620 = arith.subf %gather3A_608, %gather3A_610 : vector<16xf32>
      %sub3A_621 = arith.subf %gather3A_612, %gather3A_614 : vector<16xf32>
      %sub3A_622 = arith.subf %sub3A_620, %sub3A_621 : vector<16xf32>
      %abs3A_623 = math.absf %sub3A_619 : vector<16xf32>
      %abs3A_624 = math.absf %sub3A_622 : vector<16xf32>
      %add3A_625 = arith.addf %abs3A_623, %abs3A_624 : vector<16xf32>
      %mul3A_626 = arith.mulf %gather3A_615, %gather3A_616 : vector<16xf32>
      %mul3A_627 = arith.mulf %add3A_625, %mul3A_626 : vector<16xf32>
      %mul3A_628 = arith.mulf %mul3A_627, %get3A_75 : vector<16xf32>
      %add3A_629 = arith.addf %add3A_573, %mul3A_628 : vector<16xf32>
      %add3A_630 = arith.addf %add3A_574, %mul3A_626 : vector<16xf32>
      %get3A_631 = arith.constant 320 : index
      %get3A_632 = tpu.vector_load %arg25[%get3A_631] {strides = array<i32>} : memref<608xi32, #tpu.memory_space<vmem>>, vector<16xi32>,
      %get3A_633 = arith.constant 336 : index
      %get3A_634 = tpu.vector_load %arg25[%get3A_633] {strides = array<i32>} : memref<608xi32, #tpu.memory_space<vmem>>, vector<16xi32>,
      %add3A_635 = arith.addi %add3A_70, %get3A_632 : vector<16xi32>
      %add3A_636 = arith.addi %add3A_70, %get3A_634 : vector<16xi32>
      %add3A_637 = arith.addi %add3A_73, %get3A_632 : vector<16xi32>
      %add3A_638 = arith.addi %add3A_73, %get3A_634 : vector<16xi32>
      %shift_right_arithmetic3A_639 = arith.constant 4 : i32
      %shift_right_arithmetic3A_640 = vector.broadcast %shift_right_arithmetic3A_639 : i32 to vector<16xi32>
      %shift_right_arithmetic3A_641 = arith.shrsi %add3A_635, %shift_right_arithmetic3A_640 : vector<16xi32>
      %and3A_642 = arith.constant 15 : i32
      %and3A_643 = vector.broadcast %and3A_642 : i32 to vector<16xi32>
      %and3A_644 = arith.andi %add3A_635, %and3A_643 : vector<16xi32>
      %shift_right_arithmetic3A_645 = arith.constant 4 : i32
      %shift_right_arithmetic3A_646 = vector.broadcast %shift_right_arithmetic3A_645 : i32 to vector<16xi32>
      %shift_right_arithmetic3A_647 = arith.shrsi %add3A_636, %shift_right_arithmetic3A_646 : vector<16xi32>
      %and3A_648 = arith.constant 15 : i32
      %and3A_649 = vector.broadcast %and3A_648 : i32 to vector<16xi32>
      %and3A_650 = arith.andi %add3A_636, %and3A_649 : vector<16xi32>
      %shift_right_arithmetic3A_651 = arith.constant 4 : i32
      %shift_right_arithmetic3A_652 = vector.broadcast %shift_right_arithmetic3A_651 : i32 to vector<16xi32>
      %shift_right_arithmetic3A_653 = arith.shrsi %add3A_637, %shift_right_arithmetic3A_652 : vector<16xi32>
      %and3A_654 = arith.constant 15 : i32
      %and3A_655 = vector.broadcast %and3A_654 : i32 to vector<16xi32>
      %and3A_656 = arith.andi %add3A_637, %and3A_655 : vector<16xi32>
      %shift_right_arithmetic3A_657 = arith.constant 4 : i32
      %shift_right_arithmetic3A_658 = vector.broadcast %shift_right_arithmetic3A_657 : i32 to vector<16xi32>
      %shift_right_arithmetic3A_659 = arith.shrsi %add3A_638, %shift_right_arithmetic3A_658 : vector<16xi32>
      %and3A_660 = arith.constant 15 : i32
      %and3A_661 = vector.broadcast %and3A_660 : i32 to vector<16xi32>
      %and3A_662 = arith.andi %add3A_638, %and3A_661 : vector<16xi32>
      %gather3A_663 = tpu.vector_load_idx %arg18[%shift_right_arithmetic3A_641, %and3A_644] : memref<512x16xf32, #tpu.memory_space<vmem>>[vector<16xi32>, vector<16xi32>], vector<16xf32>,
      %gather3A_664 = tpu.vector_load_idx %arg19[%shift_right_arithmetic3A_641, %and3A_644] : memref<512x16xf32, #tpu.memory_space<vmem>>[vector<16xi32>, vector<16xi32>], vector<16xf32>,
      %gather3A_665 = tpu.vector_load_idx %arg18[%shift_right_arithmetic3A_647, %and3A_650] : memref<512x16xf32, #tpu.memory_space<vmem>>[vector<16xi32>, vector<16xi32>], vector<16xf32>,
      %gather3A_666 = tpu.vector_load_idx %arg19[%shift_right_arithmetic3A_647, %and3A_650] : memref<512x16xf32, #tpu.memory_space<vmem>>[vector<16xi32>, vector<16xi32>], vector<16xf32>,
      %gather3A_667 = tpu.vector_load_idx %arg20[%shift_right_arithmetic3A_653, %and3A_656] : memref<512x16xf32, #tpu.memory_space<vmem>>[vector<16xi32>, vector<16xi32>], vector<16xf32>,
      %gather3A_668 = tpu.vector_load_idx %arg21[%shift_right_arithmetic3A_653, %and3A_656] : memref<512x16xf32, #tpu.memory_space<vmem>>[vector<16xi32>, vector<16xi32>], vector<16xf32>,
      %gather3A_669 = tpu.vector_load_idx %arg20[%shift_right_arithmetic3A_659, %and3A_662] : memref<512x16xf32, #tpu.memory_space<vmem>>[vector<16xi32>, vector<16xi32>], vector<16xf32>,
      %gather3A_670 = tpu.vector_load_idx %arg21[%shift_right_arithmetic3A_659, %and3A_662] : memref<512x16xf32, #tpu.memory_space<vmem>>[vector<16xi32>, vector<16xi32>], vector<16xf32>,
      %gather3A_671 = tpu.vector_load_idx %arg22[%shift_right_arithmetic3A_653, %and3A_656] : memref<512x16xf32, #tpu.memory_space<vmem>>[vector<16xi32>, vector<16xi32>], vector<16xf32>,
      %gather3A_672 = tpu.vector_load_idx %arg22[%shift_right_arithmetic3A_659, %and3A_662] : memref<512x16xf32, #tpu.memory_space<vmem>>[vector<16xi32>, vector<16xi32>], vector<16xf32>,
      %sub3A_673 = arith.subf %gather3A_663, %gather3A_665 : vector<16xf32>
      %sub3A_674 = arith.subf %gather3A_667, %gather3A_669 : vector<16xf32>
      %sub3A_675 = arith.subf %sub3A_673, %sub3A_674 : vector<16xf32>
      %sub3A_676 = arith.subf %gather3A_664, %gather3A_666 : vector<16xf32>
      %sub3A_677 = arith.subf %gather3A_668, %gather3A_670 : vector<16xf32>
      %sub3A_678 = arith.subf %sub3A_676, %sub3A_677 : vector<16xf32>
      %abs3A_679 = math.absf %sub3A_675 : vector<16xf32>
      %abs3A_680 = math.absf %sub3A_678 : vector<16xf32>
      %add3A_681 = arith.addf %abs3A_679, %abs3A_680 : vector<16xf32>
      %mul3A_682 = arith.mulf %gather3A_671, %gather3A_672 : vector<16xf32>
      %mul3A_683 = arith.mulf %add3A_681, %mul3A_682 : vector<16xf32>
      %mul3A_684 = arith.mulf %mul3A_683, %get3A_75 : vector<16xf32>
      %add3A_685 = arith.addf %add3A_629, %mul3A_684 : vector<16xf32>
      %add3A_686 = arith.addf %add3A_630, %mul3A_682 : vector<16xf32>
      %get3A_687 = arith.constant 352 : index
      %get3A_688 = tpu.vector_load %arg25[%get3A_687] {strides = array<i32>} : memref<608xi32, #tpu.memory_space<vmem>>, vector<16xi32>,
      %get3A_689 = arith.constant 368 : index
      %get3A_690 = tpu.vector_load %arg25[%get3A_689] {strides = array<i32>} : memref<608xi32, #tpu.memory_space<vmem>>, vector<16xi32>,
      %add3A_691 = arith.addi %add3A_70, %get3A_688 : vector<16xi32>
      %add3A_692 = arith.addi %add3A_70, %get3A_690 : vector<16xi32>
      %add3A_693 = arith.addi %add3A_73, %get3A_688 : vector<16xi32>
      %add3A_694 = arith.addi %add3A_73, %get3A_690 : vector<16xi32>
      %shift_right_arithmetic3A_695 = arith.constant 4 : i32
      %shift_right_arithmetic3A_696 = vector.broadcast %shift_right_arithmetic3A_695 : i32 to vector<16xi32>
      %shift_right_arithmetic3A_697 = arith.shrsi %add3A_691, %shift_right_arithmetic3A_696 : vector<16xi32>
      %and3A_698 = arith.constant 15 : i32
      %and3A_699 = vector.broadcast %and3A_698 : i32 to vector<16xi32>
      %and3A_700 = arith.andi %add3A_691, %and3A_699 : vector<16xi32>
      %shift_right_arithmetic3A_701 = arith.constant 4 : i32
      %shift_right_arithmetic3A_702 = vector.broadcast %shift_right_arithmetic3A_701 : i32 to vector<16xi32>
      %shift_right_arithmetic3A_703 = arith.shrsi %add3A_692, %shift_right_arithmetic3A_702 : vector<16xi32>
      %and3A_704 = arith.constant 15 : i32
      %and3A_705 = vector.broadcast %and3A_704 : i32 to vector<16xi32>
      %and3A_706 = arith.andi %add3A_692, %and3A_705 : vector<16xi32>
      %shift_right_arithmetic3A_707 = arith.constant 4 : i32
      %shift_right_arithmetic3A_708 = vector.broadcast %shift_right_arithmetic3A_707 : i32 to vector<16xi32>
      %shift_right_arithmetic3A_709 = arith.shrsi %add3A_693, %shift_right_arithmetic3A_708 : vector<16xi32>
      %and3A_710 = arith.constant 15 : i32
      %and3A_711 = vector.broadcast %and3A_710 : i32 to vector<16xi32>
      %and3A_712 = arith.andi %add3A_693, %and3A_711 : vector<16xi32>
      %shift_right_arithmetic3A_713 = arith.constant 4 : i32
      %shift_right_arithmetic3A_714 = vector.broadcast %shift_right_arithmetic3A_713 : i32 to vector<16xi32>
      %shift_right_arithmetic3A_715 = arith.shrsi %add3A_694, %shift_right_arithmetic3A_714 : vector<16xi32>
      %and3A_716 = arith.constant 15 : i32
      %and3A_717 = vector.broadcast %and3A_716 : i32 to vector<16xi32>
      %and3A_718 = arith.andi %add3A_694, %and3A_717 : vector<16xi32>
      %gather3A_719 = tpu.vector_load_idx %arg18[%shift_right_arithmetic3A_697, %and3A_700] : memref<512x16xf32, #tpu.memory_space<vmem>>[vector<16xi32>, vector<16xi32>], vector<16xf32>,
      %gather3A_720 = tpu.vector_load_idx %arg19[%shift_right_arithmetic3A_697, %and3A_700] : memref<512x16xf32, #tpu.memory_space<vmem>>[vector<16xi32>, vector<16xi32>], vector<16xf32>,
      %gather3A_721 = tpu.vector_load_idx %arg18[%shift_right_arithmetic3A_703, %and3A_706] : memref<512x16xf32, #tpu.memory_space<vmem>>[vector<16xi32>, vector<16xi32>], vector<16xf32>,
      %gather3A_722 = tpu.vector_load_idx %arg19[%shift_right_arithmetic3A_703, %and3A_706] : memref<512x16xf32, #tpu.memory_space<vmem>>[vector<16xi32>, vector<16xi32>], vector<16xf32>,
      %gather3A_723 = tpu.vector_load_idx %arg20[%shift_right_arithmetic3A_709, %and3A_712] : memref<512x16xf32, #tpu.memory_space<vmem>>[vector<16xi32>, vector<16xi32>], vector<16xf32>,
      %gather3A_724 = tpu.vector_load_idx %arg21[%shift_right_arithmetic3A_709, %and3A_712] : memref<512x16xf32, #tpu.memory_space<vmem>>[vector<16xi32>, vector<16xi32>], vector<16xf32>,
      %gather3A_725 = tpu.vector_load_idx %arg20[%shift_right_arithmetic3A_715, %and3A_718] : memref<512x16xf32, #tpu.memory_space<vmem>>[vector<16xi32>, vector<16xi32>], vector<16xf32>,
      %gather3A_726 = tpu.vector_load_idx %arg21[%shift_right_arithmetic3A_715, %and3A_718] : memref<512x16xf32, #tpu.memory_space<vmem>>[vector<16xi32>, vector<16xi32>], vector<16xf32>,
      %gather3A_727 = tpu.vector_load_idx %arg22[%shift_right_arithmetic3A_709, %and3A_712] : memref<512x16xf32, #tpu.memory_space<vmem>>[vector<16xi32>, vector<16xi32>], vector<16xf32>,
      %gather3A_728 = tpu.vector_load_idx %arg22[%shift_right_arithmetic3A_715, %and3A_718] : memref<512x16xf32, #tpu.memory_space<vmem>>[vector<16xi32>, vector<16xi32>], vector<16xf32>,
      %sub3A_729 = arith.subf %gather3A_719, %gather3A_721 : vector<16xf32>
      %sub3A_730 = arith.subf %gather3A_723, %gather3A_725 : vector<16xf32>
      %sub3A_731 = arith.subf %sub3A_729, %sub3A_730 : vector<16xf32>
      %sub3A_732 = arith.subf %gather3A_720, %gather3A_722 : vector<16xf32>
      %sub3A_733 = arith.subf %gather3A_724, %gather3A_726 : vector<16xf32>
      %sub3A_734 = arith.subf %sub3A_732, %sub3A_733 : vector<16xf32>
      %abs3A_735 = math.absf %sub3A_731 : vector<16xf32>
      %abs3A_736 = math.absf %sub3A_734 : vector<16xf32>
      %add3A_737 = arith.addf %abs3A_735, %abs3A_736 : vector<16xf32>
      %mul3A_738 = arith.mulf %gather3A_727, %gather3A_728 : vector<16xf32>
      %mul3A_739 = arith.mulf %add3A_737, %mul3A_738 : vector<16xf32>
      %mul3A_740 = arith.mulf %mul3A_739, %get3A_75 : vector<16xf32>
      %add3A_741 = arith.addf %add3A_685, %mul3A_740 : vector<16xf32>
      %add3A_742 = arith.addf %add3A_686, %mul3A_738 : vector<16xf32>
      %get3A_743 = arith.constant 384 : index
      %get3A_744 = tpu.vector_load %arg25[%get3A_743] {strides = array<i32>} : memref<608xi32, #tpu.memory_space<vmem>>, vector<16xi32>,
      %get3A_745 = arith.constant 400 : index
      %get3A_746 = tpu.vector_load %arg25[%get3A_745] {strides = array<i32>} : memref<608xi32, #tpu.memory_space<vmem>>, vector<16xi32>,
      %add3A_747 = arith.addi %add3A_70, %get3A_744 : vector<16xi32>
      %add3A_748 = arith.addi %add3A_70, %get3A_746 : vector<16xi32>
      %add3A_749 = arith.addi %add3A_73, %get3A_744 : vector<16xi32>
      %add3A_750 = arith.addi %add3A_73, %get3A_746 : vector<16xi32>
      %shift_right_arithmetic3A_751 = arith.constant 4 : i32
      %shift_right_arithmetic3A_752 = vector.broadcast %shift_right_arithmetic3A_751 : i32 to vector<16xi32>
      %shift_right_arithmetic3A_753 = arith.shrsi %add3A_747, %shift_right_arithmetic3A_752 : vector<16xi32>
      %and3A_754 = arith.constant 15 : i32
      %and3A_755 = vector.broadcast %and3A_754 : i32 to vector<16xi32>
      %and3A_756 = arith.andi %add3A_747, %and3A_755 : vector<16xi32>
      %shift_right_arithmetic3A_757 = arith.constant 4 : i32
      %shift_right_arithmetic3A_758 = vector.broadcast %shift_right_arithmetic3A_757 : i32 to vector<16xi32>
      %shift_right_arithmetic3A_759 = arith.shrsi %add3A_748, %shift_right_arithmetic3A_758 : vector<16xi32>
      %and3A_760 = arith.constant 15 : i32
      %and3A_761 = vector.broadcast %and3A_760 : i32 to vector<16xi32>
      %and3A_762 = arith.andi %add3A_748, %and3A_761 : vector<16xi32>
      %shift_right_arithmetic3A_763 = arith.constant 4 : i32
      %shift_right_arithmetic3A_764 = vector.broadcast %shift_right_arithmetic3A_763 : i32 to vector<16xi32>
      %shift_right_arithmetic3A_765 = arith.shrsi %add3A_749, %shift_right_arithmetic3A_764 : vector<16xi32>
      %and3A_766 = arith.constant 15 : i32
      %and3A_767 = vector.broadcast %and3A_766 : i32 to vector<16xi32>
      %and3A_768 = arith.andi %add3A_749, %and3A_767 : vector<16xi32>
      %shift_right_arithmetic3A_769 = arith.constant 4 : i32
      %shift_right_arithmetic3A_770 = vector.broadcast %shift_right_arithmetic3A_769 : i32 to vector<16xi32>
      %shift_right_arithmetic3A_771 = arith.shrsi %add3A_750, %shift_right_arithmetic3A_770 : vector<16xi32>
      %and3A_772 = arith.constant 15 : i32
      %and3A_773 = vector.broadcast %and3A_772 : i32 to vector<16xi32>
      %and3A_774 = arith.andi %add3A_750, %and3A_773 : vector<16xi32>
      %gather3A_775 = tpu.vector_load_idx %arg18[%shift_right_arithmetic3A_753, %and3A_756] : memref<512x16xf32, #tpu.memory_space<vmem>>[vector<16xi32>, vector<16xi32>], vector<16xf32>,
      %gather3A_776 = tpu.vector_load_idx %arg19[%shift_right_arithmetic3A_753, %and3A_756] : memref<512x16xf32, #tpu.memory_space<vmem>>[vector<16xi32>, vector<16xi32>], vector<16xf32>,
      %gather3A_777 = tpu.vector_load_idx %arg18[%shift_right_arithmetic3A_759, %and3A_762] : memref<512x16xf32, #tpu.memory_space<vmem>>[vector<16xi32>, vector<16xi32>], vector<16xf32>,
      %gather3A_778 = tpu.vector_load_idx %arg19[%shift_right_arithmetic3A_759, %and3A_762] : memref<512x16xf32, #tpu.memory_space<vmem>>[vector<16xi32>, vector<16xi32>], vector<16xf32>,
      %gather3A_779 = tpu.vector_load_idx %arg20[%shift_right_arithmetic3A_765, %and3A_768] : memref<512x16xf32, #tpu.memory_space<vmem>>[vector<16xi32>, vector<16xi32>], vector<16xf32>,
      %gather3A_780 = tpu.vector_load_idx %arg21[%shift_right_arithmetic3A_765, %and3A_768] : memref<512x16xf32, #tpu.memory_space<vmem>>[vector<16xi32>, vector<16xi32>], vector<16xf32>,
      %gather3A_781 = tpu.vector_load_idx %arg20[%shift_right_arithmetic3A_771, %and3A_774] : memref<512x16xf32, #tpu.memory_space<vmem>>[vector<16xi32>, vector<16xi32>], vector<16xf32>,
      %gather3A_782 = tpu.vector_load_idx %arg21[%shift_right_arithmetic3A_771, %and3A_774] : memref<512x16xf32, #tpu.memory_space<vmem>>[vector<16xi32>, vector<16xi32>], vector<16xf32>,
      %gather3A_783 = tpu.vector_load_idx %arg22[%shift_right_arithmetic3A_765, %and3A_768] : memref<512x16xf32, #tpu.memory_space<vmem>>[vector<16xi32>, vector<16xi32>], vector<16xf32>,
      %gather3A_784 = tpu.vector_load_idx %arg22[%shift_right_arithmetic3A_771, %and3A_774] : memref<512x16xf32, #tpu.memory_space<vmem>>[vector<16xi32>, vector<16xi32>], vector<16xf32>,
      %sub3A_785 = arith.subf %gather3A_775, %gather3A_777 : vector<16xf32>
      %sub3A_786 = arith.subf %gather3A_779, %gather3A_781 : vector<16xf32>
      %sub3A_787 = arith.subf %sub3A_785, %sub3A_786 : vector<16xf32>
      %sub3A_788 = arith.subf %gather3A_776, %gather3A_778 : vector<16xf32>
      %sub3A_789 = arith.subf %gather3A_780, %gather3A_782 : vector<16xf32>
      %sub3A_790 = arith.subf %sub3A_788, %sub3A_789 : vector<16xf32>
      %abs3A_791 = math.absf %sub3A_787 : vector<16xf32>
      %abs3A_792 = math.absf %sub3A_790 : vector<16xf32>
      %add3A_793 = arith.addf %abs3A_791, %abs3A_792 : vector<16xf32>
      %mul3A_794 = arith.mulf %gather3A_783, %gather3A_784 : vector<16xf32>
      %mul3A_795 = arith.mulf %add3A_793, %mul3A_794 : vector<16xf32>
      %mul3A_796 = arith.mulf %mul3A_795, %get3A_75 : vector<16xf32>
      %add3A_797 = arith.addf %add3A_741, %mul3A_796 : vector<16xf32>
      %add3A_798 = arith.addf %add3A_742, %mul3A_794 : vector<16xf32>
      %get3A_799 = arith.constant 416 : index
      %get3A_800 = tpu.vector_load %arg25[%get3A_799] {strides = array<i32>} : memref<608xi32, #tpu.memory_space<vmem>>, vector<16xi32>,
      %get3A_801 = arith.constant 432 : index
      %get3A_802 = tpu.vector_load %arg25[%get3A_801] {strides = array<i32>} : memref<608xi32, #tpu.memory_space<vmem>>, vector<16xi32>,
      %add3A_803 = arith.addi %add3A_70, %get3A_800 : vector<16xi32>
      %add3A_804 = arith.addi %add3A_70, %get3A_802 : vector<16xi32>
      %add3A_805 = arith.addi %add3A_73, %get3A_800 : vector<16xi32>
      %add3A_806 = arith.addi %add3A_73, %get3A_802 : vector<16xi32>
      %shift_right_arithmetic3A_807 = arith.constant 4 : i32
      %shift_right_arithmetic3A_808 = vector.broadcast %shift_right_arithmetic3A_807 : i32 to vector<16xi32>
      %shift_right_arithmetic3A_809 = arith.shrsi %add3A_803, %shift_right_arithmetic3A_808 : vector<16xi32>
      %and3A_810 = arith.constant 15 : i32
      %and3A_811 = vector.broadcast %and3A_810 : i32 to vector<16xi32>
      %and3A_812 = arith.andi %add3A_803, %and3A_811 : vector<16xi32>
      %shift_right_arithmetic3A_813 = arith.constant 4 : i32
      %shift_right_arithmetic3A_814 = vector.broadcast %shift_right_arithmetic3A_813 : i32 to vector<16xi32>
      %shift_right_arithmetic3A_815 = arith.shrsi %add3A_804, %shift_right_arithmetic3A_814 : vector<16xi32>
      %and3A_816 = arith.constant 15 : i32
      %and3A_817 = vector.broadcast %and3A_816 : i32 to vector<16xi32>
      %and3A_818 = arith.andi %add3A_804, %and3A_817 : vector<16xi32>
      %shift_right_arithmetic3A_819 = arith.constant 4 : i32
      %shift_right_arithmetic3A_820 = vector.broadcast %shift_right_arithmetic3A_819 : i32 to vector<16xi32>
      %shift_right_arithmetic3A_821 = arith.shrsi %add3A_805, %shift_right_arithmetic3A_820 : vector<16xi32>
      %and3A_822 = arith.constant 15 : i32
      %and3A_823 = vector.broadcast %and3A_822 : i32 to vector<16xi32>
      %and3A_824 = arith.andi %add3A_805, %and3A_823 : vector<16xi32>
      %shift_right_arithmetic3A_825 = arith.constant 4 : i32
      %shift_right_arithmetic3A_826 = vector.broadcast %shift_right_arithmetic3A_825 : i32 to vector<16xi32>
      %shift_right_arithmetic3A_827 = arith.shrsi %add3A_806, %shift_right_arithmetic3A_826 : vector<16xi32>
      %and3A_828 = arith.constant 15 : i32
      %and3A_829 = vector.broadcast %and3A_828 : i32 to vector<16xi32>
      %and3A_830 = arith.andi %add3A_806, %and3A_829 : vector<16xi32>
      %gather3A_831 = tpu.vector_load_idx %arg18[%shift_right_arithmetic3A_809, %and3A_812] : memref<512x16xf32, #tpu.memory_space<vmem>>[vector<16xi32>, vector<16xi32>], vector<16xf32>,
      %gather3A_832 = tpu.vector_load_idx %arg19[%shift_right_arithmetic3A_809, %and3A_812] : memref<512x16xf32, #tpu.memory_space<vmem>>[vector<16xi32>, vector<16xi32>], vector<16xf32>,
      %gather3A_833 = tpu.vector_load_idx %arg18[%shift_right_arithmetic3A_815, %and3A_818] : memref<512x16xf32, #tpu.memory_space<vmem>>[vector<16xi32>, vector<16xi32>], vector<16xf32>,
      %gather3A_834 = tpu.vector_load_idx %arg19[%shift_right_arithmetic3A_815, %and3A_818] : memref<512x16xf32, #tpu.memory_space<vmem>>[vector<16xi32>, vector<16xi32>], vector<16xf32>,
      %gather3A_835 = tpu.vector_load_idx %arg20[%shift_right_arithmetic3A_821, %and3A_824] : memref<512x16xf32, #tpu.memory_space<vmem>>[vector<16xi32>, vector<16xi32>], vector<16xf32>,
      %gather3A_836 = tpu.vector_load_idx %arg21[%shift_right_arithmetic3A_821, %and3A_824] : memref<512x16xf32, #tpu.memory_space<vmem>>[vector<16xi32>, vector<16xi32>], vector<16xf32>,
      %gather3A_837 = tpu.vector_load_idx %arg20[%shift_right_arithmetic3A_827, %and3A_830] : memref<512x16xf32, #tpu.memory_space<vmem>>[vector<16xi32>, vector<16xi32>], vector<16xf32>,
      %gather3A_838 = tpu.vector_load_idx %arg21[%shift_right_arithmetic3A_827, %and3A_830] : memref<512x16xf32, #tpu.memory_space<vmem>>[vector<16xi32>, vector<16xi32>], vector<16xf32>,
      %gather3A_839 = tpu.vector_load_idx %arg22[%shift_right_arithmetic3A_821, %and3A_824] : memref<512x16xf32, #tpu.memory_space<vmem>>[vector<16xi32>, vector<16xi32>], vector<16xf32>,
      %gather3A_840 = tpu.vector_load_idx %arg22[%shift_right_arithmetic3A_827, %and3A_830] : memref<512x16xf32, #tpu.memory_space<vmem>>[vector<16xi32>, vector<16xi32>], vector<16xf32>,
      %sub3A_841 = arith.subf %gather3A_831, %gather3A_833 : vector<16xf32>
      %sub3A_842 = arith.subf %gather3A_835, %gather3A_837 : vector<16xf32>
      %sub3A_843 = arith.subf %sub3A_841, %sub3A_842 : vector<16xf32>
      %sub3A_844 = arith.subf %gather3A_832, %gather3A_834 : vector<16xf32>
      %sub3A_845 = arith.subf %gather3A_836, %gather3A_838 : vector<16xf32>
      %sub3A_846 = arith.subf %sub3A_844, %sub3A_845 : vector<16xf32>
      %abs3A_847 = math.absf %sub3A_843 : vector<16xf32>
      %abs3A_848 = math.absf %sub3A_846 : vector<16xf32>
      %add3A_849 = arith.addf %abs3A_847, %abs3A_848 : vector<16xf32>
      %mul3A_850 = arith.mulf %gather3A_839, %gather3A_840 : vector<16xf32>
      %mul3A_851 = arith.mulf %add3A_849, %mul3A_850 : vector<16xf32>
      %mul3A_852 = arith.mulf %mul3A_851, %get3A_75 : vector<16xf32>
      %add3A_853 = arith.addf %add3A_797, %mul3A_852 : vector<16xf32>
      %add3A_854 = arith.addf %add3A_798, %mul3A_850 : vector<16xf32>
      %get3A_855 = arith.constant 448 : index
      %get3A_856 = tpu.vector_load %arg25[%get3A_855] {strides = array<i32>} : memref<608xi32, #tpu.memory_space<vmem>>, vector<16xi32>,
      %get3A_857 = arith.constant 464 : index
      %get3A_858 = tpu.vector_load %arg25[%get3A_857] {strides = array<i32>} : memref<608xi32, #tpu.memory_space<vmem>>, vector<16xi32>,
      %add3A_859 = arith.addi %add3A_70, %get3A_856 : vector<16xi32>
      %add3A_860 = arith.addi %add3A_70, %get3A_858 : vector<16xi32>
      %add3A_861 = arith.addi %add3A_73, %get3A_856 : vector<16xi32>
      %add3A_862 = arith.addi %add3A_73, %get3A_858 : vector<16xi32>
      %shift_right_arithmetic3A_863 = arith.constant 4 : i32
      %shift_right_arithmetic3A_864 = vector.broadcast %shift_right_arithmetic3A_863 : i32 to vector<16xi32>
      %shift_right_arithmetic3A_865 = arith.shrsi %add3A_859, %shift_right_arithmetic3A_864 : vector<16xi32>
      %and3A_866 = arith.constant 15 : i32
      %and3A_867 = vector.broadcast %and3A_866 : i32 to vector<16xi32>
      %and3A_868 = arith.andi %add3A_859, %and3A_867 : vector<16xi32>
      %shift_right_arithmetic3A_869 = arith.constant 4 : i32
      %shift_right_arithmetic3A_870 = vector.broadcast %shift_right_arithmetic3A_869 : i32 to vector<16xi32>
      %shift_right_arithmetic3A_871 = arith.shrsi %add3A_860, %shift_right_arithmetic3A_870 : vector<16xi32>
      %and3A_872 = arith.constant 15 : i32
      %and3A_873 = vector.broadcast %and3A_872 : i32 to vector<16xi32>
      %and3A_874 = arith.andi %add3A_860, %and3A_873 : vector<16xi32>
      %shift_right_arithmetic3A_875 = arith.constant 4 : i32
      %shift_right_arithmetic3A_876 = vector.broadcast %shift_right_arithmetic3A_875 : i32 to vector<16xi32>
      %shift_right_arithmetic3A_877 = arith.shrsi %add3A_861, %shift_right_arithmetic3A_876 : vector<16xi32>
      %and3A_878 = arith.constant 15 : i32
      %and3A_879 = vector.broadcast %and3A_878 : i32 to vector<16xi32>
      %and3A_880 = arith.andi %add3A_861, %and3A_879 : vector<16xi32>
      %shift_right_arithmetic3A_881 = arith.constant 4 : i32
      %shift_right_arithmetic3A_882 = vector.broadcast %shift_right_arithmetic3A_881 : i32 to vector<16xi32>
      %shift_right_arithmetic3A_883 = arith.shrsi %add3A_862, %shift_right_arithmetic3A_882 : vector<16xi32>
      %and3A_884 = arith.constant 15 : i32
      %and3A_885 = vector.broadcast %and3A_884 : i32 to vector<16xi32>
      %and3A_886 = arith.andi %add3A_862, %and3A_885 : vector<16xi32>
      %gather3A_887 = tpu.vector_load_idx %arg18[%shift_right_arithmetic3A_865, %and3A_868] : memref<512x16xf32, #tpu.memory_space<vmem>>[vector<16xi32>, vector<16xi32>], vector<16xf32>,
      %gather3A_888 = tpu.vector_load_idx %arg19[%shift_right_arithmetic3A_865, %and3A_868] : memref<512x16xf32, #tpu.memory_space<vmem>>[vector<16xi32>, vector<16xi32>], vector<16xf32>,
      %gather3A_889 = tpu.vector_load_idx %arg18[%shift_right_arithmetic3A_871, %and3A_874] : memref<512x16xf32, #tpu.memory_space<vmem>>[vector<16xi32>, vector<16xi32>], vector<16xf32>,
      %gather3A_890 = tpu.vector_load_idx %arg19[%shift_right_arithmetic3A_871, %and3A_874] : memref<512x16xf32, #tpu.memory_space<vmem>>[vector<16xi32>, vector<16xi32>], vector<16xf32>,
      %gather3A_891 = tpu.vector_load_idx %arg20[%shift_right_arithmetic3A_877, %and3A_880] : memref<512x16xf32, #tpu.memory_space<vmem>>[vector<16xi32>, vector<16xi32>], vector<16xf32>,
      %gather3A_892 = tpu.vector_load_idx %arg21[%shift_right_arithmetic3A_877, %and3A_880] : memref<512x16xf32, #tpu.memory_space<vmem>>[vector<16xi32>, vector<16xi32>], vector<16xf32>,
      %gather3A_893 = tpu.vector_load_idx %arg20[%shift_right_arithmetic3A_883, %and3A_886] : memref<512x16xf32, #tpu.memory_space<vmem>>[vector<16xi32>, vector<16xi32>], vector<16xf32>,
      %gather3A_894 = tpu.vector_load_idx %arg21[%shift_right_arithmetic3A_883, %and3A_886] : memref<512x16xf32, #tpu.memory_space<vmem>>[vector<16xi32>, vector<16xi32>], vector<16xf32>,
      %gather3A_895 = tpu.vector_load_idx %arg22[%shift_right_arithmetic3A_877, %and3A_880] : memref<512x16xf32, #tpu.memory_space<vmem>>[vector<16xi32>, vector<16xi32>], vector<16xf32>,
      %gather3A_896 = tpu.vector_load_idx %arg22[%shift_right_arithmetic3A_883, %and3A_886] : memref<512x16xf32, #tpu.memory_space<vmem>>[vector<16xi32>, vector<16xi32>], vector<16xf32>,
      %sub3A_897 = arith.subf %gather3A_887, %gather3A_889 : vector<16xf32>
      %sub3A_898 = arith.subf %gather3A_891, %gather3A_893 : vector<16xf32>
      %sub3A_899 = arith.subf %sub3A_897, %sub3A_898 : vector<16xf32>
      %sub3A_900 = arith.subf %gather3A_888, %gather3A_890 : vector<16xf32>
      %sub3A_901 = arith.subf %gather3A_892, %gather3A_894 : vector<16xf32>
      %sub3A_902 = arith.subf %sub3A_900, %sub3A_901 : vector<16xf32>
      %abs3A_903 = math.absf %sub3A_899 : vector<16xf32>
      %abs3A_904 = math.absf %sub3A_902 : vector<16xf32>
      %add3A_905 = arith.addf %abs3A_903, %abs3A_904 : vector<16xf32>
      %mul3A_906 = arith.mulf %gather3A_895, %gather3A_896 : vector<16xf32>
      %mul3A_907 = arith.mulf %add3A_905, %mul3A_906 : vector<16xf32>
      %mul3A_908 = arith.mulf %mul3A_907, %get3A_75 : vector<16xf32>
      %add3A_909 = arith.addf %add3A_853, %mul3A_908 : vector<16xf32>
      %add3A_910 = arith.addf %add3A_854, %mul3A_906 : vector<16xf32>
      %get3A_911 = arith.constant 480 : index
      %get3A_912 = tpu.vector_load %arg25[%get3A_911] {strides = array<i32>} : memref<608xi32, #tpu.memory_space<vmem>>, vector<16xi32>,
      %get3A_913 = arith.constant 496 : index
      %get3A_914 = tpu.vector_load %arg25[%get3A_913] {strides = array<i32>} : memref<608xi32, #tpu.memory_space<vmem>>, vector<16xi32>,
      %add3A_915 = arith.addi %add3A_70, %get3A_912 : vector<16xi32>
      %add3A_916 = arith.addi %add3A_70, %get3A_914 : vector<16xi32>
      %add3A_917 = arith.addi %add3A_73, %get3A_912 : vector<16xi32>
      %add3A_918 = arith.addi %add3A_73, %get3A_914 : vector<16xi32>
      %shift_right_arithmetic3A_919 = arith.constant 4 : i32
      %shift_right_arithmetic3A_920 = vector.broadcast %shift_right_arithmetic3A_919 : i32 to vector<16xi32>
      %shift_right_arithmetic3A_921 = arith.shrsi %add3A_915, %shift_right_arithmetic3A_920 : vector<16xi32>
      %and3A_922 = arith.constant 15 : i32
      %and3A_923 = vector.broadcast %and3A_922 : i32 to vector<16xi32>
      %and3A_924 = arith.andi %add3A_915, %and3A_923 : vector<16xi32>
      %shift_right_arithmetic3A_925 = arith.constant 4 : i32
      %shift_right_arithmetic3A_926 = vector.broadcast %shift_right_arithmetic3A_925 : i32 to vector<16xi32>
      %shift_right_arithmetic3A_927 = arith.shrsi %add3A_916, %shift_right_arithmetic3A_926 : vector<16xi32>
      %and3A_928 = arith.constant 15 : i32
      %and3A_929 = vector.broadcast %and3A_928 : i32 to vector<16xi32>
      %and3A_930 = arith.andi %add3A_916, %and3A_929 : vector<16xi32>
      %shift_right_arithmetic3A_931 = arith.constant 4 : i32
      %shift_right_arithmetic3A_932 = vector.broadcast %shift_right_arithmetic3A_931 : i32 to vector<16xi32>
      %shift_right_arithmetic3A_933 = arith.shrsi %add3A_917, %shift_right_arithmetic3A_932 : vector<16xi32>
      %and3A_934 = arith.constant 15 : i32
      %and3A_935 = vector.broadcast %and3A_934 : i32 to vector<16xi32>
      %and3A_936 = arith.andi %add3A_917, %and3A_935 : vector<16xi32>
      %shift_right_arithmetic3A_937 = arith.constant 4 : i32
      %shift_right_arithmetic3A_938 = vector.broadcast %shift_right_arithmetic3A_937 : i32 to vector<16xi32>
      %shift_right_arithmetic3A_939 = arith.shrsi %add3A_918, %shift_right_arithmetic3A_938 : vector<16xi32>
      %and3A_940 = arith.constant 15 : i32
      %and3A_941 = vector.broadcast %and3A_940 : i32 to vector<16xi32>
      %and3A_942 = arith.andi %add3A_918, %and3A_941 : vector<16xi32>
      %gather3A_943 = tpu.vector_load_idx %arg18[%shift_right_arithmetic3A_921, %and3A_924] : memref<512x16xf32, #tpu.memory_space<vmem>>[vector<16xi32>, vector<16xi32>], vector<16xf32>,
      %gather3A_944 = tpu.vector_load_idx %arg19[%shift_right_arithmetic3A_921, %and3A_924] : memref<512x16xf32, #tpu.memory_space<vmem>>[vector<16xi32>, vector<16xi32>], vector<16xf32>,
      %gather3A_945 = tpu.vector_load_idx %arg18[%shift_right_arithmetic3A_927, %and3A_930] : memref<512x16xf32, #tpu.memory_space<vmem>>[vector<16xi32>, vector<16xi32>], vector<16xf32>,
      %gather3A_946 = tpu.vector_load_idx %arg19[%shift_right_arithmetic3A_927, %and3A_930] : memref<512x16xf32, #tpu.memory_space<vmem>>[vector<16xi32>, vector<16xi32>], vector<16xf32>,
      %gather3A_947 = tpu.vector_load_idx %arg20[%shift_right_arithmetic3A_933, %and3A_936] : memref<512x16xf32, #tpu.memory_space<vmem>>[vector<16xi32>, vector<16xi32>], vector<16xf32>,
      %gather3A_948 = tpu.vector_load_idx %arg21[%shift_right_arithmetic3A_933, %and3A_936] : memref<512x16xf32, #tpu.memory_space<vmem>>[vector<16xi32>, vector<16xi32>], vector<16xf32>,
      %gather3A_949 = tpu.vector_load_idx %arg20[%shift_right_arithmetic3A_939, %and3A_942] : memref<512x16xf32, #tpu.memory_space<vmem>>[vector<16xi32>, vector<16xi32>], vector<16xf32>,
      %gather3A_950 = tpu.vector_load_idx %arg21[%shift_right_arithmetic3A_939, %and3A_942] : memref<512x16xf32, #tpu.memory_space<vmem>>[vector<16xi32>, vector<16xi32>], vector<16xf32>,
      %gather3A_951 = tpu.vector_load_idx %arg22[%shift_right_arithmetic3A_933, %and3A_936] : memref<512x16xf32, #tpu.memory_space<vmem>>[vector<16xi32>, vector<16xi32>], vector<16xf32>,
      %gather3A_952 = tpu.vector_load_idx %arg22[%shift_right_arithmetic3A_939, %and3A_942] : memref<512x16xf32, #tpu.memory_space<vmem>>[vector<16xi32>, vector<16xi32>], vector<16xf32>,
      %sub3A_953 = arith.subf %gather3A_943, %gather3A_945 : vector<16xf32>
      %sub3A_954 = arith.subf %gather3A_947, %gather3A_949 : vector<16xf32>
      %sub3A_955 = arith.subf %sub3A_953, %sub3A_954 : vector<16xf32>
      %sub3A_956 = arith.subf %gather3A_944, %gather3A_946 : vector<16xf32>
      %sub3A_957 = arith.subf %gather3A_948, %gather3A_950 : vector<16xf32>
      %sub3A_958 = arith.subf %sub3A_956, %sub3A_957 : vector<16xf32>
      %abs3A_959 = math.absf %sub3A_955 : vector<16xf32>
      %abs3A_960 = math.absf %sub3A_958 : vector<16xf32>
      %add3A_961 = arith.addf %abs3A_959, %abs3A_960 : vector<16xf32>
      %mul3A_962 = arith.mulf %gather3A_951, %gather3A_952 : vector<16xf32>
      %mul3A_963 = arith.mulf %add3A_961, %mul3A_962 : vector<16xf32>
      %mul3A_964 = arith.mulf %mul3A_963, %get3A_75 : vector<16xf32>
      %add3A_965 = arith.addf %add3A_909, %mul3A_964 : vector<16xf32>
      %add3A_966 = arith.addf %add3A_910, %mul3A_962 : vector<16xf32>
      %get3A_967 = arith.constant 512 : index
      %get3A_968 = tpu.vector_load %arg25[%get3A_967] {strides = array<i32>} : memref<608xi32, #tpu.memory_space<vmem>>, vector<16xi32>,
      %get3A_969 = arith.constant 528 : index
      %get3A_970 = tpu.vector_load %arg25[%get3A_969] {strides = array<i32>} : memref<608xi32, #tpu.memory_space<vmem>>, vector<16xi32>,
      %add3A_971 = arith.addi %add3A_70, %get3A_968 : vector<16xi32>
      %add3A_972 = arith.addi %add3A_70, %get3A_970 : vector<16xi32>
      %add3A_973 = arith.addi %add3A_73, %get3A_968 : vector<16xi32>
      %add3A_974 = arith.addi %add3A_73, %get3A_970 : vector<16xi32>
      %shift_right_arithmetic3A_975 = arith.constant 4 : i32
      %shift_right_arithmetic3A_976 = vector.broadcast %shift_right_arithmetic3A_975 : i32 to vector<16xi32>
      %shift_right_arithmetic3A_977 = arith.shrsi %add3A_971, %shift_right_arithmetic3A_976 : vector<16xi32>
      %and3A_978 = arith.constant 15 : i32
      %and3A_979 = vector.broadcast %and3A_978 : i32 to vector<16xi32>
      %and3A_980 = arith.andi %add3A_971, %and3A_979 : vector<16xi32>
      %shift_right_arithmetic3A_981 = arith.constant 4 : i32
      %shift_right_arithmetic3A_982 = vector.broadcast %shift_right_arithmetic3A_981 : i32 to vector<16xi32>
      %shift_right_arithmetic3A_983 = arith.shrsi %add3A_972, %shift_right_arithmetic3A_982 : vector<16xi32>
      %and3A_984 = arith.constant 15 : i32
      %and3A_985 = vector.broadcast %and3A_984 : i32 to vector<16xi32>
      %and3A_986 = arith.andi %add3A_972, %and3A_985 : vector<16xi32>
      %shift_right_arithmetic3A_987 = arith.constant 4 : i32
      %shift_right_arithmetic3A_988 = vector.broadcast %shift_right_arithmetic3A_987 : i32 to vector<16xi32>
      %shift_right_arithmetic3A_989 = arith.shrsi %add3A_973, %shift_right_arithmetic3A_988 : vector<16xi32>
      %and3A_990 = arith.constant 15 : i32
      %and3A_991 = vector.broadcast %and3A_990 : i32 to vector<16xi32>
      %and3A_992 = arith.andi %add3A_973, %and3A_991 : vector<16xi32>
      %shift_right_arithmetic3A_993 = arith.constant 4 : i32
      %shift_right_arithmetic3A_994 = vector.broadcast %shift_right_arithmetic3A_993 : i32 to vector<16xi32>
      %shift_right_arithmetic3A_995 = arith.shrsi %add3A_974, %shift_right_arithmetic3A_994 : vector<16xi32>
      %and3A_996 = arith.constant 15 : i32
      %and3A_997 = vector.broadcast %and3A_996 : i32 to vector<16xi32>
      %and3A_998 = arith.andi %add3A_974, %and3A_997 : vector<16xi32>
      %gather3A_999 = tpu.vector_load_idx %arg18[%shift_right_arithmetic3A_977, %and3A_980] : memref<512x16xf32, #tpu.memory_space<vmem>>[vector<16xi32>, vector<16xi32>], vector<16xf32>,
      %gather3A_1000 = tpu.vector_load_idx %arg19[%shift_right_arithmetic3A_977, %and3A_980] : memref<512x16xf32, #tpu.memory_space<vmem>>[vector<16xi32>, vector<16xi32>], vector<16xf32>,
      %gather3A_1001 = tpu.vector_load_idx %arg18[%shift_right_arithmetic3A_983, %and3A_986] : memref<512x16xf32, #tpu.memory_space<vmem>>[vector<16xi32>, vector<16xi32>], vector<16xf32>,
      %gather3A_1002 = tpu.vector_load_idx %arg19[%shift_right_arithmetic3A_983, %and3A_986] : memref<512x16xf32, #tpu.memory_space<vmem>>[vector<16xi32>, vector<16xi32>], vector<16xf32>,
      %gather3A_1003 = tpu.vector_load_idx %arg20[%shift_right_arithmetic3A_989, %and3A_992] : memref<512x16xf32, #tpu.memory_space<vmem>>[vector<16xi32>, vector<16xi32>], vector<16xf32>,
      %gather3A_1004 = tpu.vector_load_idx %arg21[%shift_right_arithmetic3A_989, %and3A_992] : memref<512x16xf32, #tpu.memory_space<vmem>>[vector<16xi32>, vector<16xi32>], vector<16xf32>,
      %gather3A_1005 = tpu.vector_load_idx %arg20[%shift_right_arithmetic3A_995, %and3A_998] : memref<512x16xf32, #tpu.memory_space<vmem>>[vector<16xi32>, vector<16xi32>], vector<16xf32>,
      %gather3A_1006 = tpu.vector_load_idx %arg21[%shift_right_arithmetic3A_995, %and3A_998] : memref<512x16xf32, #tpu.memory_space<vmem>>[vector<16xi32>, vector<16xi32>], vector<16xf32>,
      %gather3A_1007 = tpu.vector_load_idx %arg22[%shift_right_arithmetic3A_989, %and3A_992] : memref<512x16xf32, #tpu.memory_space<vmem>>[vector<16xi32>, vector<16xi32>], vector<16xf32>,
      %gather3A_1008 = tpu.vector_load_idx %arg22[%shift_right_arithmetic3A_995, %and3A_998] : memref<512x16xf32, #tpu.memory_space<vmem>>[vector<16xi32>, vector<16xi32>], vector<16xf32>,
      %sub3A_1009 = arith.subf %gather3A_999, %gather3A_1001 : vector<16xf32>
      %sub3A_1010 = arith.subf %gather3A_1003, %gather3A_1005 : vector<16xf32>
      %sub3A_1011 = arith.subf %sub3A_1009, %sub3A_1010 : vector<16xf32>
      %sub3A_1012 = arith.subf %gather3A_1000, %gather3A_1002 : vector<16xf32>
      %sub3A_1013 = arith.subf %gather3A_1004, %gather3A_1006 : vector<16xf32>
      %sub3A_1014 = arith.subf %sub3A_1012, %sub3A_1013 : vector<16xf32>
      %abs3A_1015 = math.absf %sub3A_1011 : vector<16xf32>
      %abs3A_1016 = math.absf %sub3A_1014 : vector<16xf32>
      %add3A_1017 = arith.addf %abs3A_1015, %abs3A_1016 : vector<16xf32>
      %mul3A_1018 = arith.mulf %gather3A_1007, %gather3A_1008 : vector<16xf32>
      %mul3A_1019 = arith.mulf %add3A_1017, %mul3A_1018 : vector<16xf32>
      %mul3A_1020 = arith.mulf %mul3A_1019, %get3A_75 : vector<16xf32>
      %add3A_1021 = arith.addf %add3A_965, %mul3A_1020 : vector<16xf32>
      %add3A_1022 = arith.addf %add3A_966, %mul3A_1018 : vector<16xf32>
      %get3A_1023 = arith.constant 544 : index
      %get3A_1024 = tpu.vector_load %arg25[%get3A_1023] {strides = array<i32>} : memref<608xi32, #tpu.memory_space<vmem>>, vector<16xi32>,
      %get3A_1025 = arith.constant 560 : index
      %get3A_1026 = tpu.vector_load %arg25[%get3A_1025] {strides = array<i32>} : memref<608xi32, #tpu.memory_space<vmem>>, vector<16xi32>,
      %add3A_1027 = arith.addi %add3A_70, %get3A_1024 : vector<16xi32>
      %add3A_1028 = arith.addi %add3A_70, %get3A_1026 : vector<16xi32>
      %add3A_1029 = arith.addi %add3A_73, %get3A_1024 : vector<16xi32>
      %add3A_1030 = arith.addi %add3A_73, %get3A_1026 : vector<16xi32>
      %shift_right_arithmetic3A_1031 = arith.constant 4 : i32
      %shift_right_arithmetic3A_1032 = vector.broadcast %shift_right_arithmetic3A_1031 : i32 to vector<16xi32>
      %shift_right_arithmetic3A_1033 = arith.shrsi %add3A_1027, %shift_right_arithmetic3A_1032 : vector<16xi32>
      %and3A_1034 = arith.constant 15 : i32
      %and3A_1035 = vector.broadcast %and3A_1034 : i32 to vector<16xi32>
      %and3A_1036 = arith.andi %add3A_1027, %and3A_1035 : vector<16xi32>
      %shift_right_arithmetic3A_1037 = arith.constant 4 : i32
      %shift_right_arithmetic3A_1038 = vector.broadcast %shift_right_arithmetic3A_1037 : i32 to vector<16xi32>
      %shift_right_arithmetic3A_1039 = arith.shrsi %add3A_1028, %shift_right_arithmetic3A_1038 : vector<16xi32>
      %and3A_1040 = arith.constant 15 : i32
      %and3A_1041 = vector.broadcast %and3A_1040 : i32 to vector<16xi32>
      %and3A_1042 = arith.andi %add3A_1028, %and3A_1041 : vector<16xi32>
      %shift_right_arithmetic3A_1043 = arith.constant 4 : i32
      %shift_right_arithmetic3A_1044 = vector.broadcast %shift_right_arithmetic3A_1043 : i32 to vector<16xi32>
      %shift_right_arithmetic3A_1045 = arith.shrsi %add3A_1029, %shift_right_arithmetic3A_1044 : vector<16xi32>
      %and3A_1046 = arith.constant 15 : i32
      %and3A_1047 = vector.broadcast %and3A_1046 : i32 to vector<16xi32>
      %and3A_1048 = arith.andi %add3A_1029, %and3A_1047 : vector<16xi32>
      %shift_right_arithmetic3A_1049 = arith.constant 4 : i32
      %shift_right_arithmetic3A_1050 = vector.broadcast %shift_right_arithmetic3A_1049 : i32 to vector<16xi32>
      %shift_right_arithmetic3A_1051 = arith.shrsi %add3A_1030, %shift_right_arithmetic3A_1050 : vector<16xi32>
      %and3A_1052 = arith.constant 15 : i32
      %and3A_1053 = vector.broadcast %and3A_1052 : i32 to vector<16xi32>
      %and3A_1054 = arith.andi %add3A_1030, %and3A_1053 : vector<16xi32>
      %gather3A_1055 = tpu.vector_load_idx %arg18[%shift_right_arithmetic3A_1033, %and3A_1036] : memref<512x16xf32, #tpu.memory_space<vmem>>[vector<16xi32>, vector<16xi32>], vector<16xf32>,
      %gather3A_1056 = tpu.vector_load_idx %arg19[%shift_right_arithmetic3A_1033, %and3A_1036] : memref<512x16xf32, #tpu.memory_space<vmem>>[vector<16xi32>, vector<16xi32>], vector<16xf32>,
      %gather3A_1057 = tpu.vector_load_idx %arg18[%shift_right_arithmetic3A_1039, %and3A_1042] : memref<512x16xf32, #tpu.memory_space<vmem>>[vector<16xi32>, vector<16xi32>], vector<16xf32>,
      %gather3A_1058 = tpu.vector_load_idx %arg19[%shift_right_arithmetic3A_1039, %and3A_1042] : memref<512x16xf32, #tpu.memory_space<vmem>>[vector<16xi32>, vector<16xi32>], vector<16xf32>,
      %gather3A_1059 = tpu.vector_load_idx %arg20[%shift_right_arithmetic3A_1045, %and3A_1048] : memref<512x16xf32, #tpu.memory_space<vmem>>[vector<16xi32>, vector<16xi32>], vector<16xf32>,
      %gather3A_1060 = tpu.vector_load_idx %arg21[%shift_right_arithmetic3A_1045, %and3A_1048] : memref<512x16xf32, #tpu.memory_space<vmem>>[vector<16xi32>, vector<16xi32>], vector<16xf32>,
      %gather3A_1061 = tpu.vector_load_idx %arg20[%shift_right_arithmetic3A_1051, %and3A_1054] : memref<512x16xf32, #tpu.memory_space<vmem>>[vector<16xi32>, vector<16xi32>], vector<16xf32>,
      %gather3A_1062 = tpu.vector_load_idx %arg21[%shift_right_arithmetic3A_1051, %and3A_1054] : memref<512x16xf32, #tpu.memory_space<vmem>>[vector<16xi32>, vector<16xi32>], vector<16xf32>,
      %gather3A_1063 = tpu.vector_load_idx %arg22[%shift_right_arithmetic3A_1045, %and3A_1048] : memref<512x16xf32, #tpu.memory_space<vmem>>[vector<16xi32>, vector<16xi32>], vector<16xf32>,
      %gather3A_1064 = tpu.vector_load_idx %arg22[%shift_right_arithmetic3A_1051, %and3A_1054] : memref<512x16xf32, #tpu.memory_space<vmem>>[vector<16xi32>, vector<16xi32>], vector<16xf32>,
      %sub3A_1065 = arith.subf %gather3A_1055, %gather3A_1057 : vector<16xf32>
      %sub3A_1066 = arith.subf %gather3A_1059, %gather3A_1061 : vector<16xf32>
      %sub3A_1067 = arith.subf %sub3A_1065, %sub3A_1066 : vector<16xf32>
      %sub3A_1068 = arith.subf %gather3A_1056, %gather3A_1058 : vector<16xf32>
      %sub3A_1069 = arith.subf %gather3A_1060, %gather3A_1062 : vector<16xf32>
      %sub3A_1070 = arith.subf %sub3A_1068, %sub3A_1069 : vector<16xf32>
      %abs3A_1071 = math.absf %sub3A_1067 : vector<16xf32>
      %abs3A_1072 = math.absf %sub3A_1070 : vector<16xf32>
      %add3A_1073 = arith.addf %abs3A_1071, %abs3A_1072 : vector<16xf32>
      %mul3A_1074 = arith.mulf %gather3A_1063, %gather3A_1064 : vector<16xf32>
      %mul3A_1075 = arith.mulf %add3A_1073, %mul3A_1074 : vector<16xf32>
      %mul3A_1076 = arith.mulf %mul3A_1075, %get3A_75 : vector<16xf32>
      %add3A_1077 = arith.addf %add3A_1021, %mul3A_1076 : vector<16xf32>
      %add3A_1078 = arith.addf %add3A_1022, %mul3A_1074 : vector<16xf32>
      %get3A_1079 = arith.constant 576 : index
      %get3A_1080 = tpu.vector_load %arg25[%get3A_1079] {strides = array<i32>} : memref<608xi32, #tpu.memory_space<vmem>>, vector<16xi32>,
      %get3A_1081 = arith.constant 592 : index
      %get3A_1082 = tpu.vector_load %arg25[%get3A_1081] {strides = array<i32>} : memref<608xi32, #tpu.memory_space<vmem>>, vector<16xi32>,
      %add3A_1083 = arith.addi %add3A_70, %get3A_1080 : vector<16xi32>
      %add3A_1084 = arith.addi %add3A_70, %get3A_1082 : vector<16xi32>
      %add3A_1085 = arith.addi %add3A_73, %get3A_1080 : vector<16xi32>
      %add3A_1086 = arith.addi %add3A_73, %get3A_1082 : vector<16xi32>
      %shift_right_arithmetic3A_1087 = arith.constant 4 : i32
      %shift_right_arithmetic3A_1088 = vector.broadcast %shift_right_arithmetic3A_1087 : i32 to vector<16xi32>
      %shift_right_arithmetic3A_1089 = arith.shrsi %add3A_1083, %shift_right_arithmetic3A_1088 : vector<16xi32>
      %and3A_1090 = arith.constant 15 : i32
      %and3A_1091 = vector.broadcast %and3A_1090 : i32 to vector<16xi32>
      %and3A_1092 = arith.andi %add3A_1083, %and3A_1091 : vector<16xi32>
      %shift_right_arithmetic3A_1093 = arith.constant 4 : i32
      %shift_right_arithmetic3A_1094 = vector.broadcast %shift_right_arithmetic3A_1093 : i32 to vector<16xi32>
      %shift_right_arithmetic3A_1095 = arith.shrsi %add3A_1084, %shift_right_arithmetic3A_1094 : vector<16xi32>
      %and3A_1096 = arith.constant 15 : i32
      %and3A_1097 = vector.broadcast %and3A_1096 : i32 to vector<16xi32>
      %and3A_1098 = arith.andi %add3A_1084, %and3A_1097 : vector<16xi32>
      %shift_right_arithmetic3A_1099 = arith.constant 4 : i32
      %shift_right_arithmetic3A_1100 = vector.broadcast %shift_right_arithmetic3A_1099 : i32 to vector<16xi32>
      %shift_right_arithmetic3A_1101 = arith.shrsi %add3A_1085, %shift_right_arithmetic3A_1100 : vector<16xi32>
      %and3A_1102 = arith.constant 15 : i32
      %and3A_1103 = vector.broadcast %and3A_1102 : i32 to vector<16xi32>
      %and3A_1104 = arith.andi %add3A_1085, %and3A_1103 : vector<16xi32>
      %shift_right_arithmetic3A_1105 = arith.constant 4 : i32
      %shift_right_arithmetic3A_1106 = vector.broadcast %shift_right_arithmetic3A_1105 : i32 to vector<16xi32>
      %shift_right_arithmetic3A_1107 = arith.shrsi %add3A_1086, %shift_right_arithmetic3A_1106 : vector<16xi32>
      %and3A_1108 = arith.constant 15 : i32
      %and3A_1109 = vector.broadcast %and3A_1108 : i32 to vector<16xi32>
      %and3A_1110 = arith.andi %add3A_1086, %and3A_1109 : vector<16xi32>
      %gather3A_1111 = tpu.vector_load_idx %arg18[%shift_right_arithmetic3A_1089, %and3A_1092] : memref<512x16xf32, #tpu.memory_space<vmem>>[vector<16xi32>, vector<16xi32>], vector<16xf32>,
      %gather3A_1112 = tpu.vector_load_idx %arg19[%shift_right_arithmetic3A_1089, %and3A_1092] : memref<512x16xf32, #tpu.memory_space<vmem>>[vector<16xi32>, vector<16xi32>], vector<16xf32>,
      %gather3A_1113 = tpu.vector_load_idx %arg18[%shift_right_arithmetic3A_1095, %and3A_1098] : memref<512x16xf32, #tpu.memory_space<vmem>>[vector<16xi32>, vector<16xi32>], vector<16xf32>,
      %gather3A_1114 = tpu.vector_load_idx %arg19[%shift_right_arithmetic3A_1095, %and3A_1098] : memref<512x16xf32, #tpu.memory_space<vmem>>[vector<16xi32>, vector<16xi32>], vector<16xf32>,
      %gather3A_1115 = tpu.vector_load_idx %arg20[%shift_right_arithmetic3A_1101, %and3A_1104] : memref<512x16xf32, #tpu.memory_space<vmem>>[vector<16xi32>, vector<16xi32>], vector<16xf32>,
      %gather3A_1116 = tpu.vector_load_idx %arg21[%shift_right_arithmetic3A_1101, %and3A_1104] : memref<512x16xf32, #tpu.memory_space<vmem>>[vector<16xi32>, vector<16xi32>], vector<16xf32>,
      %gather3A_1117 = tpu.vector_load_idx %arg20[%shift_right_arithmetic3A_1107, %and3A_1110] : memref<512x16xf32, #tpu.memory_space<vmem>>[vector<16xi32>, vector<16xi32>], vector<16xf32>,
      %gather3A_1118 = tpu.vector_load_idx %arg21[%shift_right_arithmetic3A_1107, %and3A_1110] : memref<512x16xf32, #tpu.memory_space<vmem>>[vector<16xi32>, vector<16xi32>], vector<16xf32>,
      %gather3A_1119 = tpu.vector_load_idx %arg22[%shift_right_arithmetic3A_1101, %and3A_1104] : memref<512x16xf32, #tpu.memory_space<vmem>>[vector<16xi32>, vector<16xi32>], vector<16xf32>,
      %gather3A_1120 = tpu.vector_load_idx %arg22[%shift_right_arithmetic3A_1107, %and3A_1110] : memref<512x16xf32, #tpu.memory_space<vmem>>[vector<16xi32>, vector<16xi32>], vector<16xf32>,
      %sub3A_1121 = arith.subf %gather3A_1111, %gather3A_1113 : vector<16xf32>
      %sub3A_1122 = arith.subf %gather3A_1115, %gather3A_1117 : vector<16xf32>
      %sub3A_1123 = arith.subf %sub3A_1121, %sub3A_1122 : vector<16xf32>
      %sub3A_1124 = arith.subf %gather3A_1112, %gather3A_1114 : vector<16xf32>
      %sub3A_1125 = arith.subf %gather3A_1116, %gather3A_1118 : vector<16xf32>
      %sub3A_1126 = arith.subf %sub3A_1124, %sub3A_1125 : vector<16xf32>
      %abs3A_1127 = math.absf %sub3A_1123 : vector<16xf32>
      %abs3A_1128 = math.absf %sub3A_1126 : vector<16xf32>
      %add3A_1129 = arith.addf %abs3A_1127, %abs3A_1128 : vector<16xf32>
      %mul3A_1130 = arith.mulf %gather3A_1119, %gather3A_1120 : vector<16xf32>
      %mul3A_1131 = arith.mulf %add3A_1129, %mul3A_1130 : vector<16xf32>
      %mul3A_1132 = arith.mulf %mul3A_1131, %get3A_75 : vector<16xf32>
      %add3A_1133 = arith.addf %add3A_1077, %mul3A_1132 : vector<16xf32>
      %add3A_1134 = arith.addf %add3A_1078, %mul3A_1130 : vector<16xf32>
      scf.yield %add3A_1133, %add3A_1134 : vector<16xf32>, vector<16xf32>
    }
    %scan3A_56 = arith.constant 16 : i32
    %swap3A = arith.constant 0 : index
    %swap3A_57 = tpu.vector_load %arg26[%swap3A] {strides = array<i32>} : memref<32xf32, #tpu.memory_space<vmem>>, vector<16xf32>,
    tpu.vector_store %arg26[%swap3A], %scan3A_55#0 {strides = array<i32>} : memref<32xf32, #tpu.memory_space<vmem>>, vector<16xf32>,
    %swap3A_58 = arith.constant 16 : index
    %swap3A_59 = tpu.vector_load %arg26[%swap3A_58] {strides = array<i32>} : memref<32xf32, #tpu.memory_space<vmem>>, vector<16xf32>,
    tpu.vector_store %arg26[%swap3A_58], %scan3A_55#1 {strides = array<i32>} : memref<32xf32, #tpu.memory_space<vmem>>, vector<16xf32>,
    "tpu.region"() ({
      %run_scoped3A = tpu.sem_alloc : memref<!tpu.dma_semaphore, #tpu.memory_space<semaphore_mem>>
      %dma_start3A_60 = arith.constant 0 : i32
      %dma_start3A_61 = tpu.memref_slice %arg11[%add3A, %dma_start3A_60] : memref<32x32xf32, #tpu.memory_space<hbm>> -> memref<1x32xf32, #tpu.memory_space<hbm>>
      %dma_start3A_62 = tpu.memref_squeeze %dma_start3A_61 : memref<1x32xf32, #tpu.memory_space<hbm>> -> memref<32xf32, #tpu.memory_space<hbm>>
      %dma_start3A_63 = arith.constant 0 : i32
      %dma_start3A_64 = tpu.memref_slice %arg11[%add3A, %dma_start3A_63] : memref<32x32xf32, #tpu.memory_space<hbm>> -> memref<1x32xf32, #tpu.memory_space<hbm>>
      %dma_start3A_65 = tpu.memref_squeeze %dma_start3A_64 : memref<1x32xf32, #tpu.memory_space<hbm>> -> memref<32xf32, #tpu.memory_space<hbm>>
      tpu.enqueue_dma source(%arg26 : memref<32xf32, #tpu.memory_space<vmem>>) target(%dma_start3A_65 : memref<32xf32, #tpu.memory_space<hbm>>) target_semaphore(%run_scoped3A : memref<!tpu.dma_semaphore, #tpu.memory_space<semaphore_mem>>)
      %dma_wait3A_66 = arith.constant 0 : i32
      %dma_wait3A_67 = tpu.memref_slice %arg11[%add3A, %dma_wait3A_66] : memref<32x32xf32, #tpu.memory_space<hbm>> -> memref<1x32xf32, #tpu.memory_space<hbm>>
      %dma_wait3A_68 = tpu.memref_squeeze %dma_wait3A_67 : memref<1x32xf32, #tpu.memory_space<hbm>> -> memref<32xf32, #tpu.memory_space<hbm>>
      %dma_wait3A_69 = arith.constant 0 : i32
      %dma_wait3A_70 = tpu.memref_slice %arg11[%add3A, %dma_wait3A_69] : memref<32x32xf32, #tpu.memory_space<hbm>> -> memref<1x32xf32, #tpu.memory_space<hbm>>
      %dma_wait3A_71 = tpu.memref_squeeze %dma_wait3A_70 : memref<1x32xf32, #tpu.memory_space<hbm>> -> memref<32xf32, #tpu.memory_space<hbm>>
      tpu.wait_dma2 semaphore(%run_scoped3A : memref<!tpu.dma_semaphore, #tpu.memory_space<semaphore_mem>>) src(%arg26 : memref<32xf32, #tpu.memory_space<vmem>>) dst(%dma_wait3A_71 : memref<32xf32, #tpu.memory_space<hbm>>)
      tpu.yield
    }) : () -> ()
    return
  }
}

</mosaic_0001>

<sc_bundles>
// kernel: kernel.3.cloned.1.call-start
scs
__scs_entry_jumppad:
0x0: {  	(pc) =	sbr.rel $0x88, $3  }
0x1: {  	(tag) =	ssettag $0x0;
	lr =	simm.s32 $0x1  }
0x2: {  	[smem:$0x3F9A] =	sst lr;
	_ =	strace $0xD0000000  }
0x3: {  	_ = 	snop  }
0x4: {  	_ = 	snop  }
0x5: {  	_ = 	snop  }
0x6: {  	_ = 	snop  }
0x7: {  	_ = 	snop  }
__scs_overlays_trampoline_lowered:
0x8: {  	[smem:$0x3FA9] =	sst s0  }
0x9: {  	[smem:$0x3FAA] =	sst s1  }
0xa: {  	[smem:$0x3FAB] =	sst s2  }
0xb: {  	[smem:$0x3FAC] =	sst s3  }
0xc: {  	[smem:$0x3FAD] =	sst s4  }
0xd: {  	[smem:$0x3FAE] =	sst s5  }
0xe: {  	[smem:$0x3FAF] =	sst s6  }
0xf: {  	[smem:$0x3FB0] =	sst s7  }
0x10: {  	[smem:$0x3FB1] =	sst s8  }
0x11: {  	[smem:$0x3FB2] =	sst s9;
	s0 =	simm.s32 @!p0 $0x0  }
0x12: {  	s1 =	sld [smem:$0x3F98];
	s0 =	simm.s32 @p0 $0x1  }
0x13: {  	[smem:$0x3FB3] =	sst s0;
	s0 =	simm.s32 @!p1 $0x0  }
0x14: {  	s2 =	sld [smem:$0x3F97];
	s0 =	simm.s32 @p1 $0x1  }
0x15: {  	[smem:$0x3FB4] =	sst s0;
	s0 =	simm.s32 @!p2 $0x0  }
0x16: {  	s3 =	sld [smem:$0x3FDB];
	s0 =	simm.s32 @p2 $0x1  }
0x17: {  	s4 =	simm.s32 $0x1BF5;
	[smem:$0x3FB6] =	sst s0  }
0x18: {  	s0 =	sld [smem:$0x3F99];
	_ =	swait.ge [sflag:s4], $0x0  }
0x19: {  	s7 =	sld [smem:$0x3F9A]  }
0x1a: {  	s8 =	sadd.s32 $0xFFFFE003, lr  }
0x1b: {  	s9 =	sadd.s32 $0xFFFFFEF7, lr;
	s5 =	simm.s32 $0xFFFFFFFF;
	p2 =	slt.u32 s8, $0xFFFFF086  }
0x1c: {  	p1 =	slt.u32 s9, $0xF7A;
	s5 =	simm.s32 @!p2 $0x0  }
0x1d: {  	s5 =	simm.s32 @p1 $0x1;
	p0 =	seq.s32 s7, s2  }
0x1e: {  	s7 =	smul.u32 @!p0 $0xF7A, s2;
	p2 =	seq.s32 @!p0 s5, $0x0  }
0x1f: {  	s9 =	smul.u32 $0xF7A, s1;
	s8 =	simm.s32 @!p0 $0x1BF5;
	p2 =	por !p2, p0  }
0x20: {  	[sflag:s8] =	ssyncset.s32 @!p0 $0xFFFFF086;
	s6 =	sadd.s32 @!p0 s3, s7;
	s7 =	simm.s32 @!p0 $0x108  }
0x21: {  	s3 =	sadd.s32 s3, s9;
	s6 =	sadd.s32 @!p0 $0x88, s6;
	s7 =	simm.s32 @p2 $0x1082  }
0x22: {  	[simem:s7], [sflag:s8] =	dma.local @!p0 [hbm:s6], $0xF7A  }
0x23: {  	s9 =	sor.u32 $0xD0000000, s2;
	s6 =	simm.s32 $0x108;
	_ =	swait.ge @!p0 [sflag:s8], $0x0  }
0x24: {  	s3 =	sadd.s32 $0x88, s3;
	s6 =	simm.s32 @!p1 $0x1082;
	[sflag:s4] =	ssyncset.s32 $0xFFFFF086  }
0x25: {  	[simem:s6], [sflag:s4] =	dma.local [hbm:s3], $0xF7A  }
0x26: {  	[smem:$0x3F9A] =	sst s1;
	(tag) =	ssettag s2;
	_ =	strace s9  }
0x27: {  	s1 =	sld [smem:$0x3FAA]  }
0x28: {  	s2 =	sld [smem:$0x3FAB]  }
0x29: {  	s4 =	sld [smem:$0x3FAD]  }
0x2a: {  	p0 =	seq.s32 s5, $0x0;
	s5 =	sld [smem:$0x3FAE]  }
0x2b: {  	s6 =	sld [smem:$0x3FAF]  }
0x2c: {  	s7 =	sld [smem:$0x3FB0]  }
0x2d: {  	s3 =	simm.s32 $0x108;
	s8 =	sld [smem:$0x3FB1]  }
0x2e: {  	s3 =	simm.s32 @!p0 $0x1082;
	s9 =	sld [smem:$0x3FB2]  }
0x2f: {  	lr =	sadd.s32 s0, s3;
	s0 =	sld [smem:$0x3FA9]  }
0x30: {  	s3 =	sld [smem:$0x3FAC]  }
0x31: {  	[smem:$0x3FB5] =	sst s10  }
0x32: {  	s10 =	sld [smem:$0x3FB3];
	_ =	sdelay $0x3  }
0x33: {  	p0 =	seq.s32 s10, $0x1;
	s10 =	sld [smem:$0x3FB5];
	_ =	sdelay $0x3  }
0x34: {  	[smem:$0x3FB5] =	sst s10  }
0x35: {  	s10 =	sld [smem:$0x3FB4];
	_ =	sdelay $0x3  }
0x36: {  	p1 =	seq.s32 s10, $0x1;
	s10 =	sld [smem:$0x3FB5];
	_ =	sdelay $0x3  }
0x37: {  	[smem:$0x3FB5] =	sst s10  }
0x38: {  	s10 =	sld [smem:$0x3FB6]  }
0x39: {  	_ = 	snop;
	(pc) =	sbr.ind lr, $3  }
0x3a: {  	_ = 	snop  }
0x3b: {  	_ = 	snop  }
0x3c: {  	p2 =	seq.s32 s10, $0x1;
	s10 =	sld [smem:$0x3FB5]  }
0x3d: {  	_ =	shalt  }
0x3e: {  	_ =	shalt  }
0x3f: {  	_ =	shalt  }
0x40: {  	_ =	shalt  }
0x41: {  	_ =	shalt  }
0x42: {  	_ =	shalt  }
0x43: {  	_ =	shalt  }
0x44: {  	_ =	shalt  }
0x45: {  	_ =	shalt  }
0x46: {  	_ =	shalt  }
0x47: {  	_ =	shalt  }
0x48: {  	_ =	shalt  }
0x49: {  	_ =	shalt  }
0x4a: {  	_ =	shalt  }
0x4b: {  	_ =	shalt  }
0x4c: {  	_ =	shalt  }
0x4d: {  	_ =	shalt  }
0x4e: {  	_ =	shalt  }
0x4f: {  	_ =	shalt  }
0x50: {  	_ =	shalt  }
0x51: {  	_ =	shalt  }
0x52: {  	_ =	shalt  }
0x53: {  	_ =	shalt  }
0x54: {  	_ =	shalt  }
0x55: {  	_ =	shalt  }
0x56: {  	_ =	shalt  }
0x57: {  	_ =	shalt  }
0x58: {  	_ =	shalt  }
0x59: {  	_ =	shalt  }
0x5a: {  	_ =	shalt  }
0x5b: {  	_ =	shalt  }
0x5c: {  	_ =	shalt  }
0x5d: {  	_ =	shalt  }
0x5e: {  	_ =	shalt  }
0x5f: {  	_ =	shalt  }
0x60: {  	_ =	shalt  }
0x61: {  	_ =	shalt  }
0x62: {  	_ =	shalt  }
0x63: {  	_ =	shalt  }
0x64: {  	_ =	shalt  }
0x65: {  	_ =	shalt  }
0x66: {  	_ =	shalt  }
0x67: {  	_ =	shalt  }
0x68: {  	_ =	shalt  }
0x69: {  	_ =	shalt  }
0x6a: {  	_ =	shalt  }
0x6b: {  	_ =	shalt  }
0x6c: {  	_ =	shalt  }
0x6d: {  	_ =	shalt  }
0x6e: {  	_ =	shalt  }
0x6f: {  	_ =	shalt  }
0x70: {  	_ =	shalt  }
0x71: {  	_ =	shalt  }
0x72: {  	_ =	shalt  }
0x73: {  	_ =	shalt  }
0x74: {  	_ =	shalt  }
0x75: {  	_ =	shalt  }
0x76: {  	_ =	shalt  }
0x77: {  	_ =	shalt  }
0x78: {  	_ =	shalt  }
0x79: {  	_ =	shalt  }
0x7a: {  	_ =	shalt  }
0x7b: {  	_ =	shalt  }
0x7c: {  	_ =	shalt  }
0x7d: {  	_ =	shalt  }
0x7e: {  	_ =	shalt  }
0x7f: {  	_ =	shalt  }
0x80: {  	_ =	shalt  }
0x81: {  	_ =	shalt  }
0x82: {  	_ =	shalt  }
0x83: {  	_ =	shalt  }
0x84: {  	_ =	shalt  }
0x85: {  	_ =	shalt  }
0x86: {  	_ =	shalt  }
0x87: {  	_ =	shalt  }
.Lfunc_end0:
.L_simem_size_0:
called_computation_lowered:
.L_overlay_start_0:
0x88: {  	s2 =	sld [smem:$0x3FD9]  }
0x89: {  	s3 =	sld [smem:$0x3FFE];
	_ =	sdelay $0x1  }
0x8a: {  	s1 =	srdreg.scid  }
0x8b: {  	s0 =	sand.u32 $0x1, s1  }
0x8c: {  	s17 =	sshll.u32 s0, $0xA;
	s2 =	sadd.s32 s3, s2  }
0x8d: {  	s2 =	sadd.s32 s2, s17  }
0x8e: {  	[smem:$0x3FC1] =	sst s2  }
0x8f: {  	_ = 	snop  }
0x90: {  	s2 =	sld [smem:$0x3FC7]  }
0x91: {  	s18 =	sld [smem:$0x3FC4]  }
0x92: {  	s4 =	sld [smem:$0x3FC3];
	(tm) =	ssettm $0x1  }
0x93: {  	s5 =	sld [smem:$0x3FFB];
	_ =	sdelay $0x3  }
0x94: {  	_ =	strace s5  }
0x95: {  	s5 =	sld [smem:$0x3FFC];
	_ =	sdelay $0x3  }
0x96: {  	_ =	strace s5  }
0x97: {  	s5 =	sld [smem:$0x3FFD];
	_ =	sdelay $0x3  }
0x98: {  	_ =	strace s5  }
0x99: {  	_ =	strace $0x8FFFFFFF  }
0x9a: {  	s19 =	sld [smem:$0x3FDB];
	_ =	sdelay $0x1  }
0x9b: {  	s6 =	simm.s32 $_scs_section_size  }
0x9c: {  	s7 =	simm.s32 $_size__tile_overlayer_lowered;
	s8 =	simm.s32 $_tile_overlayer_lowered  }
0x9d: {  	s22 =	simm.s32 $0x1BFF;
	s21 =	sshll.u32 s8, $0x1;
	s5 =	sadd.s32 s6, s19  }
0x9e: {  	s9 =	simm.s32 $0x0;
	s20 =	sshll.u32 s7, $0x1;
	s7 =	sadd.s32 s21, s5  }
0x9f: {  	[timem:s9], [sflag:s22] =	dma.local [hbm:s7], s20  }
0xa0: {  	_ =	swait.ge [sflag:s22], s20  }
0xa1: {  	s6 =	ssub.s32 $0x0, s20;
	[sflag:s22] =	ssyncset.done $0x0  }
0xa2: {  	[sflag:s22] =	ssyncadd.s32 s6;
	_ =	sdelay $0x1  }
0xa3: {  	s23 =	simm.s32 $0x1B8B  }
0xa4: {  	_ =	swait.ge [sflag:s23], $0x1  }
0xa5: {  	[sflag:s23] =	ssyncset.done $0x0  }
0xa6: {  	s25 =	simm.s32 $0x1B8E;
	s24 =	sld [smem:$0x3FFE];
	[sflag:s23] =	ssyncadd.s32 $0xFFFFFFFF  }
0xa7: {  	s26 =	simm.s32 $execute0_lowered;
	[smem:$0x3FD2] =	sst s25  }
0xa8: {  	s7 =	sshll.u32 s26, $0x1;
	_ =	strace $0x80000046;
	[dreg:$0x1] =	wrdreg $0xFFFFFFFF  }
0xa9: {  	s28 =	simm.s32 $_size_execute0_lowered;
	s5 =	sadd.s32 s5, s7;
	[dreg:$0x0] =	wrdreg $0x0  }
0xaa: {  	s7 =	sshll.u32 s28, $0x1;
	[dreg:$0x2] =	wrdreg s5  }
0xab: {  	[dreg:$0x3] =	wrdreg s7  }
0xac: {  	[dreg:$0x4] =	wrdreg $0xC0  }
0xad: {  	_ =	task [dreg:s9], $0x5FFFF  }
0xae: {  	[dreg:$0x1] =	wrdreg $0xFFFFFFFF  }
0xaf: {  	[dreg:$0x0] =	wrdreg $0x60  }
0xb0: {  	[dreg:$0x2] =	wrdreg s24  }
0xb1: {  	[dreg:$0x3] =	wrdreg s2  }
0xb2: {  	[dreg:$0x4] =	wrdreg s18  }
0xb3: {  	[dreg:$0x5] =	wrdreg s4  }
0xb4: {  	[dreg:$0x6] =	wrdreg $0x9  }
0xb5: {  	_ =	task.clear_ibuf [dreg:s9], $0x7FFFF;
	_ =	strace $0x90000046  }
0xb6: {  	s29 =	simm.s32 $0x9;
	_ =	strace $0x80000048  }
0xb7: {  	_ =	swait.ge [sflag:s29], $0x1  }
0xb8: {  	[sflag:s29] =	ssyncadd.s32 $0xFFFFFFFF  }
0xb9: {  	_ =	strace $0x90000048  }
0xba: {  	_ =	sfence  }
0xbb: {  	s30 =	sld [smem:$0x0];
	_ =	sdelay $0x2  }
0xbc: {  	s31 =	sshll.u32 s1, $0xD;
	s1 =	sshrl.u32 s1, $0x2  }
0xbd: {  	s3 =	sand.u32 $0x4000, s31;
	s1 =	sadd.s32 s1, s30  }
0xbe: {  	s0 =	sor.u32 s3, s0;
	s1 =	sshll.u32 s1, $0x11  }
0xbf: {  	s0 =	sor.u32 s1, s0  }
0xc0: {  	s0 =	sadd.s32 $0x8F2B, s0  }
0xc1: {  	[sflag:s0] =	ssyncadd.remote.s32 $0x1  }
0xc2: {  	_ =	sfence.sel $0xFFFF  }
0xc3: {  	[dreg:$0x0] =	wrdreg $0xFFFFFFFF;
	(pc) =	sbr.abs _section_cstart, $3  }
0xc4: {  	[dreg:$0x1] =	wrdreg $0xFFFFFFFF  }
0xc5: {  	_ =	task.clear_ibuf [dreg:s9], $0x2FFFF;
	_ =	strace $0x9FFFFFFF  }
0xc6: {  	(tm) =	ssettm $0x7FFFFFFF  }
0xc7: {  	_ =	shalt  }
tec
execute0_lowered:
.L_overlay_start_1:
0x0: {  	(tag) =	ssettag $0x1  }
0x1: {  	s0 =	rddreg [dreg:$0x0]  }
0x2: {  	s1 =	rddreg [dreg:$0x2]  }
0x3: {  	s3 =	rddreg [dreg:$0x3];
	s2 =	simm.s32 $0x0;
	s8 =	srdreg.scid  }
0x4: {  	s10 =	stileid.u32;
	s14 =	simm.s32 $0x3;
	s17 =	simm.s32 $0x200  }
0x5: {  	s18 =	simm.s32 $0x400;
	s19 =	simm.s32 $0x800;
	s20 =	simm.s32 $0x2800  }
0x6: {  	s21 =	simm.s32 $0x4800;
	s22 =	simm.s32 $0x6800;
	s23 =	simm.s32 $0x8800  }
0x7: {  	s24 =	simm.s32 $0x1;
	s25 =	simm.s32 $0x2;
	s28 =	simm.s32 $0x0  }
0x8: {  	[smem:$0x7FF] =	sst s2;
	s4 =	sadd.s32 $0x600, s0;
	s5 =	sadd.s32 $0xAE00, s0  }
0x9: {  	s6 =	sadd.s32 $0x19A00, s0;
	s7 =	sadd.s32 $0x15600, s0;
	s9 =	sand.u32 $0x1, s8  }
0xa: {  	v0 =	vlaneseq.u32;
	s10 =	sshll.u32 s10, $0x1;
	s8 =	sadd.s32 $0x1DE00, s0;
	_ =	strace $0x80000047  }
0xb: {  	v4 =	vmul.u32 $0x2, v0;
	s10 =	sor.u32 s9, s10;
	s11 =	ssub.s32 $0x2, s9;
	s9 =	sadd.s32 $0x22200, s0  }
0xc: {  	v18 =	vmul.u32 $0x20, v0;
	s12 =	sshll.u32 s10, $0x2;
	s13 =	sshrl.u32 s11, $0x1;
	s31 =	sshll.u32 s10, $0x5  }
0xd: {  	[tilespmem:$0x1FFE0] =	vst v4;
	s0 =	sadd.s32 s12, s0;
	s13 =	ssub.s32 s11, s13;
	s10 =	sadd.s32 s1, s31  }
0xe: {  	[tilespmem:$0x1FFF0] =	vst v18;
	s11 =	sadd.s32 s3, s31;
	s12 =	sadd.s32 $0x22400, s0;
	s13 =	smax.u32 s13, $0x1  }
.LBB2_1:
0xf: {  	[tilespmem:s2], [sflag:$0x3] =	stream.linear.gather [hbm4b:s10+s2], $0x100, $0x38;
	[tilespmem:$0xAC80] =	vst v63  }
0x10: {  	_ =	swait.ge [sflag:s14], $0x100  }
0x11: {  	[sflag:s14] =	ssyncset.done $0x0  }
0x12: {  	s0 =	simm.s32 $0x100;
	[sflag:s14] =	ssyncadd.s32 $0xFFFFFF00  }
0x13: {  	[tilespmem:s0], [sflag:$0x3] =	stream.linear.gather [hbm4b:s11+s2], $0x100, $0x38;
	[tilespmem:$0xAC80] =	vst v63  }
0x14: {  	_ =	swait.ge [sflag:s14], $0x100  }
0x15: {  	[sflag:s14] =	ssyncset.done $0x0  }
0x16: {  	[sflag:s14] =	ssyncadd.s32 $0xFFFFFF00  }
0x17: {  	s3 =	simm.s32 $0xA800;
	s1 =	rddreg [dreg:$0x1]  }
0x18: {  	[tilespmem:s3], [sflag:$0x1] =	stream.indirect.gather [hbm4b:s1+s0], $0x1, s0, s0, $0xb8;
	[tilespmem:$0xAC80] =	vst v63  }
0x19: {  	s31 =	simm.s32 $0xAA00  }
0x1a: {  	[tilespmem:s31], [sflag:$0x3] =	stream.linear.gather [hbm4b:s9+s2], $0x260, $0x38;
	[tilespmem:$0xAC80] =	vst v63  }
0x1b: {  	_ =	swait.ge [sflag:s14], $0x260  }
0x1c: {  	[sflag:s14] =	ssyncset.done $0x0  }
0x1d: {  	[sflag:s14] =	ssyncadd.s32 $0xFFFFFDA0  }
0x1e: {  	v0 =	vld [tilespmem:s2+$0x0]  }
0x1f: {  	v1 =	vmov s2  }
0x20: {  	v1 =	vshll.u32 v1, $0x1  }
0x21: {  	v1 =	vor.u32 v4, v1  }
0x22: {  	v2 =	vor.u32 $0x1, v1  }
0x23: {  	v3 =	vmul.u32 $0x11, v0;
	_ =	sdelay $0x1  }
0x24: {  	v3 =	vshra.s32 v3, $0x4  }
0x25: {  	[tilespmem:v1+s17+$0x0] =	vst.idx.msk $0xffff, v3;
	v3 =	vadd.s32 $0x1, v3  }
0x26: {  	s1 =	simm.s32 $0x600;
	v0 =	vand.u32 $0xF, v0;
	[tilespmem:v2+s17+$0x0] =	vst.idx.msk $0xffff, v3  }
0x27: {  	[tilespmem:s1+$0x0] =	vst v0  }
0x28: {  	v0 =	vld [tilespmem:s0+$0x0];
	_ =	sdelay $0x4  }
0x29: {  	v3 =	vmul.u32 $0x11, v0;
	_ =	sdelay $0x1  }
0x2a: {  	v3 =	vshra.s32 v3, $0x4  }
0x2b: {  	s29 =	simm.s32 $0x700;
	[tilespmem:v1+s18+$0x0] =	vst.idx.msk $0xffff, v3;
	v1 =	vadd.s32 $0x1, v3  }
0x2c: {  	s15 =	simm.s32 $0x710;
	s16 =	simm.s32 $0x0;
	s3 =	simm.s32 $0x10;
	v0 =	vand.u32 $0xF, v0;
	[tilespmem:v2+s18+$0x0] =	vst.idx.msk $0xffff, v1  }
.LBB2_2:
0x2d: {  	[tilespmem:s29+$0x0] =	vst v0;
	s16 =	sadd.s32 $0x10, s16;
	s1 =	sadd.s32 $0x10, s1;
	s0 =	sadd.s32 $0x10, s0  }
0x2e: {  	p0 =	sne.s32 s3, $0xF0;
	s29 =	smov.u32 s3;
	s3 =	sadd.s32 $0x10, s3;
	v0 =	vld [tilespmem:s16+$0x0]  }
0x2f: {  	v1 =	vmov s29;
	s29 =	smov.u32 s15  }
0x30: {  	v1 =	vshll.u32 v1, $0x1  }
0x31: {  	v1 =	vor.u32 v4, v1  }
0x32: {  	v2 =	vor.u32 $0x1, v1  }
0x33: {  	v3 =	vmul.u32 $0x11, v0;
	_ =	sdelay $0x1  }
0x34: {  	v3 =	vshra.s32 v3, $0x4  }
0x35: {  	[tilespmem:v1+s17+$0x0] =	vst.idx.msk $0xffff, v3;
	v3 =	vadd.s32 $0x1, v3  }
0x36: {  	v0 =	vand.u32 $0xF, v0;
	[tilespmem:v2+s17+$0x0] =	vst.idx.msk $0xffff, v3  }
0x37: {  	[tilespmem:s1+$0x0] =	vst v0  }
0x38: {  	v0 =	vld [tilespmem:s0+$0x0];
	_ =	sdelay $0x4  }
.Ltmp0:
0x39: {  	v3 =	vmul.u32 $0x11, v0;
	(pc) =	sbr.rel @p0 .LBB2_2-.Ltmp0, $4  }
0x3a: {  	_ = 	snop  }
0x3b: {  	v3 =	vshra.s32 v3, $0x4  }
0x3c: {  	[tilespmem:v1+s18+$0x0] =	vst.idx.msk $0xffff, v3;
	v1 =	vadd.s32 $0x1, v3  }
0x3d: {  	s15 =	sadd.s32 $0x10, s15;
	v0 =	vand.u32 $0xF, v0;
	[tilespmem:v2+s18+$0x0] =	vst.idx.msk $0xffff, v1  }
0x3e: {  	[tilespmem:s29+$0x0] =	vst v0  }
0x3f: {  	[tilespmem:s19], [sflag:$0x2] =	stream.indirect.gather [hbm4b:s4+s17], $0x10, s17, s17, $0xb8;
	[tilespmem:$0xAC80] =	vst v63  }
0x40: {  	_ = 	snop  }
0x41: {  	[tilespmem:s20], [sflag:$0x2] =	stream.indirect.gather [hbm4b:s5+s17], $0x10, s17, s17, $0xb8;
	[tilespmem:$0xAC80] =	vst v63  }
0x42: {  	_ = 	snop  }
0x43: {  	[tilespmem:s21], [sflag:$0x2] =	stream.indirect.gather [hbm4b:s6+s17], $0x10, s18, s17, $0xb8;
	[tilespmem:$0xAC80] =	vst v63  }
0x44: {  	_ = 	snop  }
0x45: {  	[tilespmem:s22], [sflag:$0x2] =	stream.indirect.gather [hbm4b:s7+s17], $0x10, s18, s17, $0xb8;
	[tilespmem:$0xAC80] =	vst v63  }
0x46: {  	_ = 	snop  }
0x47: {  	[tilespmem:s23], [sflag:$0x2] =	stream.indirect.gather [hbm4b:s8+s17], $0x10, s18, s17, $0xb8;
	[tilespmem:$0xAC80] =	vst v63  }
0x48: {  	_ =	swait.ge [sflag:s24], $0x100  }
0x49: {  	[sflag:s24] =	ssyncset.done $0x0  }
0x4a: {  	s0 =	simm.s32 $0x0;
	[sflag:s24] =	ssyncadd.s32 $0xFFFFFF00  }
0x4b: {  	v3 =	vld [tilespmem:s0+$0xA800];
	_ =	sdelay $0x4  }
0x4c: {  	v0 =	vshra.s32 v3, $0x1;
	v2 =	vmul.f32 $5.000000000e-01, v3  }
0x4d: {  	s29 =	simm.s32 $0x10;
	v0 =	vsub.s32 $0x5F3759DF, v0  }
0x4e: {  	v5 =	vld [tilespmem:s29+$0xA800];
	v1 =	vmul.f32 v0, v2;
	_ =	sdelay $0x1  }
0x4f: {  	v1 =	vmul.f32 v0, v1;
	_ =	sdelay $0x1  }
0x50: {  	v1 =	vsub.f32 $1.500000000e+00, v1  }
0x51: {  	v4 =	vshra.s32 v5, $0x1;
	v6 =	vmul.f32 $5.000000000e-01, v5  }
0x52: {  	s30 =	simm.s32 $0x20;
	v4 =	vsub.s32 $0x5F3759DF, v4;
	v7 =	vmul.f32 v0, v1  }
0x53: {  	v0 =	vld [tilespmem:s30+$0xA800];
	v1 =	vmul.f32 v4, v6  }
0x54: {  	v8 =	vmul.f32 v7, v2  }
0x55: {  	v1 =	vmul.f32 v4, v1  }
0x56: {  	v8 =	vmul.f32 v8, v7  }
0x57: {  	v1 =	vsub.f32 $1.500000000e+00, v1  }
0x58: {  	v9 =	vshra.s32 v0, $0x1;
	v10 =	vmul.f32 $5.000000000e-01, v0;
	v8 =	vsub.f32 $1.500000000e+00, v8  }
0x59: {  	s31 =	simm.s32 $0x30;
	v9 =	vsub.s32 $0x5F3759DF, v9;
	v4 =	vmul.f32 v4, v1  }
0x5a: {  	v1 =	vld [tilespmem:s31+$0xA800];
	v11 =	vmul.f32 v9, v10;
	v7 =	vmul.f32 v8, v7  }
0x5b: {  	v8 =	vmul.f32 v4, v6  }
0x5c: {  	v11 =	vmul.f32 v9, v11;
	v2 =	vmul.f32 v7, v2  }
0x5d: {  	v8 =	vmul.f32 v8, v4  }
0x5e: {  	v11 =	vsub.f32 $1.500000000e+00, v11;
	v2 =	vmul.f32 v2, v7  }
0x5f: {  	v12 =	vshra.s32 v1, $0x1;
	v15 =	vmul.f32 $5.000000000e-01, v1;
	v8 =	vsub.f32 $1.500000000e+00, v8  }
0x60: {  	s3 =	simm.s32 $0x40;
	v12 =	vsub.s32 $0x5F3759DF, v12;
	v9 =	vmul.f32 v9, v11;
	v11 =	vsub.f32 $1.500000000e+00, v2  }
0x61: {  	v13 =	vmul.f32 v12, v15;
	v2 =	vld [tilespmem:s3+$0xA800];
	v8 =	vmul.f32 v8, v4  }
0x62: {  	v4 =	vmul.f32 v9, v10;
	v7 =	vmul.f32 v11, v7  }
0x63: {  	v11 =	vmul.f32 v12, v13;
	v6 =	vmul.f32 v8, v6  }
0x64: {  	v13 =	vmul.f32 v4, v9  }
0x65: {  	v11 =	vsub.f32 $1.500000000e+00, v11;
	v6 =	vmul.f32 v6, v8;
	v7 =	vmul.f32 v7, v3  }
0x66: {  	v3 =	vshra.s32 v2, $0x1;
	v4 =	vmul.f32 $5.000000000e-01, v2;
	v13 =	vsub.f32 $1.500000000e+00, v13  }
0x67: {  	s1 =	simm.s32 $0x50;
	v14 =	vsub.s32 $0x5F3759DF, v3;
	v11 =	vmul.f32 v12, v11;
	v6 =	vsub.f32 $1.500000000e+00, v6  }
0x68: {  	v3 =	vld [tilespmem:s1+$0xA800];
	v7 =	vadd.f32 $9.999999740e-06, v7;
	v12 =	vmul.f32 v14, v4;
	v16 =	vmul.f32 v13, v9  }
0x69: {  	v9 =	vmul.f32 v11, v15;
	v6 =	vmul.f32 v6, v8  }
0x6a: {  	(erf) = vrcp.f32 v7;
	v10 =	vmul.f32 v16, v10  }
0x6b: {  	v8 =	vmul.f32 v14, v12;
	v9 =	vmul.f32 v9, v11  }
0x6c: {  	v12 =	vmul.f32 v6, v5;
	v10 =	vmul.f32 v10, v16  }
0x6d: {  	v7 =	vsub.f32 $1.500000000e+00, v8;
	v5 =	vshra.s32 v3, $0x1;
	v6 =	vmul.f32 $5.000000000e-01, v3  }
0x6e: {  	v13 =	vsub.f32 $1.500000000e+00, v9;
	v9 =	vsub.s32 $0x5F3759DF, v5;
	v5 =	vsub.f32 $1.500000000e+00, v10  }
0x6f: {  	s15 =	simm.s32 $0x60;
	v8 =	vmul.f32 v14, v7;
	v14 =	vmul.f32 v9, v6  }
0x70: {  	v7 =	vmul.f32 v13, v11;
	v11 =	vmul.f32 v5, v16;
	v5 =	vld [tilespmem:s15+$0xA800]  }
0x71: {  	v10 =	vadd.f32 $9.999999740e-06, v12;
	v13 =	vmul.f32 v8, v4  }
0x72: {  	s16 =	simm.s32 $0x1C0;
	v14 =	vmul.f32 v9, v14;
	v12 =	vmul.f32 v7, v15  }
.LBB2_4:
0x73: {  	p0 =	sne.s32 s16, $0x3C0;
	v13 =	vmul.f32 v13, v8;
	(erf) = vrcp.f32 v10;
	s26 =	smov.u32 s16;
	s16 =	sadd.s32 $0x40, s16  }
0x74: {  	v11 =	vmul.f32 v11, v0;
	v0 =	vmovc v1;
	v1 =	vmovc v2;
	v10 =	vsub.f32 $1.500000000e+00, v14;
	v12 =	vmul.f32 v12, v7  }
.Ltmp1:
0x75: {  	v17 =	vshra.s32 v5, $0x1;
	v15 =	vmul.f32 $5.000000000e-01, v5;
	v13 =	vsub.f32 $1.500000000e+00, v13;
	v14 =	vpop (erf);
	(pc) =	sbr.rel @p0 .LBB2_4-.Ltmp1, $4  }
0x76: {  	v2 =	vmovc v3;
	s26 =	sshra.s32 s26, $0x2;
	v3 =	vmovc v5;
	v16 =	vmul.f32 v9, v10;
	v9 =	vsub.s32 $0x5F3759DF, v17;
	v12 =	vsub.f32 $1.500000000e+00, v12;
	[tilespmem:s0+$0xA900] =	vst v14;
	s0 =	smov.u32 s29;
	s29 =	smov.u32 s30  }
0x77: {  	v10 =	vadd.f32 $9.999999740e-06, v11;
	s30 =	smov.u32 s31;
	s31 =	smov.u32 s3;
	s3 =	smov.u32 s1;
	v5 =	vld [tilespmem:s26+$0xA800];
	v14 =	vmul.f32 v9, v15;
	v17 =	vmul.f32 v13, v8  }
0x78: {  	s1 =	smov.u32 s15;
	s15 =	smov.u32 s26;
	v13 =	vmul.f32 v16, v6;
	v11 =	vmul.f32 v12, v7;
	v8 =	vmov v16  }
0x79: {  	v14 =	vmul.f32 v9, v14;
	v12 =	vmul.f32 v17, v4;
	v4 =	vmovc v6;
	v6 =	vmovc v15;
	v7 =	vmov v17  }
0x7a: {  	_ =	sdelay $0x1  }
0x7b: {  	v15 =	vshra.s32 v5, $0x1;
	v16 =	vmul.f32 $5.000000000e-01, v5  }
0x7c: {  	v15 =	vsub.s32 $0x5F3759DF, v15  }
0x7d: {  	v17 =	vmul.f32 v15, v16;
	_ =	sdelay $0x1  }
0x7e: {  	v17 =	vmul.f32 v15, v17  }
0x7f: {  	v14 =	vsub.f32 $1.500000000e+00, v14  }
0x80: {  	v17 =	vsub.f32 $1.500000000e+00, v17  }
0x81: {  	v9 =	vmul.f32 v9, v14  }
0x82: {  	v14 =	vmul.f32 v15, v17  }
0x83: {  	v15 =	vmul.f32 v9, v6  }
0x84: {  	v13 =	vmul.f32 v13, v8;
	v17 =	vmul.f32 v14, v16  }
0x85: {  	v15 =	vmul.f32 v15, v9  }
0x86: {  	v13 =	vsub.f32 $1.500000000e+00, v13;
	v17 =	vmul.f32 v17, v14  }
0x87: {  	v15 =	vsub.f32 $1.500000000e+00, v15  }
0x88: {  	v8 =	vmul.f32 v13, v8;
	v13 =	vsub.f32 $1.500000000e+00, v17  }
0x89: {  	v9 =	vmul.f32 v15, v9  }
0x8a: {  	v4 =	vmul.f32 v8, v4;
	v13 =	vmul.f32 v13, v14  }
0x8b: {  	v12 =	vmul.f32 v12, v7;
	v6 =	vmul.f32 v9, v6  }
0x8c: {  	v4 =	vmul.f32 v4, v8;
	v14 =	vmul.f32 v13, v16  }
0x8d: {  	v12 =	vsub.f32 $1.500000000e+00, v12;
	v6 =	vmul.f32 v6, v9  }
0x8e: {  	v4 =	vsub.f32 $1.500000000e+00, v4;
	v14 =	vmul.f32 v14, v13  }
0x8f: {  	v7 =	vmul.f32 v12, v7;
	v6 =	vsub.f32 $1.500000000e+00, v6  }
0x90: {  	v0 =	vmul.f32 v11, v0;
	v4 =	vmul.f32 v4, v8;
	v8 =	vsub.f32 $1.500000000e+00, v14  }
0x91: {  	v1 =	vmul.f32 v7, v1;
	v6 =	vmul.f32 v6, v9  }
0x92: {  	v0 =	vadd.f32 $9.999999740e-06, v0;
	v2 =	vmul.f32 v4, v2;
	v4 =	vmul.f32 v8, v13  }
0x93: {  	(erf) = vrcp.f32 v10;
	v1 =	vadd.f32 $9.999999740e-06, v1;
	v3 =	vmul.f32 v6, v3  }
0x94: {  	(erf) = vrcp.f32 v0;
	v0 =	vadd.f32 $9.999999740e-06, v2;
	v2 =	vmul.f32 v4, v5  }
0x95: {  	(erf) = vrcp.f32 v1;
	v1 =	vadd.f32 $9.999999740e-06, v3  }
0x96: {  	(erf) = vrcp.f32 v0;
	v0 =	vadd.f32 $9.999999740e-06, v2  }
0x97: {  	(erf) = vrcp.f32 v1  }
0x98: {  	(erf) = vrcp.f32 v0;
	_ =	sdelay $0x2  }
0x99: {  	v0 =	vpop (erf)  }
0x9a: {  	v1 =	vpop (erf);
	[tilespmem:s0+$0xA900] =	vst v0  }
0x9b: {  	v0 =	vpop (erf);
	[tilespmem:s29+$0xA900] =	vst v1  }
0x9c: {  	v1 =	vpop (erf);
	[tilespmem:s30+$0xA900] =	vst v0  }
0x9d: {  	v0 =	vpop (erf);
	[tilespmem:s31+$0xA900] =	vst v1  }
0x9e: {  	[tilespmem:s3+$0xA900] =	vst v0;
	v0 =	vpop (erf)  }
0x9f: {  	[tilespmem:s1+$0xA900] =	vst v0;
	v0 =	vpop (erf)  }
0xa0: {  	[tilespmem:s15+$0xA900] =	vst v0  }
0xa1: {  	_ =	swait.ge [sflag:s25], $0x2000  }
0xa2: {  	[sflag:s25] =	ssyncset.done $0x0  }
0xa3: {  	[sflag:s25] =	ssyncadd.s32 $0xFFFFE000  }
0xa4: {  	_ =	swait.ge [sflag:s25], $0x2000  }
0xa5: {  	[sflag:s25] =	ssyncset.done $0x0  }
0xa6: {  	[sflag:s25] =	ssyncadd.s32 $0xFFFFE000  }
0xa7: {  	_ =	swait.ge [sflag:s25], $0x2000  }
0xa8: {  	[sflag:s25] =	ssyncset.done $0x0  }
0xa9: {  	[sflag:s25] =	ssyncadd.s32 $0xFFFFE000  }
0xaa: {  	_ =	swait.ge [sflag:s25], $0x2000  }
0xab: {  	[sflag:s25] =	ssyncset.done $0x0  }
0xac: {  	[sflag:s25] =	ssyncadd.s32 $0xFFFFE000  }
0xad: {  	_ =	swait.ge [sflag:s25], $0x2000  }
0xae: {  	[sflag:s25] =	ssyncset.done $0x0  }
0xaf: {  	s3 =	simm.s32 $0x700;
	[sflag:s25] =	ssyncadd.s32 $0xFFFFE000  }
0xb0: {  	v0 =	vld [tilespmem:s3+$0x0]  }
0xb1: {  	s15 =	simm.s32 $0x0;
	v16 =	vld [tilespmem:$0xAC20]  }
0xb2: {  	v1 =	vmov s15  }
0xb3: {  	v1 =	vshll.u32 v1, $0x5  }
0xb4: {  	v1 =	vor.u32 v18, v1  }
0xb5: {  	v46 =	vadd.s32 v1, v0  }
0xb6: {  	s16 =	simm.s32 $0x600;
	v17 =	vld [tilespmem:$0xAC30];
	v0 =	vadd.s32 v46, v16  }
0xb7: {  	v2 =	vld [tilespmem:s16+$0x0]  }
0xb8: {  	v26 =	vld [tilespmem:$0xAC40];
	_ =	sdelay $0x2  }
0xb9: {  	v3 =	vadd.s32 v46, v17;
	v6 =	vld.idx.msk [tilespmem:v0+s23+$0x0], $0xffff  }
0xba: {  	v1 =	vadd.s32 v1, v2  }
0xbb: {  	v5 =	vadd.s32 v1, v26;
	_ =	sdelay $0x1  }
0xbc: {  	v25 =	vld [tilespmem:$0xAC50]  }
0xbd: {  	[tilespmem:$0x1F040] =	vst v6;
	v6 =	vld.idx.msk [tilespmem:v3+s23+$0x0], $0xffff;
	_ =	sdelay $0x1  }
0xbe: {  	v39 =	vld.idx.msk [tilespmem:v5+s19+$0x0], $0xffff  }
0xbf: {  	v37 =	vld.idx.msk [tilespmem:v5+s20+$0x0], $0xffff;
	v5 =	vadd.s32 v1, v16;
	_ =	sdelay $0x1  }
0xc0: {  	v20 =	vld [tilespmem:$0xABC0];
	[tilespmem:$0x1F050] =	vst v6;
	v6 =	vadd.s32 v1, v25;
	_ =	sdelay $0x1  }
0xc1: {  	v19 =	vld [tilespmem:$0xAC10]  }
0xc2: {  	v48 =	vld.idx.msk [tilespmem:v5+s19+$0x0], $0xffff  }
0xc3: {  	v40 =	vld.idx.msk [tilespmem:v5+s20+$0x0], $0xffff  }
0xc4: {  	v5 =	vadd.s32 v46, v20;
	v47 =	vld.idx.msk [tilespmem:v6+s19+$0x0], $0xffff  }
0xc5: {  	v42 =	vld.idx.msk [tilespmem:v6+s20+$0x0], $0xffff;
	v6 =	vadd.s32 v1, v17  }
0xc6: {  	v21 =	vld [tilespmem:$0xABD0]  }
0xc7: {  	v52 =	vld.idx.msk [tilespmem:v3+s21+$0x0], $0xffff  }
0xc8: {  	v50 =	vld.idx.msk [tilespmem:v3+s22+$0x0], $0xffff  }
0xc9: {  	v3 =	vld.idx.msk [tilespmem:v5+s23+$0x0], $0xffff  }
0xca: {  	v49 =	vld.idx.msk [tilespmem:v6+s19+$0x0], $0xffff  }
0xcb: {  	v43 =	vld.idx.msk [tilespmem:v6+s20+$0x0], $0xffff;
	v6 =	vadd.s32 v46, v21;
	_ =	sdelay $0x1  }
0xcc: {  	v15 =	vld [tilespmem:$0xAC00]  }
0xcd: {  	v51 =	vld.idx.msk [tilespmem:v0+s21+$0x0], $0xffff  }
0xce: {  	v44 =	vld.idx.msk [tilespmem:v0+s22+$0x0], $0xffff  }
0xcf: {  	v0 =	vadd.s32 v1, v19;
	[tilespmem:$0x1F0D0] =	vst v3;
	v3 =	vld.idx.msk [tilespmem:v6+s23+$0x0], $0xffff;
	_ =	sdelay $0x2  }
0xd0: {  	v4 =	vadd.s32 v46, v15;
	_ =	sdelay $0x1  }
0xd1: {  	[tilespmem:$0x1F0E0] =	vst v3;
	v3 =	vld.idx.msk [tilespmem:v0+s19+$0x0], $0xffff;
	_ =	sdelay $0x2  }
0xd2: {  	v2 =	vadd.s32 v46, v19;
	v7 =	vld.idx.msk [tilespmem:v4+s23+$0x0], $0xffff;
	_ =	sdelay $0x1  }
0xd3: {  	[tilespmem:$0x1E760] =	vst v3;
	v3 =	vld.idx.msk [tilespmem:v4+s21+$0x0], $0xffff;
	_ =	sdelay $0x1  }
0xd4: {  	v22 =	vld [tilespmem:$0xABE0]  }
0xd5: {  	[tilespmem:$0x1F080] =	vst v7;
	v7 =	vld.idx.msk [tilespmem:v2+s23+$0x0], $0xffff  }
0xd6: {  	v63 =	vld.idx.msk [tilespmem:v0+s20+$0x0], $0xffff  }
0xd7: {  	[tilespmem:$0x1E780] =	vst v3;
	v3 =	vld.idx.msk [tilespmem:v4+s22+$0x0], $0xffff  }
0xd8: {  	v4 =	vld.idx.msk [tilespmem:v2+s21+$0x0], $0xffff  }
0xd9: {  	v0 =	vadd.s32 v1, v22;
	v2 =	vld.idx.msk [tilespmem:v2+s22+$0x0], $0xffff  }
0xda: {  	v23 =	vld [tilespmem:$0xABF0];
	_ =	sdelay $0x3  }
0xdb: {  	[tilespmem:$0x1E7E0] =	vst v2;
	v2 =	vld.idx.msk [tilespmem:v0+s19+$0x0], $0xffff  }
0xdc: {  	[tilespmem:$0x1E7D0] =	vst v3;
	v3 =	vadd.s32 v1, v23;
	v0 =	vld.idx.msk [tilespmem:v0+s20+$0x0], $0xffff;
	_ =	sdelay $0x4  }
0xdd: {  	[tilespmem:$0x1E810] =	vst v0;
	v0 =	vld.idx.msk [tilespmem:v3+s19+$0x0], $0xffff  }
0xde: {  	v8 =	vadd.s32 v46, v23  }
0xdf: {  	[tilespmem:$0x1F090] =	vst v7;
	v7 =	vadd.s32 v46, v22;
	_ =	sdelay $0x2  }
0xe0: {  	[tilespmem:$0x1E7B0] =	vst v0;
	v0 =	vld.idx.msk [tilespmem:v3+s20+$0x0], $0xffff  }
0xe1: {  	v3 =	vld.idx.msk [tilespmem:v8+s21+$0x0], $0xffff  }
0xe2: {  	[tilespmem:$0x1E7A0] =	vst v2;
	v2 =	vld.idx.msk [tilespmem:v7+s21+$0x0], $0xffff;
	_ =	sdelay $0x2  }
0xe3: {  	[tilespmem:$0x1E820] =	vst v0  }
0xe4: {  	v0 =	vadd.s32 v1, v20;
	[tilespmem:$0x1E800] =	vst v3;
	v3 =	vld.idx.msk [tilespmem:v8+s22+$0x0], $0xffff  }
0xe5: {  	[tilespmem:$0x1E7F0] =	vst v2;
	v2 =	vld.idx.msk [tilespmem:v7+s22+$0x0], $0xffff;
	_ =	sdelay $0x3  }
0xe6: {  	[tilespmem:$0x1E860] =	vst v3;
	v3 =	vld.idx.msk [tilespmem:v0+s19+$0x0], $0xffff  }
0xe7: {  	[tilespmem:$0x1E850] =	vst v2;
	v2 =	vadd.s32 v1, v21;
	v0 =	vld.idx.msk [tilespmem:v0+s20+$0x0], $0xffff;
	_ =	sdelay $0x4  }
0xe8: {  	[tilespmem:$0x1E8A0] =	vst v0;
	v0 =	vld.idx.msk [tilespmem:v2+s19+$0x0], $0xffff;
	_ =	sdelay $0x3  }
0xe9: {  	v13 =	vld [tilespmem:$0xABA0]  }
0xea: {  	[tilespmem:$0x1E840] =	vst v0;
	v0 =	vld.idx.msk [tilespmem:v2+s20+$0x0], $0xffff  }
0xeb: {  	v2 =	vld.idx.msk [tilespmem:v5+s21+$0x0], $0xffff;
	_ =	sdelay $0x3  }
0xec: {  	v14 =	vld [tilespmem:$0xABB0];
	[tilespmem:$0x1E8B0] =	vst v0;
	v0 =	vadd.s32 v1, v13  }
0xed: {  	[tilespmem:$0x1E870] =	vst v2;
	v2 =	vld.idx.msk [tilespmem:v5+s22+$0x0], $0xffff  }
0xee: {  	[tilespmem:$0x1E830] =	vst v3;
	v3 =	vld.idx.msk [tilespmem:v6+s21+$0x0], $0xffff;
	_ =	sdelay $0x2  }
0xef: {  	[tilespmem:$0x1E790] =	vst v4;
	v4 =	vld.idx.msk [tilespmem:v0+s19+$0x0], $0xffff  }
0xf0: {  	[tilespmem:$0x1E8E0] =	vst v2;
	v2 =	vadd.s32 v1, v14;
	v0 =	vld.idx.msk [tilespmem:v0+s20+$0x0], $0xffff  }
0xf1: {  	[tilespmem:$0x1E880] =	vst v3;
	v3 =	vld.idx.msk [tilespmem:v6+s22+$0x0], $0xffff;
	_ =	sdelay $0x3  }
0xf2: {  	[tilespmem:$0x1E930] =	vst v0;
	v0 =	vld.idx.msk [tilespmem:v2+s19+$0x0], $0xffff  }
0xf3: {  	[tilespmem:$0x1E8F0] =	vst v3;
	v3 =	vadd.s32 v46, v13;
	_ =	sdelay $0x3  }
0xf4: {  	[tilespmem:$0x1E8D0] =	vst v0;
	v0 =	vld.idx.msk [tilespmem:v2+s20+$0x0], $0xffff  }
0xf5: {  	v2 =	vld.idx.msk [tilespmem:v3+s23+$0x0], $0xffff;
	_ =	sdelay $0x4  }
0xf6: {  	[tilespmem:$0x1F0F0] =	vst v2;
	v2 =	vld.idx.msk [tilespmem:v3+s21+$0x0], $0xffff  }
0xf7: {  	[tilespmem:$0x1E940] =	vst v0;
	v0 =	vadd.s32 v46, v14;
	v3 =	vld.idx.msk [tilespmem:v3+s22+$0x0], $0xffff;
	_ =	sdelay $0x4  }
0xf8: {  	[tilespmem:$0x1E970] =	vst v3;
	v3 =	vld.idx.msk [tilespmem:v0+s23+$0x0], $0xffff  }
0xf9: {  	v12 =	vld [tilespmem:$0xAB80];
	_ =	sdelay $0x2  }
0xfa: {  	v9 =	vld.idx.msk [tilespmem:v7+s23+$0x0], $0xffff  }
0xfb: {  	[tilespmem:$0x1F100] =	vst v3;
	v3 =	vld.idx.msk [tilespmem:v0+s21+$0x0], $0xffff  }
0xfc: {  	[tilespmem:$0x1E900] =	vst v2;
	v2 =	vadd.s32 v1, v12;
	v0 =	vld.idx.msk [tilespmem:v0+s22+$0x0], $0xffff;
	_ =	sdelay $0x2  }
0xfd: {  	[tilespmem:$0x1F0B0] =	vst v9;
	v9 =	vld.idx.msk [tilespmem:v8+s23+$0x0], $0xffff  }
0xfe: {  	v8 =	vld [tilespmem:$0xAB90]  }
0xff: {  	[tilespmem:$0x1E980] =	vst v0;
	v0 =	vld.idx.msk [tilespmem:v2+s19+$0x0], $0xffff;
	_ =	sdelay $0x3  }
0x100: {  	[tilespmem:$0x1E910] =	vst v3;
	v3 =	vadd.s32 v1, v8  }
0x101: {  	[tilespmem:$0x1E950] =	vst v0;
	v0 =	vld.idx.msk [tilespmem:v2+s20+$0x0], $0xffff;
	_ =	sdelay $0x3  }
0x102: {  	v2 =	vld.idx.msk [tilespmem:v3+s19+$0x0], $0xffff  }
0x103: {  	[tilespmem:$0x1E9B0] =	vst v0;
	v0 =	vadd.s32 v46, v12;
	_ =	sdelay $0x3  }
0x104: {  	[tilespmem:$0x1E960] =	vst v2;
	v2 =	vld.idx.msk [tilespmem:v3+s20+$0x0], $0xffff  }
0x105: {  	v3 =	vld.idx.msk [tilespmem:v0+s23+$0x0], $0xffff;
	_ =	sdelay $0x4  }
0x106: {  	[tilespmem:$0x1F120] =	vst v3;
	v3 =	vld.idx.msk [tilespmem:v0+s21+$0x0], $0xffff  }
0x107: {  	[tilespmem:$0x1E9C0] =	vst v2;
	v2 =	vadd.s32 v46, v8;
	v0 =	vld.idx.msk [tilespmem:v0+s22+$0x0], $0xffff;
	_ =	sdelay $0x4  }
0x108: {  	[tilespmem:$0x1EA00] =	vst v0;
	v0 =	vld.idx.msk [tilespmem:v2+s23+$0x0], $0xffff  }
0x109: {  	v41 =	vld [tilespmem:$0xAB60];
	_ =	sdelay $0x3  }
0x10a: {  	[tilespmem:$0x1F130] =	vst v0;
	v0 =	vld.idx.msk [tilespmem:v2+s21+$0x0], $0xffff  }
0x10b: {  	[tilespmem:$0x1E990] =	vst v3;
	v3 =	vadd.s32 v1, v41;
	v2 =	vld.idx.msk [tilespmem:v2+s22+$0x0], $0xffff  }
0x10c: {  	v45 =	vld [tilespmem:$0xAB70];
	_ =	sdelay $0x3  }
0x10d: {  	[tilespmem:$0x1EA10] =	vst v2;
	v2 =	vld.idx.msk [tilespmem:v3+s19+$0x0], $0xffff  }
0x10e: {  	[tilespmem:$0x1E9A0] =	vst v0;
	v0 =	vadd.s32 v1, v45;
	_ =	sdelay $0x2  }
0x10f: {  	[tilespmem:$0x1F0C0] =	vst v9  }
0x110: {  	v9 =	vadd.s32 v1, v15;
	[tilespmem:$0x1E9D0] =	vst v2;
	v2 =	vld.idx.msk [tilespmem:v3+s20+$0x0], $0xffff  }
0x111: {  	v3 =	vld.idx.msk [tilespmem:v0+s19+$0x0], $0xffff;
	_ =	sdelay $0x2  }
0x112: {  	v59 =	vld [tilespmem:$0xAB40];
	[tilespmem:$0x1E8C0] =	vst v4  }
0x113: {  	v58 =	vld.idx.msk [tilespmem:v9+s19+$0x0], $0xffff;
	[tilespmem:$0x1EA40] =	vst v2;
	v2 =	vadd.s32 v46, v41  }
0x114: {  	v53 =	vld.idx.msk [tilespmem:v9+s20+$0x0], $0xffff;
	[tilespmem:$0x1E9E0] =	vst v3  }
0x115: {  	v0 =	vld.idx.msk [tilespmem:v0+s20+$0x0], $0xffff;
	_ =	sdelay $0x2  }
0x116: {  	v3 =	vld.idx.msk [tilespmem:v2+s23+$0x0], $0xffff  }
0x117: {  	v4 =	vld.idx.msk [tilespmem:v2+s21+$0x0], $0xffff  }
0x118: {  	v2 =	vld.idx.msk [tilespmem:v2+s22+$0x0], $0xffff;
	[tilespmem:$0x1EA50] =	vst v0;
	v0 =	vadd.s32 v46, v45;
	_ =	sdelay $0x4  }
0x119: {  	[tilespmem:$0x1EA90] =	vst v2;
	v2 =	vld.idx.msk [tilespmem:v0+s23+$0x0], $0xffff;
	_ =	sdelay $0x3  }
0x11a: {  	[tilespmem:$0x1F140] =	vst v3  }
0x11b: {  	v3 =	vadd.s32 v1, v59;
	[tilespmem:$0x1F150] =	vst v2;
	v2 =	vld.idx.msk [tilespmem:v0+s21+$0x0], $0xffff;
	_ =	sdelay $0x2  }
0x11c: {  	v5 =	vld [tilespmem:$0xAB50]  }
0x11d: {  	v0 =	vld.idx.msk [tilespmem:v0+s22+$0x0], $0xffff  }
0x11e: {  	[tilespmem:$0x1EA30] =	vst v2;
	v2 =	vld.idx.msk [tilespmem:v3+s19+$0x0], $0xffff;
	_ =	sdelay $0x3  }
0x11f: {  	[tilespmem:$0x1EAA0] =	vst v0;
	v0 =	vadd.s32 v1, v5  }
0x120: {  	[tilespmem:$0x1EA60] =	vst v2;
	v2 =	vld.idx.msk [tilespmem:v3+s20+$0x0], $0xffff;
	_ =	sdelay $0x3  }
0x121: {  	[tilespmem:$0x1F200] =	vst v5;
	v3 =	vadd.s32 v46, v5;
	v5 =	vld.idx.msk [tilespmem:v0+s19+$0x0], $0xffff  }
0x122: {  	v0 =	vld.idx.msk [tilespmem:v0+s20+$0x0], $0xffff;
	[tilespmem:$0x1EAD0] =	vst v2;
	v2 =	vadd.s32 v46, v59;
	_ =	sdelay $0x4  }
0x123: {  	[tilespmem:$0x1EAE0] =	vst v0;
	v0 =	vld.idx.msk [tilespmem:v2+s23+$0x0], $0xffff  }
0x124: {  	[tilespmem:$0x1EA70] =	vst v5;
	v5 =	vld.idx.msk [tilespmem:v2+s21+$0x0], $0xffff  }
0x125: {  	v2 =	vld.idx.msk [tilespmem:v2+s22+$0x0], $0xffff;
	_ =	sdelay $0x1  }
0x126: {  	[tilespmem:$0x1EA20] =	vst v4;
	v4 =	vld [tilespmem:$0xAB20];
	_ =	sdelay $0x2  }
0x127: {  	[tilespmem:$0x1EB10] =	vst v2;
	v2 =	vld.idx.msk [tilespmem:v3+s23+$0x0], $0xffff  }
0x128: {  	[tilespmem:$0x1EAB0] =	vst v5;
	v5 =	vld.idx.msk [tilespmem:v3+s21+$0x0], $0xffff  }
0x129: {  	[tilespmem:$0x1F160] =	vst v0;
	v0 =	vadd.s32 v1, v4;
	v3 =	vld.idx.msk [tilespmem:v3+s22+$0x0], $0xffff  }
0x12a: {  	v6 =	vld [tilespmem:$0xAB30];
	_ =	sdelay $0x3  }
0x12b: {  	[tilespmem:$0x1EB20] =	vst v3;
	v3 =	vld.idx.msk [tilespmem:v0+s19+$0x0], $0xffff  }
0x12c: {  	[tilespmem:$0x1F170] =	vst v2;
	v2 =	vadd.s32 v1, v6;
	v0 =	vld.idx.msk [tilespmem:v0+s20+$0x0], $0xffff;
	_ =	sdelay $0x3  }
0x12d: {  	[tilespmem:$0x1EAF0] =	vst v3  }
0x12e: {  	[tilespmem:$0x1EB60] =	vst v0;
	v0 =	vadd.s32 v46, v4;
	v3 =	vld.idx.msk [tilespmem:v2+s19+$0x0], $0xffff  }
0x12f: {  	v2 =	vld.idx.msk [tilespmem:v2+s20+$0x0], $0xffff;
	_ =	sdelay $0x3  }
0x130: {  	[tilespmem:$0x1EB00] =	vst v3;
	v3 =	vld.idx.msk [tilespmem:v0+s23+$0x0], $0xffff  }
0x131: {  	[tilespmem:$0x1EB70] =	vst v2;
	v2 =	vadd.s32 v46, v6;
	_ =	sdelay $0x2  }
0x132: {  	v36 =	vld [tilespmem:$0xAB00]  }
0x133: {  	[tilespmem:$0x1F190] =	vst v3;
	v3 =	vld.idx.msk [tilespmem:v0+s21+$0x0], $0xffff  }
0x134: {  	[tilespmem:$0x1EAC0] =	vst v5;
	v5 =	vld.idx.msk [tilespmem:v2+s23+$0x0], $0xffff  }
0x135: {  	v0 =	vld.idx.msk [tilespmem:v0+s22+$0x0], $0xffff;
	_ =	sdelay $0x2  }
0x136: {  	v35 =	vld [tilespmem:$0xAB10]  }
0x137: {  	[tilespmem:$0x1F1A0] =	vst v5;
	v5 =	vld.idx.msk [tilespmem:v2+s21+$0x0], $0xffff  }
0x138: {  	[tilespmem:$0x1EBA0] =	vst v0;
	v0 =	vadd.s32 v1, v36;
	v2 =	vld.idx.msk [tilespmem:v2+s22+$0x0], $0xffff;
	_ =	sdelay $0x3  }
0x139: {  	v34 =	vld [tilespmem:$0xAAE0];
	[tilespmem:$0x1EB40] =	vst v5  }
0x13a: {  	[tilespmem:$0x1EBB0] =	vst v2;
	v2 =	vadd.s32 v1, v35;
	v5 =	vld.idx.msk [tilespmem:v0+s19+$0x0], $0xffff  }
0x13b: {  	v0 =	vld.idx.msk [tilespmem:v0+s20+$0x0], $0xffff;
	_ =	sdelay $0x2  }
0x13c: {  	v33 =	vld [tilespmem:$0xAAF0]  }
0x13d: {  	[tilespmem:$0x1EB80] =	vst v5;
	v5 =	vld.idx.msk [tilespmem:v2+s19+$0x0], $0xffff  }
0x13e: {  	[tilespmem:$0x1EBE0] =	vst v0;
	v0 =	vadd.s32 v1, v34;
	v2 =	vld.idx.msk [tilespmem:v2+s20+$0x0], $0xffff;
	_ =	sdelay $0x3  }
0x13f: {  	v24 =	vld [tilespmem:$0xAAC0];
	[tilespmem:$0x1EB90] =	vst v5  }
0x140: {  	[tilespmem:$0x1EBF0] =	vst v2;
	v2 =	vadd.s32 v1, v33;
	v5 =	vld.idx.msk [tilespmem:v0+s19+$0x0], $0xffff  }
0x141: {  	v0 =	vld.idx.msk [tilespmem:v0+s20+$0x0], $0xffff;
	_ =	sdelay $0x2  }
0x142: {  	v32 =	vld [tilespmem:$0xAAD0]  }
0x143: {  	[tilespmem:$0x1EC00] =	vst v5;
	v5 =	vld.idx.msk [tilespmem:v2+s19+$0x0], $0xffff  }
0x144: {  	[tilespmem:$0x1EC50] =	vst v0;
	v0 =	vadd.s32 v1, v24;
	v2 =	vld.idx.msk [tilespmem:v2+s20+$0x0], $0xffff;
	_ =	sdelay $0x3  }
0x145: {  	v31 =	vld [tilespmem:$0xAAA0];
	[tilespmem:$0x1F2F0] =	vst v4  }
0x146: {  	[tilespmem:$0x1EC60] =	vst v2;
	v2 =	vadd.s32 v1, v32;
	v4 =	vld.idx.msk [tilespmem:v0+s19+$0x0], $0xffff  }
0x147: {  	v0 =	vld.idx.msk [tilespmem:v0+s20+$0x0], $0xffff;
	_ =	sdelay $0x2  }
0x148: {  	v11 =	vld [tilespmem:$0xAAB0]  }
0x149: {  	[tilespmem:$0x1EB30] =	vst v3;
	v3 =	vld.idx.msk [tilespmem:v2+s19+$0x0], $0xffff  }
0x14a: {  	[tilespmem:$0x1ECD0] =	vst v0;
	v0 =	vadd.s32 v1, v31;
	v2 =	vld.idx.msk [tilespmem:v2+s20+$0x0], $0xffff;
	_ =	sdelay $0x3  }
0x14b: {  	v9 =	vld [tilespmem:$0xAA80];
	[tilespmem:$0x1EC80] =	vst v3  }
0x14c: {  	v3 =	vadd.s32 v1, v11;
	[tilespmem:$0x1ECE0] =	vst v2;
	v2 =	vld.idx.msk [tilespmem:v0+s19+$0x0], $0xffff  }
0x14d: {  	v0 =	vld.idx.msk [tilespmem:v0+s20+$0x0], $0xffff;
	_ =	sdelay $0x2  }
0x14e: {  	v30 =	vld [tilespmem:$0xAA90]  }
0x14f: {  	[tilespmem:$0x1ECF0] =	vst v2;
	v2 =	vld.idx.msk [tilespmem:v3+s19+$0x0], $0xffff  }
0x150: {  	[tilespmem:$0x1ED40] =	vst v0;
	v0 =	vadd.s32 v1, v9;
	v3 =	vld.idx.msk [tilespmem:v3+s20+$0x0], $0xffff;
	_ =	sdelay $0x3  }
0x151: {  	v10 =	vld [tilespmem:$0xAA60];
	[tilespmem:$0x1ED00] =	vst v2  }
0x152: {  	v2 =	vadd.s32 v1, v30;
	[tilespmem:$0x1ED50] =	vst v3;
	v3 =	vld.idx.msk [tilespmem:v0+s19+$0x0], $0xffff  }
0x153: {  	v0 =	vld.idx.msk [tilespmem:v0+s20+$0x0], $0xffff;
	_ =	sdelay $0x2  }
0x154: {  	v29 =	vld [tilespmem:$0xAA70]  }
0x155: {  	[tilespmem:$0x1ED60] =	vst v3;
	v3 =	vld.idx.msk [tilespmem:v2+s19+$0x0], $0xffff  }
0x156: {  	[tilespmem:$0x1EDC0] =	vst v0;
	v0 =	vadd.s32 v1, v10;
	v2 =	vld.idx.msk [tilespmem:v2+s20+$0x0], $0xffff;
	_ =	sdelay $0x3  }
0x157: {  	v28 =	vld [tilespmem:$0xAA40];
	[tilespmem:$0x1EC10] =	vst v5  }
0x158: {  	[tilespmem:$0x1EDD0] =	vst v2;
	v2 =	vadd.s32 v1, v29;
	v5 =	vld.idx.msk [tilespmem:v0+s19+$0x0], $0xffff  }
0x159: {  	v0 =	vld.idx.msk [tilespmem:v0+s20+$0x0], $0xffff;
	_ =	sdelay $0x1  }
0x15a: {  	v27 =	vld [tilespmem:$0xAA50]  }
0x15b: {  	v7 =	vld [tilespmem:$0xAA20]  }
0x15c: {  	[tilespmem:$0x1EC70] =	vst v4;
	v4 =	vld.idx.msk [tilespmem:v2+s19+$0x0], $0xffff  }
0x15d: {  	[tilespmem:$0x1EE40] =	vst v0;
	v0 =	vadd.s32 v1, v28;
	v2 =	vld.idx.msk [tilespmem:v2+s20+$0x0], $0xffff;
	_ =	sdelay $0x2  }
0x15e: {  	[tilespmem:$0x1ED70] =	vst v3;
	v3 =	vadd.s32 v1, v7  }
0x15f: {  	[tilespmem:$0x1F330] =	vst v6;
	v6 =	vld [tilespmem:$0xAA30]  }
0x160: {  	[tilespmem:$0x1EE50] =	vst v2;
	v2 =	vadd.s32 v1, v27;
	v38 =	vld.idx.msk [tilespmem:v0+s19+$0x0], $0xffff  }
0x161: {  	v0 =	vld.idx.msk [tilespmem:v0+s20+$0x0], $0xffff  }
0x162: {  	[tilespmem:$0x1EDE0] =	vst v5;
	v5 =	vld [tilespmem:$0xAA00]  }
0x163: {  	v62 =	vld.idx.msk [tilespmem:v3+s19+$0x0], $0xffff  }
0x164: {  	v3 =	vld.idx.msk [tilespmem:v3+s20+$0x0], $0xffff  }
0x165: {  	v61 =	vld.idx.msk [tilespmem:v2+s19+$0x0], $0xffff  }
0x166: {  	[tilespmem:$0x1EEB0] =	vst v0;
	v0 =	vadd.s32 v1, v6;
	v2 =	vld.idx.msk [tilespmem:v2+s20+$0x0], $0xffff;
	_ =	sdelay $0x2  }
0x167: {  	[tilespmem:$0x1EDF0] =	vst v4  }
0x168: {  	v4 =	vld [tilespmem:$0xAA10];
	[tilespmem:$0x1EF40] =	vst v3  }
0x169: {  	[tilespmem:$0x1EEC0] =	vst v2;
	v2 =	vadd.s32 v1, v5;
	v3 =	vld.idx.msk [tilespmem:v0+s19+$0x0], $0xffff;
	_ =	sdelay $0x4  }
0x16a: {  	v1 =	vadd.s32 v1, v4;
	[tilespmem:$0x1EEE0] =	vst v3;
	v3 =	vld.idx.msk [tilespmem:v2+s19+$0x0], $0xffff  }
0x16b: {  	v0 =	vld.idx.msk [tilespmem:v0+s20+$0x0], $0xffff;
	_ =	sdelay $0x3  }
0x16c: {  	[tilespmem:$0x1EF60] =	vst v3;
	v3 =	vld.idx.msk [tilespmem:v1+s19+$0x0], $0xffff  }
0x16d: {  	[tilespmem:$0x1EF50] =	vst v0;
	v0 =	vadd.s32 v46, v36;
	v1 =	vld.idx.msk [tilespmem:v1+s20+$0x0], $0xffff;
	_ =	sdelay $0x3  }
0x16e: {  	v2 =	vld.idx.msk [tilespmem:v2+s20+$0x0], $0xffff  }
0x16f: {  	[tilespmem:$0x1EFD0] =	vst v1;
	v1 =	vld.idx.msk [tilespmem:v0+s21+$0x0], $0xffff;
	_ =	sdelay $0x3  }
0x170: {  	[tilespmem:$0x1EFC0] =	vst v2  }
0x171: {  	v2 =	vadd.s32 v46, v35;
	[tilespmem:$0x1EBC0] =	vst v1;
	v1 =	vld.idx.msk [tilespmem:v0+s22+$0x0], $0xffff  }
0x172: {  	v0 =	vld.idx.msk [tilespmem:v0+s23+$0x0], $0xffff;
	_ =	sdelay $0x3  }
0x173: {  	v54 =	vld.idx.msk [tilespmem:v2+s21+$0x0], $0xffff  }
0x174: {  	[tilespmem:$0x1F1B0] =	vst v0;
	v0 =	vld.idx.msk [tilespmem:v2+s22+$0x0], $0xffff  }
0x175: {  	[tilespmem:$0x1EC20] =	vst v1;
	v1 =	vadd.s32 v46, v34;
	v2 =	vld.idx.msk [tilespmem:v2+s23+$0x0], $0xffff;
	_ =	sdelay $0x4  }
0x176: {  	[tilespmem:$0x1F1C0] =	vst v2;
	v2 =	vld.idx.msk [tilespmem:v1+s21+$0x0], $0xffff;
	_ =	sdelay $0x3  }
0x177: {  	[tilespmem:$0x1EC30] =	vst v0  }
0x178: {  	v0 =	vadd.s32 v46, v33;
	[tilespmem:$0x1EC40] =	vst v2;
	v2 =	vld.idx.msk [tilespmem:v1+s22+$0x0], $0xffff  }
0x179: {  	v1 =	vld.idx.msk [tilespmem:v1+s23+$0x0], $0xffff;
	_ =	sdelay $0x2  }
0x17a: {  	[tilespmem:$0x1F400] =	vst v24  }
0x17b: {  	[tilespmem:$0x1ECA0] =	vst v2;
	v2 =	vadd.s32 v46, v24;
	v24 =	vld.idx.msk [tilespmem:v0+s21+$0x0], $0xffff  }
0x17c: {  	[tilespmem:$0x1F1D0] =	vst v1;
	v1 =	vld.idx.msk [tilespmem:v0+s22+$0x0], $0xffff  }
0x17d: {  	v0 =	vld.idx.msk [tilespmem:v0+s23+$0x0], $0xffff;
	_ =	sdelay $0x4  }
0x17e: {  	[tilespmem:$0x1F1E0] =	vst v0;
	v0 =	vld.idx.msk [tilespmem:v2+s21+$0x0], $0xffff;
	_ =	sdelay $0x3  }
0x17f: {  	[tilespmem:$0x1ECB0] =	vst v1  }
0x180: {  	v1 =	vadd.s32 v46, v32;
	[tilespmem:$0x1ECC0] =	vst v0;
	v0 =	vld.idx.msk [tilespmem:v2+s22+$0x0], $0xffff  }
0x181: {  	v2 =	vld.idx.msk [tilespmem:v2+s23+$0x0], $0xffff;
	_ =	sdelay $0x3  }
0x182: {  	v57 =	vld.idx.msk [tilespmem:v1+s21+$0x0], $0xffff;
	[tilespmem:$0x1ED20] =	vst v0  }
0x183: {  	v0 =	vadd.s32 v46, v31;
	[tilespmem:$0x1F210] =	vst v2;
	v2 =	vld.idx.msk [tilespmem:v1+s22+$0x0], $0xffff  }
0x184: {  	v1 =	vld.idx.msk [tilespmem:v1+s23+$0x0], $0xffff;
	_ =	sdelay $0x2  }
0x185: {  	[tilespmem:$0x1F450] =	vst v11  }
0x186: {  	[tilespmem:$0x1ED30] =	vst v2;
	v2 =	vadd.s32 v46, v11;
	v11 =	vld.idx.msk [tilespmem:v0+s21+$0x0], $0xffff  }
0x187: {  	[tilespmem:$0x1F220] =	vst v1;
	v1 =	vld.idx.msk [tilespmem:v0+s22+$0x0], $0xffff  }
0x188: {  	v0 =	vld.idx.msk [tilespmem:v0+s23+$0x0], $0xffff;
	_ =	sdelay $0x2  }
0x189: {  	[tilespmem:$0x1F460] =	vst v9  }
0x18a: {  	[tilespmem:$0x1ED80] =	vst v1;
	v1 =	vadd.s32 v46, v9;
	v9 =	vld.idx.msk [tilespmem:v2+s21+$0x0], $0xffff  }
0x18b: {  	[tilespmem:$0x1F230] =	vst v0;
	v0 =	vld.idx.msk [tilespmem:v2+s22+$0x0], $0xffff  }
0x18c: {  	v2 =	vld.idx.msk [tilespmem:v2+s23+$0x0], $0xffff;
	_ =	sdelay $0x4  }
0x18d: {  	[tilespmem:$0x1F240] =	vst v2;
	v2 =	vld.idx.msk [tilespmem:v1+s21+$0x0], $0xffff;
	_ =	sdelay $0x3  }
0x18e: {  	[tilespmem:$0x1ED90] =	vst v0  }
0x18f: {  	v0 =	vadd.s32 v46, v30;
	[tilespmem:$0x1EDA0] =	vst v2;
	v2 =	vld.idx.msk [tilespmem:v1+s22+$0x0], $0xffff  }
0x190: {  	v1 =	vld.idx.msk [tilespmem:v1+s23+$0x0], $0xffff;
	_ =	sdelay $0x2  }
0x191: {  	[tilespmem:$0x1F4A0] =	vst v10  }
0x192: {  	[tilespmem:$0x1EE00] =	vst v2;
	v2 =	vadd.s32 v46, v10;
	v10 =	vld.idx.msk [tilespmem:v0+s21+$0x0], $0xffff  }
0x193: {  	[tilespmem:$0x1F250] =	vst v1;
	v1 =	vld.idx.msk [tilespmem:v0+s22+$0x0], $0xffff  }
0x194: {  	v0 =	vld.idx.msk [tilespmem:v0+s23+$0x0], $0xffff;
	_ =	sdelay $0x4  }
0x195: {  	[tilespmem:$0x1F260] =	vst v0;
	v0 =	vld.idx.msk [tilespmem:v2+s21+$0x0], $0xffff;
	_ =	sdelay $0x3  }
0x196: {  	[tilespmem:$0x1EE10] =	vst v1  }
0x197: {  	v1 =	vadd.s32 v46, v29;
	[tilespmem:$0x1EE20] =	vst v0;
	v0 =	vld.idx.msk [tilespmem:v2+s22+$0x0], $0xffff  }
0x198: {  	v2 =	vld.idx.msk [tilespmem:v2+s23+$0x0], $0xffff;
	_ =	sdelay $0x3  }
0x199: {  	v55 =	vld.idx.msk [tilespmem:v1+s21+$0x0], $0xffff  }
0x19a: {  	[tilespmem:$0x1F280] =	vst v2;
	v2 =	vld.idx.msk [tilespmem:v1+s22+$0x0], $0xffff  }
0x19b: {  	[tilespmem:$0x1EE80] =	vst v0;
	v0 =	vadd.s32 v46, v28;
	v1 =	vld.idx.msk [tilespmem:v1+s23+$0x0], $0xffff;
	_ =	sdelay $0x4  }
0x19c: {  	[tilespmem:$0x1F290] =	vst v1;
	v1 =	vld.idx.msk [tilespmem:v0+s21+$0x0], $0xffff;
	_ =	sdelay $0x3  }
0x19d: {  	[tilespmem:$0x1EE90] =	vst v2  }
0x19e: {  	v2 =	vadd.s32 v46, v27;
	[tilespmem:$0x1EEA0] =	vst v1;
	v1 =	vld.idx.msk [tilespmem:v0+s22+$0x0], $0xffff  }
0x19f: {  	v0 =	vld.idx.msk [tilespmem:v0+s23+$0x0], $0xffff;
	_ =	sdelay $0x3  }
0x1a0: {  	v60 =	vld.idx.msk [tilespmem:v2+s21+$0x0], $0xffff  }
0x1a1: {  	[tilespmem:$0x1F2A0] =	vst v0;
	v0 =	vld.idx.msk [tilespmem:v2+s22+$0x0], $0xffff  }
0x1a2: {  	[tilespmem:$0x1EF00] =	vst v1;
	v1 =	vadd.s32 v46, v7;
	v2 =	vld.idx.msk [tilespmem:v2+s23+$0x0], $0xffff;
	_ =	sdelay $0x4  }
0x1a3: {  	[tilespmem:$0x1F2B0] =	vst v2;
	v2 =	vld.idx.msk [tilespmem:v1+s21+$0x0], $0xffff;
	_ =	sdelay $0x4  }
0x1a4: {  	[tilespmem:$0x1EF20] =	vst v2;
	v2 =	vld.idx.msk [tilespmem:v1+s22+$0x0], $0xffff  }
0x1a5: {  	[tilespmem:$0x1EF10] =	vst v0;
	v0 =	vadd.s32 v46, v6;
	v1 =	vld.idx.msk [tilespmem:v1+s23+$0x0], $0xffff;
	_ =	sdelay $0x4  }
0x1a6: {  	[tilespmem:$0x1F300] =	vst v1;
	v1 =	vld.idx.msk [tilespmem:v0+s21+$0x0], $0xffff;
	_ =	sdelay $0x3  }
0x1a7: {  	[tilespmem:$0x1EF90] =	vst v2  }
0x1a8: {  	v2 =	vadd.s32 v46, v5;
	[tilespmem:$0x1EF30] =	vst v1;
	v1 =	vld.idx.msk [tilespmem:v0+s22+$0x0], $0xffff;
	_ =	sdelay $0x4  }
0x1a9: {  	[tilespmem:$0x1EFA0] =	vst v1;
	v1 =	vld.idx.msk [tilespmem:v2+s21+$0x0], $0xffff;
	_ =	sdelay $0x1  }
0x1aa: {  	v0 =	vld.idx.msk [tilespmem:v0+s23+$0x0], $0xffff;
	_ =	sdelay $0x2  }
0x1ab: {  	[tilespmem:$0x1EFB0] =	vst v1;
	v1 =	vld.idx.msk [tilespmem:v2+s22+$0x0], $0xffff;
	_ =	sdelay $0x1  }
0x1ac: {  	[tilespmem:$0x1F310] =	vst v0;
	v0 =	vadd.s32 v46, v4;
	_ =	sdelay $0x2  }
0x1ad: {  	[tilespmem:$0x1EFE0] =	vst v1;
	v1 =	vld.idx.msk [tilespmem:v2+s23+$0x0], $0xffff;
	_ =	sdelay $0x1  }
0x1ae: {  	[tilespmem:$0x1EE70] =	vst v61;
	v61 =	vld.idx.msk [tilespmem:v0+s21+$0x0], $0xffff  }
0x1af: {  	v2 =	vld.idx.msk [tilespmem:v0+s22+$0x0], $0xffff  }
0x1b0: {  	v0 =	vld.idx.msk [tilespmem:v0+s23+$0x0], $0xffff  }
0x1b1: {  	[tilespmem:$0x1F2C0] =	vst v1;
	v1 =	vadd.s32 v46, v26  }
0x1b2: {  	s29 =	simm.s32 $0x610;
	[tilespmem:$0x1F3F0] =	vst v33  }
0x1b3: {  	s26 =	simm.s32 $0x10;
	[tilespmem:$0x1F410] =	vst v32;
	v32 =	vld [tilespmem:s29+$0x0]  }
0x1b4: {  	[tilespmem:$0x1EED0] =	vst v62;
	v33 =	vmov s26  }
0x1b5: {  	[tilespmem:$0x1F2D0] =	vst v0;
	v0 =	vshll.u32 v33, $0x5  }
0x1b6: {  	v62 =	vadd.s32 v46, v25;
	[tilespmem:$0x1EF70] =	vst v3;
	v3 =	vor.u32 v18, v0;
	v0 =	vld.idx.msk [tilespmem:v1+s23+$0x0], $0xffff  }
0x1b7: {  	[tilespmem:$0x1F3C0] =	vst v34  }
0x1b8: {  	[tilespmem:$0x1F500] =	vst v7;
	v46 =	vadd.s32 v3, v32;
	v7 =	vld.idx.msk [tilespmem:v1+s21+$0x0], $0xffff  }
0x1b9: {  	s30 =	simm.s32 $0x710;
	[tilespmem:$0x1F580] =	vst v4;
	v34 =	vld.idx.msk [tilespmem:v1+s22+$0x0], $0xffff;
	v1 =	vadd.s32 v46, v26  }
0x1ba: {  	v4 =	vld [tilespmem:s30+$0x0];
	[tilespmem:$0x1EFF0] =	vst v2  }
0x1bb: {  	v2 =	vld.idx.msk [tilespmem:v62+s23+$0x0], $0xffff;
	[tilespmem:$0x1F600] =	vst v0;
	v0 =	vadd.s32 v46, v25  }
0x1bc: {  	[tilespmem:$0x1F530] =	vst v6;
	v6 =	vld.idx.msk [tilespmem:v62+s22+$0x0], $0xffff  }
0x1bd: {  	[tilespmem:$0x1F550] =	vst v5;
	v5 =	vld.idx.msk [tilespmem:v62+s21+$0x0], $0xffff  }
0x1be: {  	[tilespmem:$0x1F5D0] =	vst v25;
	v25 =	vld.idx.msk [tilespmem:v1+s19+$0x0], $0xffff  }
0x1bf: {  	v1 =	vld.idx.msk [tilespmem:v1+s20+$0x0], $0xffff  }
0x1c0: {  	v62 =	vadd.s32 v3, v4;
	[tilespmem:$0x1F610] =	vst v2;
	v2 =	vadd.s32 v46, v16;
	v3 =	vld.idx.msk [tilespmem:v0+s19+$0x0], $0xffff;
	_ =	sdelay $0x3  }
0x1c1: {  	[tilespmem:$0x1F6A0] =	vst v1  }
0x1c2: {  	v1 =	vadd.s32 v46, v17;
	[tilespmem:$0x1F690] =	vst v3;
	v3 =	vld.idx.msk [tilespmem:v2+s19+$0x0], $0xffff  }
0x1c3: {  	v0 =	vld.idx.msk [tilespmem:v0+s20+$0x0], $0xffff;
	_ =	sdelay $0x3  }
0x1c4: {  	[tilespmem:$0x1F6C0] =	vst v3;
	v3 =	vld.idx.msk [tilespmem:v1+s19+$0x0], $0xffff  }
0x1c5: {  	[tilespmem:$0x1F6B0] =	vst v0;
	v0 =	vadd.s32 v62, v16;
	v1 =	vld.idx.msk [tilespmem:v1+s20+$0x0], $0xffff;
	_ =	sdelay $0x3  }
0x1c6: {  	v2 =	vld.idx.msk [tilespmem:v2+s20+$0x0], $0xffff  }
0x1c7: {  	[tilespmem:$0x1F710] =	vst v1;
	v1 =	vld.idx.msk [tilespmem:v0+s23+$0x0], $0xffff;
	_ =	sdelay $0x3  }
0x1c8: {  	[tilespmem:$0x1F700] =	vst v2  }
0x1c9: {  	v2 =	vadd.s32 v62, v17;
	[tilespmem:$0x1FF50] =	vst v1;
	v1 =	vld.idx.msk [tilespmem:v0+s21+$0x0], $0xffff  }
0x1ca: {  	v0 =	vld.idx.msk [tilespmem:v0+s22+$0x0], $0xffff;
	_ =	sdelay $0x2  }
0x1cb: {  	[tilespmem:$0x1F6D0] =	vst v3  }
0x1cc: {  	v3 =	vld.idx.msk [tilespmem:v2+s21+$0x0], $0xffff;
	[tilespmem:$0x1F6E0] =	vst v1  }
0x1cd: {  	v1 =	vadd.s32 v46, v15;
	[tilespmem:$0x1F740] =	vst v0;
	v0 =	vld.idx.msk [tilespmem:v2+s23+$0x0], $0xffff;
	_ =	sdelay $0x3  }
0x1ce: {  	[tilespmem:$0x1F6F0] =	vst v3  }
0x1cf: {  	[tilespmem:$0x1FF60] =	vst v0;
	v0 =	vadd.s32 v46, v19;
	v3 =	vld.idx.msk [tilespmem:v1+s19+$0x0], $0xffff  }
0x1d0: {  	v2 =	vld.idx.msk [tilespmem:v2+s22+$0x0], $0xffff;
	_ =	sdelay $0x3  }
0x1d1: {  	[tilespmem:$0x1F720] =	vst v3;
	v3 =	vld.idx.msk [tilespmem:v0+s19+$0x0], $0xffff  }
0x1d2: {  	[tilespmem:$0x1F750] =	vst v2;
	v2 =	vadd.s32 v62, v15;
	v0 =	vld.idx.msk [tilespmem:v0+s20+$0x0], $0xffff;
	_ =	sdelay $0x4  }
0x1d3: {  	[tilespmem:$0x1F790] =	vst v0;
	v0 =	vld.idx.msk [tilespmem:v2+s23+$0x0], $0xffff;
	_ =	sdelay $0x3  }
0x1d4: {  	v1 =	vld.idx.msk [tilespmem:v1+s20+$0x0], $0xffff  }
0x1d5: {  	[tilespmem:$0x1FFA0] =	vst v0;
	v0 =	vld.idx.msk [tilespmem:v2+s21+$0x0], $0xffff;
	_ =	sdelay $0x3  }
0x1d6: {  	[tilespmem:$0x1F780] =	vst v1  }
0x1d7: {  	v1 =	vadd.s32 v62, v19;
	[tilespmem:$0x1F760] =	vst v0;
	v0 =	vld.idx.msk [tilespmem:v2+s22+$0x0], $0xffff;
	_ =	sdelay $0x4  }
0x1d8: {  	[tilespmem:$0x1F7C0] =	vst v0;
	v0 =	vld.idx.msk [tilespmem:v1+s23+$0x0], $0xffff;
	_ =	sdelay $0x4  }
0x1d9: {  	[tilespmem:$0x1FFB0] =	vst v0;
	v0 =	vld.idx.msk [tilespmem:v1+s21+$0x0], $0xffff;
	_ =	sdelay $0x4  }
0x1da: {  	[tilespmem:$0x1F770] =	vst v0;
	v0 =	vsub.f32 v39, v47;
	_ =	sdelay $0x1  }
0x1db: {  	[tilespmem:$0x1F000] =	vst v0;
	v0 =	vsub.f32 v7, v5;
	_ =	sdelay $0x1  }
0x1dc: {  	[tilespmem:$0x1F010] =	vst v0;
	v0 =	vld.idx.msk [tilespmem:v1+s22+$0x0], $0xffff;
	_ =	sdelay $0x2  }
0x1dd: {  	v2 =	vadd.s32 v46, v23  }
0x1de: {  	[tilespmem:$0x1F730] =	vst v3;
	v3 =	vadd.s32 v46, v22  }
0x1df: {  	[tilespmem:$0x1F7D0] =	vst v0;
	v0 =	vsub.f32 v37, v42;
	_ =	sdelay $0x1  }
0x1e0: {  	[tilespmem:$0x1F060] =	vst v0;
	v0 =	vsub.f32 v48, v49  }
0x1e1: {  	v1 =	vld.idx.msk [tilespmem:v2+s19+$0x0], $0xffff  }
0x1e2: {  	[tilespmem:$0x1F020] =	vst v0;
	v0 =	vld.idx.msk [tilespmem:v3+s19+$0x0], $0xffff;
	_ =	sdelay $0x3  }
0x1e3: {  	[tilespmem:$0x1F7B0] =	vst v1;
	v1 =	vsub.f32 v44, v50  }
0x1e4: {  	[tilespmem:$0x1F7A0] =	vst v0;
	v0 =	vsub.f32 v34, v6  }
0x1e5: {  	[tilespmem:$0x1F5A0] =	vst v1;
	v1 =	vld [tilespmem:$0x1E780]  }
0x1e6: {  	[tilespmem:$0x1F070] =	vst v0;
	v0 =	vld.idx.msk [tilespmem:v3+s20+$0x0], $0xffff  }
0x1e7: {  	v3 =	vld [tilespmem:$0x1E790];
	_ =	sdelay $0x4  }
0x1e8: {  	v56 =	vsub.f32 v51, v52;
	v52 =	vsub.f32 v1, v3;
	v1 =	vld.idx.msk [tilespmem:v2+s20+$0x0], $0xffff;
	_ =	sdelay $0x3  }
0x1e9: {  	v2 =	vld [tilespmem:$0x1E7B0]  }
0x1ea: {  	v5 =	vadd.s32 v62, v22;
	[tilespmem:$0x1F820] =	vst v1;
	v1 =	vld [tilespmem:$0x1E7A0];
	_ =	sdelay $0x4  }
0x1eb: {  	v50 =	vsub.f32 v1, v2;
	v1 =	vld.idx.msk [tilespmem:v5+s23+$0x0], $0xffff;
	_ =	sdelay $0x3  }
0x1ec: {  	v2 =	vld [tilespmem:$0x1E7E0]  }
0x1ed: {  	[tilespmem:$0x1E7C0] =	vst v1;
	v1 =	vld [tilespmem:$0x1E7D0];
	_ =	sdelay $0x4  }
0x1ee: {  	v63 =	vsub.f32 v53, v63;
	v53 =	vsub.f32 v1, v2;
	v1 =	vld [tilespmem:$0x1E7F0]  }
0x1ef: {  	v2 =	vld [tilespmem:$0x1E800];
	_ =	sdelay $0x4  }
0x1f0: {  	v47 =	vsub.f32 v1, v2;
	v1 =	vld.idx.msk [tilespmem:v5+s21+$0x0], $0xffff;
	_ =	sdelay $0x3  }
0x1f1: {  	v2 =	vld [tilespmem:$0x1E820]  }
0x1f2: {  	[tilespmem:$0x1F7E0] =	vst v1;
	v1 =	vld [tilespmem:$0x1E810];
	_ =	sdelay $0x4  }
0x1f3: {  	v1 =	vsub.f32 v1, v2  }
0x1f4: {  	v2 =	vld [tilespmem:$0x1E840]  }
0x1f5: {  	[tilespmem:$0x1F510] =	vst v1;
	v1 =	vld [tilespmem:$0x1E830];
	_ =	sdelay $0x4  }
0x1f6: {  	v49 =	vsub.f32 v1, v2;
	v1 =	vld.idx.msk [tilespmem:v5+s22+$0x0], $0xffff;
	_ =	sdelay $0x3  }
0x1f7: {  	[tilespmem:$0x1F810] =	vst v0;
	v2 =	vld [tilespmem:$0x1E860]  }
0x1f8: {  	v0 =	vsub.f32 v40, v43;
	[tilespmem:$0x1F860] =	vst v1;
	v1 =	vld [tilespmem:$0x1E850];
	_ =	sdelay $0x1  }
0x1f9: {  	[tilespmem:$0x1F590] =	vst v0;
	v0 =	vld [tilespmem:$0x1E760];
	_ =	sdelay $0x2  }
0x1fa: {  	v1 =	vsub.f32 v1, v2  }
0x1fb: {  	v2 =	vld [tilespmem:$0x1E880]  }
0x1fc: {  	v58 =	vsub.f32 v58, v0;
	v0 =	vadd.s32 v62, v23;
	[tilespmem:$0x1F520] =	vst v1;
	v1 =	vld [tilespmem:$0x1E870];
	_ =	sdelay $0x4  }
0x1fd: {  	v43 =	vsub.f32 v1, v2;
	v1 =	vld.idx.msk [tilespmem:v0+s23+$0x0], $0xffff;
	_ =	sdelay $0x3  }
0x1fe: {  	v3 =	vld [tilespmem:$0x1E8B0]  }
0x1ff: {  	[tilespmem:$0x1E890] =	vst v1;
	v1 =	vld [tilespmem:$0x1E8A0];
	_ =	sdelay $0x4  }
0x200: {  	v48 =	vsub.f32 v1, v3;
	v1 =	vld [tilespmem:$0x1E8C0]  }
0x201: {  	v3 =	vld [tilespmem:$0x1E8D0];
	_ =	sdelay $0x4  }
0x202: {  	v42 =	vsub.f32 v1, v3;
	v1 =	vld.idx.msk [tilespmem:v0+s21+$0x0], $0xffff;
	_ =	sdelay $0x3  }
0x203: {  	v3 =	vld [tilespmem:$0x1E8F0]  }
0x204: {  	[tilespmem:$0x1F7F0] =	vst v1;
	v1 =	vld [tilespmem:$0x1E8E0];
	_ =	sdelay $0x4  }
0x205: {  	v44 =	vsub.f32 v1, v3;
	v1 =	vld [tilespmem:$0x1E900]  }
0x206: {  	v3 =	vld [tilespmem:$0x1E910];
	_ =	sdelay $0x4  }
0x207: {  	[tilespmem:$0x1EE60] =	vst v38;
	v38 =	vsub.f32 v1, v3;
	v1 =	vld [tilespmem:$0x1E930]  }
0x208: {  	v3 =	vld [tilespmem:$0x1E940];
	_ =	sdelay $0x4  }
0x209: {  	v1 =	vsub.f32 v1, v3  }
0x20a: {  	[tilespmem:$0x1F3B0] =	vst v35;
	v3 =	vld [tilespmem:$0x1E960]  }
0x20b: {  	v35 =	vadd.s32 v46, v20;
	[tilespmem:$0x1F4C0] =	vst v1;
	v1 =	vld [tilespmem:$0x1E950];
	_ =	sdelay $0x4  }
0x20c: {  	v39 =	vsub.f32 v1, v3;
	v1 =	vld.idx.msk [tilespmem:v35+s19+$0x0], $0xffff;
	_ =	sdelay $0x3  }
0x20d: {  	v3 =	vld [tilespmem:$0x1E980]  }
0x20e: {  	[tilespmem:$0x1F830] =	vst v1;
	v1 =	vld [tilespmem:$0x1E970];
	_ =	sdelay $0x4  }
0x20f: {  	v1 =	vsub.f32 v1, v3  }
0x210: {  	v3 =	vld [tilespmem:$0x1E9A0]  }
0x211: {  	[tilespmem:$0x1F4D0] =	vst v1;
	v1 =	vld [tilespmem:$0x1E990];
	_ =	sdelay $0x4  }
0x212: {  	[tilespmem:$0x1F390] =	vst v36;
	v36 =	vsub.f32 v1, v3;
	v1 =	vld.idx.msk [tilespmem:v35+s20+$0x0], $0xffff;
	_ =	sdelay $0x3  }
0x213: {  	v3 =	vld [tilespmem:$0x1E9C0]  }
0x214: {  	[tilespmem:$0x1F8B0] =	vst v1;
	v1 =	vld [tilespmem:$0x1E9B0];
	_ =	sdelay $0x4  }
0x215: {  	v40 =	vsub.f32 v1, v3;
	v1 =	vld [tilespmem:$0x1E9D0]  }
0x216: {  	v2 =	vadd.s32 v46, v21;
	v3 =	vld [tilespmem:$0x1E9E0];
	_ =	sdelay $0x4  }
0x217: {  	v51 =	vsub.f32 v1, v3;
	v3 =	vld.idx.msk [tilespmem:v2+s19+$0x0], $0xffff;
	_ =	sdelay $0x3  }
0x218: {  	v4 =	vld [tilespmem:$0x1EA10]  }
0x219: {  	[tilespmem:$0x1F840] =	vst v3;
	v3 =	vld [tilespmem:$0x1EA00];
	_ =	sdelay $0x3  }
0x21a: {  	v2 =	vld.idx.msk [tilespmem:v2+s20+$0x0], $0xffff  }
0x21b: {  	v37 =	vsub.f32 v3, v4;
	v3 =	vld [tilespmem:$0x1EA20]  }
0x21c: {  	v4 =	vld [tilespmem:$0x1EA30];
	_ =	sdelay $0x3  }
0x21d: {  	[tilespmem:$0x1F8C0] =	vst v2;
	v2 =	vld [tilespmem:$0x1EA40]  }
0x21e: {  	v33 =	vsub.f32 v3, v4;
	v3 =	vld [tilespmem:$0x1EA50]  }
0x21f: {  	v0 =	vld.idx.msk [tilespmem:v0+s22+$0x0], $0xffff;
	_ =	sdelay $0x3  }
0x220: {  	v2 =	vsub.f32 v2, v3  }
0x221: {  	[tilespmem:$0x1F870] =	vst v0;
	v3 =	vld [tilespmem:$0x1EA70]  }
0x222: {  	v0 =	vadd.s32 v62, v20;
	[tilespmem:$0x1F470] =	vst v2;
	v2 =	vld [tilespmem:$0x1EA60];
	_ =	sdelay $0x4  }
0x223: {  	v34 =	vsub.f32 v2, v3;
	v2 =	vld.idx.msk [tilespmem:v0+s23+$0x0], $0xffff;
	_ =	sdelay $0x3  }
0x224: {  	v3 =	vld [tilespmem:$0x1EAA0]  }
0x225: {  	[tilespmem:$0x1EA80] =	vst v2;
	v2 =	vld [tilespmem:$0x1EA90];
	_ =	sdelay $0x4  }
0x226: {  	v2 =	vsub.f32 v2, v3  }
0x227: {  	v3 =	vld [tilespmem:$0x1EAC0]  }
0x228: {  	[tilespmem:$0x1F480] =	vst v2;
	v2 =	vld [tilespmem:$0x1EAB0];
	_ =	sdelay $0x3  }
0x229: {  	v4 =	vld [tilespmem:$0x1EAE0]  }
0x22a: {  	[tilespmem:$0x1F440] =	vst v31;
	v31 =	vsub.f32 v2, v3;
	v3 =	vld [tilespmem:$0x1EAD0];
	_ =	sdelay $0x2  }
0x22b: {  	v2 =	vld.idx.msk [tilespmem:v0+s21+$0x0], $0xffff  }
0x22c: {  	v0 =	vld.idx.msk [tilespmem:v0+s22+$0x0], $0xffff  }
0x22d: {  	v35 =	vsub.f32 v3, v4;
	v3 =	vld [tilespmem:$0x1EAF0]  }
0x22e: {  	v4 =	vld [tilespmem:$0x1EB00];
	_ =	sdelay $0x3  }
0x22f: {  	[tilespmem:$0x1F900] =	vst v0;
	v0 =	vld [tilespmem:$0x1EB10]  }
0x230: {  	[tilespmem:$0x1F4B0] =	vst v29;
	v29 =	vsub.f32 v3, v4;
	v3 =	vld [tilespmem:$0x1EB20];
	_ =	sdelay $0x4  }
0x231: {  	v32 =	vsub.f32 v0, v3;
	v0 =	vld [tilespmem:$0x1EB30]  }
0x232: {  	v1 =	vadd.s32 v62, v21;
	v3 =	vld [tilespmem:$0x1EB40];
	_ =	sdelay $0x4  }
0x233: {  	[tilespmem:$0x1F4F0] =	vst v27;
	v27 =	vsub.f32 v0, v3;
	v0 =	vld.idx.msk [tilespmem:v1+s23+$0x0], $0xffff;
	_ =	sdelay $0x3  }
0x234: {  	v4 =	vld [tilespmem:$0x1EB70]  }
0x235: {  	[tilespmem:$0x1EB50] =	vst v0;
	v0 =	vld [tilespmem:$0x1EB60];
	_ =	sdelay $0x4  }
0x236: {  	v0 =	vsub.f32 v0, v4  }
0x237: {  	v4 =	vld [tilespmem:$0x1EB90]  }
0x238: {  	[tilespmem:$0x1F420] =	vst v0;
	v0 =	vld [tilespmem:$0x1EB80];
	_ =	sdelay $0x4  }
0x239: {  	[tilespmem:$0x1F4E0] =	vst v28;
	v28 =	vsub.f32 v0, v4;
	v0 =	vld.idx.msk [tilespmem:v1+s21+$0x0], $0xffff;
	_ =	sdelay $0x3  }
0x23a: {  	v4 =	vld [tilespmem:$0x1EBB0]  }
0x23b: {  	[tilespmem:$0x1F890] =	vst v0;
	v0 =	vld [tilespmem:$0x1EBA0];
	_ =	sdelay $0x4  }
0x23c: {  	v0 =	vsub.f32 v0, v4;
	_ =	sdelay $0x1  }
0x23d: {  	[tilespmem:$0x1F430] =	vst v0;
	v0 =	vld [tilespmem:$0x1EBC0];
	_ =	sdelay $0x4  }
0x23e: {  	v54 =	vsub.f32 v0, v54;
	v0 =	vld.idx.msk [tilespmem:v1+s22+$0x0], $0xffff;
	_ =	sdelay $0x3  }
0x23f: {  	v4 =	vld [tilespmem:$0x1EBF0]  }
0x240: {  	[tilespmem:$0x1F910] =	vst v0;
	v0 =	vld [tilespmem:$0x1EBE0];
	_ =	sdelay $0x4  }
0x241: {  	[tilespmem:$0x1F490] =	vst v30;
	v30 =	vsub.f32 v0, v4;
	v0 =	vld [tilespmem:$0x1EC00]  }
0x242: {  	[tilespmem:$0x1F880] =	vst v2;
	v2 =	vadd.s32 v46, v13;
	v4 =	vld [tilespmem:$0x1EC10];
	_ =	sdelay $0x4  }
0x243: {  	[tilespmem:$0x1F680] =	vst v25;
	v25 =	vsub.f32 v0, v4;
	v0 =	vld.idx.msk [tilespmem:v2+s19+$0x0], $0xffff;
	_ =	sdelay $0x3  }
0x244: {  	v4 =	vld [tilespmem:$0x1EC30]  }
0x245: {  	[tilespmem:$0x1F8D0] =	vst v0;
	v0 =	vld [tilespmem:$0x1EC20];
	_ =	sdelay $0x4  }
0x246: {  	[tilespmem:$0x1F5B0] =	vst v26;
	v26 =	vsub.f32 v0, v4;
	v0 =	vld [tilespmem:$0x1EC40];
	_ =	sdelay $0x4  }
0x247: {  	[tilespmem:$0x1E770] =	vst v23;
	v23 =	vsub.f32 v0, v24;
	v0 =	vld.idx.msk [tilespmem:v2+s20+$0x0], $0xffff;
	_ =	sdelay $0x3  }
0x248: {  	v2 =	vld [tilespmem:$0x1EC60]  }
0x249: {  	[tilespmem:$0x1F950] =	vst v0;
	v0 =	vld [tilespmem:$0x1EC50];
	_ =	sdelay $0x4  }
0x24a: {  	v0 =	vsub.f32 v0, v2  }
0x24b: {  	v2 =	vld [tilespmem:$0x1EC80]  }
0x24c: {  	v3 =	vadd.s32 v46, v14;
	[tilespmem:$0x1F3D0] =	vst v0;
	v0 =	vld [tilespmem:$0x1EC70];
	_ =	sdelay $0x4  }
0x24d: {  	v24 =	vsub.f32 v0, v2;
	v2 =	vld.idx.msk [tilespmem:v3+s19+$0x0], $0xffff;
	_ =	sdelay $0x3  }
0x24e: {  	v4 =	vld [tilespmem:$0x1ECB0]  }
0x24f: {  	[tilespmem:$0x1F8E0] =	vst v2;
	v2 =	vld [tilespmem:$0x1ECA0];
	_ =	sdelay $0x4  }
0x250: {  	v2 =	vsub.f32 v2, v4;
	_ =	sdelay $0x1  }
0x251: {  	[tilespmem:$0x1F3E0] =	vst v2;
	v2 =	vld [tilespmem:$0x1ECC0];
	_ =	sdelay $0x4  }
0x252: {  	[tilespmem:$0x1E720] =	vst v17;
	v17 =	vsub.f32 v2, v57;
	v2 =	vld.idx.msk [tilespmem:v3+s20+$0x0], $0xffff;
	_ =	sdelay $0x3  }
0x253: {  	v3 =	vld [tilespmem:$0x1ECE0]  }
0x254: {  	[tilespmem:$0x1F960] =	vst v2;
	v2 =	vld [tilespmem:$0x1ECD0];
	_ =	sdelay $0x4  }
0x255: {  	v57 =	vsub.f32 v2, v3;
	v2 =	vld [tilespmem:$0x1ECF0]  }
0x256: {  	v1 =	vadd.s32 v62, v13;
	v3 =	vld [tilespmem:$0x1ED00];
	_ =	sdelay $0x4  }
0x257: {  	[tilespmem:$0x1E9F0] =	vst v21;
	v21 =	vsub.f32 v2, v3;
	v2 =	vld.idx.msk [tilespmem:v1+s23+$0x0], $0xffff;
	_ =	sdelay $0x3  }
0x258: {  	v3 =	vld [tilespmem:$0x1ED30]  }
0x259: {  	[tilespmem:$0x1ED10] =	vst v2;
	v2 =	vld [tilespmem:$0x1ED20];
	_ =	sdelay $0x3  }
0x25a: {  	v4 =	vld [tilespmem:$0x1ED50]  }
0x25b: {  	[tilespmem:$0x1E750] =	vst v22;
	v22 =	vsub.f32 v2, v3;
	v3 =	vld [tilespmem:$0x1ED40];
	_ =	sdelay $0x3  }
0x25c: {  	v2 =	vld.idx.msk [tilespmem:v1+s21+$0x0], $0xffff  }
0x25d: {  	v1 =	vld.idx.msk [tilespmem:v1+s22+$0x0], $0xffff;
	v3 =	vsub.f32 v3, v4  }
0x25e: {  	v4 =	vld [tilespmem:$0x1ED70]  }
0x25f: {  	[tilespmem:$0x1F360] =	vst v3;
	v3 =	vld [tilespmem:$0x1ED60];
	_ =	sdelay $0x3  }
0x260: {  	[tilespmem:$0x1F9B0] =	vst v1;
	v1 =	vld [tilespmem:$0x1ED80]  }
0x261: {  	[tilespmem:$0x1E740] =	vst v19;
	v19 =	vsub.f32 v3, v4;
	v3 =	vld [tilespmem:$0x1ED90]  }
0x262: {  	[tilespmem:$0x1E710] =	vst v16  }
0x263: {  	[tilespmem:$0x1E730] =	vst v15  }
0x264: {  	[tilespmem:$0x1E920] =	vst v20  }
0x265: {  	[tilespmem:$0x1EBD0] =	vst v13  }
0x266: {  	[tilespmem:$0x1EC90] =	vst v14;
	v1 =	vsub.f32 v1, v3  }
0x267: {  	[tilespmem:$0x1F920] =	vst v2  }
0x268: {  	[tilespmem:$0x1F370] =	vst v1  }
0x269: {  	v0 =	vadd.s32 v62, v14;
	v1 =	vld [tilespmem:$0x1EDA0];
	_ =	sdelay $0x4  }
0x26a: {  	v13 =	vsub.f32 v1, v10;
	v1 =	vld.idx.msk [tilespmem:v0+s23+$0x0], $0xffff;
	_ =	sdelay $0x3  }
0x26b: {  	v4 =	vld [tilespmem:$0x1EDD0]  }
0x26c: {  	[tilespmem:$0x1EDB0] =	vst v1;
	v1 =	vld [tilespmem:$0x1EDC0];
	_ =	sdelay $0x4  }
0x26d: {  	v1 =	vsub.f32 v1, v4  }
0x26e: {  	v4 =	vld [tilespmem:$0x1EDF0]  }
0x26f: {  	[tilespmem:$0x1F340] =	vst v1;
	v1 =	vld [tilespmem:$0x1EDE0];
	_ =	sdelay $0x4  }
0x270: {  	v14 =	vsub.f32 v1, v4;
	v1 =	vld.idx.msk [tilespmem:v0+s21+$0x0], $0xffff;
	_ =	sdelay $0x3  }
0x271: {  	v4 =	vld [tilespmem:$0x1EE10]  }
0x272: {  	[tilespmem:$0x1F930] =	vst v1;
	v1 =	vld [tilespmem:$0x1EE00];
	_ =	sdelay $0x4  }
0x273: {  	v1 =	vsub.f32 v1, v4;
	_ =	sdelay $0x1  }
0x274: {  	[tilespmem:$0x1F350] =	vst v1;
	v1 =	vld [tilespmem:$0x1EE20];
	_ =	sdelay $0x3  }
0x275: {  	v4 =	vld [tilespmem:$0x1EE50]  }
0x276: {  	v55 =	vsub.f32 v1, v55;
	v1 =	vld [tilespmem:$0x1EE40];
	_ =	sdelay $0x4  }
0x277: {  	v16 =	vsub.f32 v1, v4;
	v1 =	vld [tilespmem:$0x1EE60]  }
0x278: {  	v2 =	vadd.s32 v46, v12;
	v4 =	vld [tilespmem:$0x1EE70];
	_ =	sdelay $0x4  }
0x279: {  	v10 =	vsub.f32 v1, v4;
	v1 =	vld.idx.msk [tilespmem:v2+s19+$0x0], $0xffff;
	_ =	sdelay $0x2  }
0x27a: {  	v0 =	vld.idx.msk [tilespmem:v0+s22+$0x0], $0xffff  }
0x27b: {  	v4 =	vld [tilespmem:$0x1EE90]  }
0x27c: {  	[tilespmem:$0x1F980] =	vst v1;
	v1 =	vld [tilespmem:$0x1EE80];
	_ =	sdelay $0x3  }
0x27d: {  	[tilespmem:$0x1EE30] =	vst v12  }
0x27e: {  	[tilespmem:$0x1F9C0] =	vst v0;
	v0 =	vadd.s32 v62, v12;
	v12 =	vsub.f32 v1, v4;
	v1 =	vld [tilespmem:$0x1EEA0];
	_ =	sdelay $0x4  }
0x27f: {  	v60 =	vsub.f32 v1, v60;
	v1 =	vld.idx.msk [tilespmem:v2+s20+$0x0], $0xffff;
	_ =	sdelay $0x3  }
0x280: {  	v2 =	vld [tilespmem:$0x1EEC0]  }
0x281: {  	[tilespmem:$0x1FA10] =	vst v1;
	v1 =	vld [tilespmem:$0x1EEB0];
	_ =	sdelay $0x4  }
0x282: {  	v20 =	vsub.f32 v1, v2;
	v1 =	vld [tilespmem:$0x1EED0]  }
0x283: {  	v3 =	vadd.s32 v46, v8;
	v2 =	vld [tilespmem:$0x1EEE0];
	_ =	sdelay $0x4  }
0x284: {  	v18 =	vsub.f32 v11, v9;
	v11 =	vsub.f32 v1, v2;
	v2 =	vld.idx.msk [tilespmem:v3+s19+$0x0], $0xffff;
	_ =	sdelay $0x3  }
0x285: {  	v4 =	vld [tilespmem:$0x1EF10]  }
0x286: {  	[tilespmem:$0x1F990] =	vst v2;
	v2 =	vld [tilespmem:$0x1EF00];
	_ =	sdelay $0x4  }
0x287: {  	v15 =	vsub.f32 v2, v4;
	v2 =	vld [tilespmem:$0x1EF20]  }
0x288: {  	v4 =	vld [tilespmem:$0x1EF30];
	_ =	sdelay $0x4  }
0x289: {  	[tilespmem:$0x1EEF0] =	vst v8;
	v1 =	vadd.s32 v62, v8;
	v8 =	vsub.f32 v2, v4;
	v2 =	vld.idx.msk [tilespmem:v3+s20+$0x0], $0xffff;
	_ =	sdelay $0x3  }
0x28a: {  	v3 =	vld [tilespmem:$0x1EF50]  }
0x28b: {  	[tilespmem:$0x1FA20] =	vst v2;
	v2 =	vld [tilespmem:$0x1EF40];
	_ =	sdelay $0x4  }
0x28c: {  	v9 =	vsub.f32 v2, v3;
	v2 =	vld [tilespmem:$0x1EF60]  }
0x28d: {  	v3 =	vld [tilespmem:$0x1EF70];
	_ =	sdelay $0x4  }
0x28e: {  	v6 =	vsub.f32 v2, v3;
	v2 =	vld.idx.msk [tilespmem:v0+s23+$0x0], $0xffff;
	_ =	sdelay $0x3  }
0x28f: {  	v3 =	vld [tilespmem:$0x1EFA0]  }
0x290: {  	[tilespmem:$0x1EF80] =	vst v2;
	v2 =	vld [tilespmem:$0x1EF90];
	_ =	sdelay $0x3  }
0x291: {  	v4 =	vld [tilespmem:$0x1EFD0]  }
0x292: {  	v7 =	vsub.f32 v2, v3;
	v2 =	vld [tilespmem:$0x1EFB0]  }
0x293: {  	v3 =	vld [tilespmem:$0x1EFC0];
	_ =	sdelay $0x3  }
0x294: {  	v5 =	vsub.f32 v2, v61;
	v2 =	vld.idx.msk [tilespmem:v0+s21+$0x0], $0xffff  }
0x295: {  	v4 =	vsub.f32 v3, v4;
	v3 =	vld [tilespmem:$0x1EFE0]  }
0x296: {  	v0 =	vld.idx.msk [tilespmem:v0+s22+$0x0], $0xffff  }
0x297: {  	v61 =	vld [tilespmem:$0x1EFF0];
	_ =	sdelay $0x3  }
0x298: {  	[tilespmem:$0x1FA70] =	vst v0;
	v0 =	vld [tilespmem:$0x1F000]  }
0x299: {  	v3 =	vsub.f32 v3, v61;
	v61 =	vld [tilespmem:$0x1F010];
	_ =	sdelay $0x4  }
0x29a: {  	v0 =	vsub.f32 v0, v61;
	_ =	sdelay $0x1  }
0x29b: {  	[tilespmem:$0x1F5E0] =	vst v0;
	v0 =	vld [tilespmem:$0x1F020];
	_ =	sdelay $0x3  }
0x29c: {  	v61 =	vld [tilespmem:$0x1F050]  }
0x29d: {  	v0 =	vsub.f32 v0, v56;
	v56 =	vld [tilespmem:$0x1F040];
	_ =	sdelay $0x4  }
0x29e: {  	v56 =	vmul.f32 v61, v56  }
0x29f: {  	v52 =	vsub.f32 v58, v52;
	v61 =	vld [tilespmem:$0x1F070]  }
0x2a0: {  	[tilespmem:$0x1F620] =	vst v56;
	v56 =	vld [tilespmem:$0x1F060]  }
0x2a1: {  	[tilespmem:$0x1F560] =	vst v52;
	v52 =	vld [tilespmem:$0x1F080]  }
0x2a2: {  	v58 =	vld.idx.msk [tilespmem:v1+s21+$0x0], $0xffff  }
0x2a3: {  	[tilespmem:$0x1F5C0] =	vst v0;
	v0 =	vld.idx.msk [tilespmem:v1+s23+$0x0], $0xffff  }
0x2a4: {  	v1 =	vld.idx.msk [tilespmem:v1+s22+$0x0], $0xffff  }
0x2a5: {  	v56 =	vsub.f32 v56, v61;
	v61 =	vld [tilespmem:$0x1F090];
	_ =	sdelay $0x3  }
0x2a6: {  	[tilespmem:$0x1FA80] =	vst v1;
	v1 =	vld [tilespmem:$0x1F0B0]  }
0x2a7: {  	[tilespmem:$0x1F5F0] =	vst v56;
	v56 =	vmul.f32 v61, v52;
	v61 =	vld [tilespmem:$0x1F0C0];
	_ =	sdelay $0x1  }
0x2a8: {  	[tilespmem:$0x1F9E0] =	vst v2;
	v2 =	vadd.s32 v46, v41;
	_ =	sdelay $0x2  }
0x2a9: {  	v61 =	vmul.f32 v61, v1;
	v1 =	vsub.f32 v63, v53;
	_ =	sdelay $0x1  }
0x2aa: {  	[tilespmem:$0x1F570] =	vst v1;
	v1 =	vld.idx.msk [tilespmem:v2+s19+$0x0], $0xffff;
	_ =	sdelay $0x3  }
0x2ab: {  	v63 =	vld [tilespmem:$0x1F0E0]  }
0x2ac: {  	[tilespmem:$0x1FA40] =	vst v1;
	v1 =	vld [tilespmem:$0x1F0D0];
	_ =	sdelay $0x2  }
0x2ad: {  	v47 =	vsub.f32 v50, v47  }
0x2ae: {  	v49 =	vsub.f32 v49, v43;
	v43 =	vld [tilespmem:$0x1F100]  }
0x2af: {  	[tilespmem:$0x1F540] =	vst v47;
	v47 =	vmul.f32 v63, v1;
	v1 =	vld [tilespmem:$0x1F0F0];
	_ =	sdelay $0x4  }
0x2b0: {  	[tilespmem:$0x1F030] =	vst v0;
	v0 =	vadd.s32 v46, v45;
	v52 =	vmul.f32 v43, v1;
	v1 =	vld.idx.msk [tilespmem:v2+s20+$0x0], $0xffff;
	_ =	sdelay $0x4  }
0x2b1: {  	[tilespmem:$0x1FAD0] =	vst v1;
	v1 =	vld.idx.msk [tilespmem:v0+s19+$0x0], $0xffff;
	_ =	sdelay $0x2  }
0x2b2: {  	[tilespmem:$0x1F0A0] =	vst v41  }
0x2b3: {  	[tilespmem:$0x1F9F0] =	vst v58;
	v58 =	vadd.s32 v62, v41;
	v41 =	vsub.f32 v48, v44;
	v48 =	vld [tilespmem:$0x1F130]  }
0x2b4: {  	[tilespmem:$0x1FA50] =	vst v1;
	v1 =	vld [tilespmem:$0x1F120];
	_ =	sdelay $0x2  }
0x2b5: {  	v63 =	vsub.f32 v42, v38;
	v38 =	vsub.f32 v51, v33;
	v51 =	vld [tilespmem:$0x1F150]  }
0x2b6: {  	v0 =	vld.idx.msk [tilespmem:v0+s20+$0x0], $0xffff  }
0x2b7: {  	v43 =	vmul.f32 v48, v1;
	v1 =	vld [tilespmem:$0x1F140];
	_ =	sdelay $0x3  }
0x2b8: {  	[tilespmem:$0x1FAE0] =	vst v0;
	v0 =	vsub.f32 v34, v31;
	v31 =	vld [tilespmem:$0x1F170]  }
0x2b9: {  	v42 =	vmul.f32 v51, v1;
	v1 =	vld [tilespmem:$0x1F160];
	_ =	sdelay $0x4  }
0x2ba: {  	v51 =	vmul.f32 v31, v1;
	v1 =	vld.idx.msk [tilespmem:v58+s23+$0x0], $0xffff;
	_ =	sdelay $0x1  }
0x2bb: {  	v53 =	vld [tilespmem:$0x1F1C0]  }
0x2bc: {  	v34 =	vsub.f32 v29, v27;
	v27 =	vld [tilespmem:$0x1F1A0]  }
0x2bd: {  	v29 =	vld [tilespmem:$0x1F1B0]  }
0x2be: {  	[tilespmem:$0x1F180] =	vst v1;
	v1 =	vld [tilespmem:$0x1F190];
	_ =	sdelay $0x3  }
0x2bf: {  	v48 =	vmul.f32 v53, v29;
	v29 =	vld.idx.msk [tilespmem:v58+s22+$0x0], $0xffff  }
0x2c0: {  	v31 =	vmul.f32 v27, v1;
	v1 =	vld.idx.msk [tilespmem:v58+s21+$0x0], $0xffff;
	_ =	sdelay $0x1  }
0x2c1: {  	v23 =	vsub.f32 v25, v23;
	v25 =	vld [tilespmem:$0x1F1D0]  }
0x2c2: {  	v24 =	vsub.f32 v24, v17;
	v17 =	vld [tilespmem:$0x1F210]  }
0x2c3: {  	v2 =	vadd.s32 v62, v45;
	[tilespmem:$0x1FB40] =	vst v29;
	v29 =	vld [tilespmem:$0x1F1E0]  }
0x2c4: {  	[tilespmem:$0x1FAA0] =	vst v1;
	v1 =	vsub.f32 v35, v32;
	v32 =	vsub.f32 v30, v26;
	v26 =	vld [tilespmem:$0x1F220];
	_ =	sdelay $0x2  }
0x2c5: {  	v28 =	vsub.f32 v28, v54;
	v54 =	vld [tilespmem:$0x1F200]  }
0x2c6: {  	v29 =	vmul.f32 v29, v25;
	v25 =	vld.idx.msk [tilespmem:v2+s23+$0x0], $0xffff  }
0x2c7: {  	v17 =	vmul.f32 v26, v17;
	v26 =	vld.idx.msk [tilespmem:v2+s21+$0x0], $0xffff  }
0x2c8: {  	v2 =	vld.idx.msk [tilespmem:v2+s22+$0x0], $0xffff;
	_ =	sdelay $0x3  }
0x2c9: {  	[tilespmem:$0x1F1F0] =	vst v25;
	v25 =	vadd.s32 v46, v54  }
0x2ca: {  	[tilespmem:$0x1FB50] =	vst v2;
	v2 =	vsub.f32 v19, v13;
	v13 =	vld [tilespmem:$0x1F250]  }
0x2cb: {  	v19 =	vld [tilespmem:$0x1F260];
	_ =	sdelay $0x2  }
0x2cc: {  	v3 =	vsub.f32 v4, v3;
	v4 =	vld.idx.msk [tilespmem:v25+s19+$0x0], $0xffff;
	_ =	sdelay $0x1  }
0x2cd: {  	v13 =	vmul.f32 v19, v13;
	v19 =	vadd.s32 v62, v59;
	_ =	sdelay $0x1  }
0x2ce: {  	v5 =	vsub.f32 v6, v5;
	v6 =	vsub.f32 v11, v8;
	v11 =	vld [tilespmem:$0x1F2C0]  }
0x2cf: {  	[tilespmem:$0x1FB20] =	vst v4;
	v4 =	vsub.f32 v16, v12;
	v12 =	vld [tilespmem:$0x1F2D0]  }
0x2d0: {  	v5 =	vand.u32 $0x7FFFFFFF, v5;
	v3 =	vand.u32 $0x7FFFFFFF, v3  }
0x2d1: {  	v3 =	vadd.f32 v3, v5;
	v5 =	vld.idx.msk [tilespmem:v19+s23+$0x0], $0xffff;
	_ =	sdelay $0x1  }
0x2d2: {  	v8 =	vld.idx.msk [tilespmem:v25+s20+$0x0], $0xffff  }
0x2d3: {  	v7 =	vsub.f32 v9, v7;
	v11 =	vmul.f32 v12, v11;
	v12 =	vld.idx.msk [tilespmem:v19+s21+$0x0], $0xffff  }
0x2d4: {  	v18 =	vsub.f32 v21, v18;
	v21 =	vld [tilespmem:$0x1F230];
	v27 =	vadd.s32 v46, v59  }
0x2d5: {  	v9 =	vsub.f32 v20, v15;
	v15 =	vld [tilespmem:$0x1F2F0];
	[tilespmem:$0x1F2E0] =	vst v5;
	v5 =	vand.u32 $0x7FFFFFFF, v6;
	v6 =	vand.u32 $0x7FFFFFFF, v7  }
0x2d6: {  	v5 =	vadd.f32 v6, v5;
	v6 =	vld.idx.msk [tilespmem:v19+s22+$0x0], $0xffff  }
0x2d7: {  	[tilespmem:$0x1FBB0] =	vst v8;
	v8 =	vadd.s32 v62, v54;
	v16 =	vld [tilespmem:$0x1F310]  }
0x2d8: {  	[tilespmem:$0x1FB70] =	vst v12;
	v12 =	vld [tilespmem:$0x1F300]  }
0x2d9: {  	s31 =	simm.s32 $0xA900;
	v10 =	vsub.f32 v10, v60;
	v58 =	vsub.f32 v57, v22;
	v22 =	vld.idx.msk [tilespmem:v27+s19+$0x0], $0xffff  }
0x2da: {  	v30 =	vld [tilespmem:s31+$0x0];
	[tilespmem:$0x1FAB0] =	vst v26  }
0x2db: {  	v9 =	vand.u32 $0x7FFFFFFF, v9;
	v26 =	vld [tilespmem:$0x1F240];
	[tilespmem:$0x1FC10] =	vst v6;
	v6 =	vand.u32 $0x7FFFFFFF, v10  }
0x2dc: {  	v7 =	vadd.s32 v46, v15;
	v6 =	vadd.f32 v9, v6;
	v9 =	vld.idx.msk [tilespmem:v8+s21+$0x0], $0xffff  }
0x2dd: {  	v12 =	vmul.f32 v16, v12;
	v16 =	vld [tilespmem:$0x1F330]  }
0x2de: {  	v10 =	vld.idx.msk [tilespmem:v8+s23+$0x0], $0xffff  }
0x2df: {  	v14 =	vsub.f32 v14, v55;
	[tilespmem:$0x1FB10] =	vst v22;
	v22 =	vld [tilespmem:$0x1F280]  }
0x2e0: {  	v21 =	vmul.f32 v26, v21;
	v26 =	vld [tilespmem:$0x1F290]  }
0x2e1: {  	[tilespmem:$0x1FB80] =	vst v9;
	v9 =	vand.u32 $0x7FFFFFFF, v14;
	v14 =	vadd.s32 v62, v15;
	v15 =	vld.idx.msk [tilespmem:v7+s19+$0x0], $0xffff  }
0x2e2: {  	v8 =	vld.idx.msk [tilespmem:v8+s22+$0x0], $0xffff  }
0x2e3: {  	[tilespmem:$0x1F320] =	vst v10;
	v10 =	vadd.s32 v46, v16;
	v7 =	vld.idx.msk [tilespmem:v7+s20+$0x0], $0xffff  }
0x2e4: {  	v3 =	vmul.f32 v3, v11  }
0x2e5: {  	[tilespmem:$0x1F270] =	vst v59;
	v19 =	vld [tilespmem:$0x1F350]  }
0x2e6: {  	v3 =	vmul.f32 v3, v30;
	[tilespmem:$0x1FBE0] =	vst v15;
	v15 =	vld [tilespmem:$0x1F340]  }
0x2e7: {  	v59 =	vmul.f32 v26, v22;
	v22 =	vld.idx.msk [tilespmem:v27+s20+$0x0], $0xffff;
	[tilespmem:$0x1FC20] =	vst v8;
	v8 =	vimm.f32 $0.0e+00  }
0x2e8: {  	v3 =	vadd.f32 v3, v8;
	[tilespmem:$0x1FC60] =	vst v7;
	v7 =	vadd.f32 v11, v8;
	v8 =	vld.idx.msk [tilespmem:v10+s19+$0x0], $0xffff;
	_ =	sdelay $0x2  }
0x2e9: {  	v4 =	vand.u32 $0x7FFFFFFF, v4;
	v26 =	vld [tilespmem:$0x1F2B0];
	v15 =	vsub.f32 v15, v19  }
0x2ea: {  	[tilespmem:$0x1FBA0] =	vst v22;
	v4 =	vadd.f32 v4, v9;
	v9 =	vld.idx.msk [tilespmem:v10+s20+$0x0], $0xffff  }
0x2eb: {  	v2 =	vand.u32 $0x7FFFFFFF, v2;
	v22 =	vld [tilespmem:$0x1F2A0];
	[tilespmem:$0x1FBF0] =	vst v8;
	v8 =	vand.u32 $0x7FFFFFFF, v15  }
0x2ec: {  	v5 =	vmul.f32 v5, v12;
	v2 =	vadd.f32 v8, v2;
	v8 =	vld.idx.msk [tilespmem:v14+s23+$0x0], $0xffff;
	_ =	sdelay $0x1  }
0x2ed: {  	v5 =	vmul.f32 v5, v30;
	v10 =	vld [tilespmem:$0x1F370]  }
0x2ee: {  	[tilespmem:$0x1FC70] =	vst v9;
	v9 =	vld [tilespmem:$0x1F360]  }
0x2ef: {  	v3 =	vadd.f32 v5, v3;
	v5 =	vadd.s32 v62, v16  }
0x2f0: {  	v27 =	vmul.f32 v26, v22;
	[tilespmem:$0x1F380] =	vst v8;
	v8 =	vld.idx.msk [tilespmem:v14+s21+$0x0], $0xffff  }
0x2f1: {  	v50 =	vsub.f32 v39, v36;
	v36 =	vsub.f32 v40, v37;
	v37 =	vld [tilespmem:$0x1F390]  }
0x2f2: {  	v40 =	vld [tilespmem:$0x1F3B0];
	v6 =	vmul.f32 v6, v27  }
0x2f3: {  	v55 =	vld [tilespmem:$0x1F3C0];
	v9 =	vsub.f32 v9, v10  }
0x2f4: {  	v6 =	vmul.f32 v6, v30;
	v26 =	vld.idx.msk [tilespmem:v5+s21+$0x0], $0xffff  }
0x2f5: {  	v4 =	vmul.f32 v4, v59;
	v10 =	vld.idx.msk [tilespmem:v14+s22+$0x0], $0xffff;
	v9 =	vand.u32 $0x7FFFFFFF, v9;
	[tilespmem:$0x1FC40] =	vst v8;
	v8 =	vand.u32 $0x7FFFFFFF, v18  }
0x2f6: {  	v3 =	vadd.f32 v6, v3;
	v6 =	vadd.s32 v46, v37;
	v8 =	vadd.f32 v9, v8;
	v9 =	vld.idx.msk [tilespmem:v5+s23+$0x0], $0xffff  }
0x2f7: {  	v4 =	vmul.f32 v4, v30;
	v5 =	vld.idx.msk [tilespmem:v5+s22+$0x0], $0xffff  }
0x2f8: {  	v11 =	vld [tilespmem:$0x1F3D0];
	v2 =	vmul.f32 v2, v13  }
0x2f9: {  	[tilespmem:$0x1F110] =	vst v45;
	v7 =	vadd.f32 v12, v7;
	v3 =	vadd.f32 v4, v3;
	v12 =	vld [tilespmem:$0x1F3E0]  }
0x2fa: {  	v4 =	vand.u32 $0x7FFFFFFF, v24;
	v2 =	vmul.f32 v2, v30;
	[tilespmem:$0x1FCB0] =	vst v10;
	v10 =	vand.u32 $0x7FFFFFFF, v58  }
0x2fb: {  	v4 =	vadd.f32 v10, v4;
	v10 =	vld.idx.msk [tilespmem:v6+s19+$0x0], $0xffff;
	[tilespmem:$0x1F3A0] =	vst v9;
	v9 =	vadd.s32 v46, v40  }
0x2fc: {  	v45 =	vld [tilespmem:$0x1F3F0];
	[tilespmem:$0x1FCC0] =	vst v5;
	v5 =	vadd.s32 v46, v55  }
0x2fd: {  	v2 =	vadd.f32 v2, v3;
	v3 =	vld.idx.msk [tilespmem:v6+s20+$0x0], $0xffff  }
0x2fe: {  	v11 =	vsub.f32 v11, v12  }
0x2ff: {  	v57 =	vld [tilespmem:$0x1F400]  }
0x300: {  	v6 =	vand.u32 $0x7FFFFFFF, v23;
	[tilespmem:$0x1FC90] =	vst v10;
	v10 =	vand.u32 $0x7FFFFFFF, v11;
	v11 =	vld.idx.msk [tilespmem:v9+s19+$0x0], $0xffff  }
0x301: {  	v6 =	vadd.f32 v10, v6;
	v10 =	vld.idx.msk [tilespmem:v5+s19+$0x0], $0xffff  }
0x302: {  	[tilespmem:$0x1FCE0] =	vst v3;
	v3 =	vadd.s32 v46, v45;
	v8 =	vmul.f32 v8, v21;
	v9 =	vld.idx.msk [tilespmem:v9+s20+$0x0], $0xffff;
	_ =	sdelay $0x1  }
0x303: {  	v8 =	vmul.f32 v8, v30  }
0x304: {  	v24 =	vld [tilespmem:$0x1F410]  }
0x305: {  	v8 =	vadd.f32 v8, v2;
	v2 =	vand.u32 $0x7FFFFFFF, v28;
	v5 =	vld.idx.msk [tilespmem:v5+s20+$0x0], $0xffff;
	[tilespmem:$0x1FD10] =	vst v10;
	v10 =	vand.u32 $0x7FFFFFFF, v32  }
0x306: {  	[tilespmem:$0x1FCF0] =	vst v9;
	v9 =	vadd.s32 v46, v57;
	v10 =	vadd.f32 v10, v2;
	v2 =	vld.idx.msk [tilespmem:v3+s20+$0x0], $0xffff;
	_ =	sdelay $0x3  }
0x307: {  	[tilespmem:$0x1FD30] =	vst v5  }
0x308: {  	v5 =	vadd.s32 v46, v24;
	[tilespmem:$0x1FD40] =	vst v2;
	v2 =	vld.idx.msk [tilespmem:v9+s20+$0x0], $0xffff;
	_ =	sdelay $0x3  }
0x309: {  	v33 =	vld [tilespmem:$0x1F440]  }
0x30a: {  	[tilespmem:$0x1FD80] =	vst v2;
	v2 =	vld.idx.msk [tilespmem:v5+s20+$0x0], $0xffff  }
0x30b: {  	v4 =	vmul.f32 v4, v17;
	_ =	sdelay $0x1  }
0x30c: {  	v4 =	vmul.f32 v4, v30;
	v39 =	vld.idx.msk [tilespmem:v3+s19+$0x0], $0xffff  }
0x30d: {  	v3 =	vld [tilespmem:$0x1F480]  }
0x30e: {  	v4 =	vadd.f32 v4, v8;
	v8 =	vadd.s32 v46, v33;
	[tilespmem:$0x1FD90] =	vst v2;
	v2 =	vld [tilespmem:$0x1F470];
	_ =	sdelay $0x3  }
0x30f: {  	v7 =	vadd.f32 v27, v7;
	v27 =	vld [tilespmem:$0x1F460]  }
0x310: {  	v15 =	vsub.f32 v2, v3;
	v2 =	vld.idx.msk [tilespmem:v8+s19+$0x0], $0xffff;
	_ =	sdelay $0x4  }
0x311: {  	v14 =	vadd.s32 v46, v27;
	[tilespmem:$0x1FDB0] =	vst v2;
	v2 =	vld.idx.msk [tilespmem:v8+s20+$0x0], $0xffff;
	_ =	sdelay $0x2  }
0x312: {  	v12 =	vld [tilespmem:$0x1F430]  }
0x313: {  	[tilespmem:$0x1FCA0] =	vst v11;
	v11 =	vld [tilespmem:$0x1F420]  }
0x314: {  	[tilespmem:$0x1FDD0] =	vst v2;
	v2 =	vld.idx.msk [tilespmem:v14+s19+$0x0], $0xffff;
	_ =	sdelay $0x2  }
0x315: {  	v22 =	vld [tilespmem:$0x1F450]  }
0x316: {  	v12 =	vsub.f32 v11, v12;
	v11 =	vld [tilespmem:$0x1F490]  }
0x317: {  	[tilespmem:$0x1FDF0] =	vst v2;
	v2 =	vld.idx.msk [tilespmem:v14+s20+$0x0], $0xffff;
	_ =	sdelay $0x1  }
0x318: {  	v23 =	vld [tilespmem:$0x1F4A0]  }
0x319: {  	v54 =	vld.idx.msk [tilespmem:v9+s19+$0x0], $0xffff;
	v9 =	vadd.s32 v46, v22  }
0x31a: {  	v3 =	vld [tilespmem:$0x1F4D0]  }
0x31b: {  	v8 =	vadd.s32 v46, v11;
	[tilespmem:$0x1FE10] =	vst v2;
	v2 =	vld [tilespmem:$0x1F4C0]  }
0x31c: {  	v7 =	vadd.f32 v59, v7  }
0x31d: {  	v16 =	vld [tilespmem:$0x1F4B0];
	v6 =	vmul.f32 v6, v29  }
0x31e: {  	v7 =	vadd.f32 v13, v7;
	v13 =	vand.u32 $0x7FFFFFFF, v34;
	v12 =	vand.u32 $0x7FFFFFFF, v12;
	v35 =	vld.idx.msk [tilespmem:v9+s19+$0x0], $0xffff  }
0x31f: {  	v6 =	vmul.f32 v6, v30;
	v12 =	vadd.f32 v12, v13;
	v44 =	vld.idx.msk [tilespmem:v9+s20+$0x0], $0xffff  }
0x320: {  	v13 =	vmul.f32 v10, v48;
	v9 =	vadd.s32 v46, v23;
	v14 =	vsub.f32 v2, v3;
	v2 =	vld.idx.msk [tilespmem:v8+s19+$0x0], $0xffff  }
0x321: {  	v0 =	vand.u32 $0x7FFFFFFF, v0;
	v1 =	vand.u32 $0x7FFFFFFF, v1  }
0x322: {  	v0 =	vadd.f32 v1, v0;
	v4 =	vadd.f32 v6, v4;
	v13 =	vmul.f32 v13, v30  }
0x323: {  	v1 =	vmul.f32 v12, v31  }
0x324: {  	v0 =	vmul.f32 v0, v51;
	v4 =	vadd.f32 v13, v4  }
0x325: {  	v1 =	vmul.f32 v1, v30;
	v13 =	vand.u32 $0x7FFFFFFF, v15;
	v15 =	vadd.s32 v46, v16;
	[tilespmem:$0x1FE00] =	vst v2;
	v2 =	vld.idx.msk [tilespmem:v9+s20+$0x0], $0xffff;
	_ =	sdelay $0x1  }
0x326: {  	v0 =	vmul.f32 v0, v30;
	v1 =	vadd.f32 v1, v4  }
0x327: {  	v19 =	vld [tilespmem:$0x1F4E0]  }
0x328: {  	v0 =	vadd.f32 v0, v1;
	v1 =	vld.idx.msk [tilespmem:v8+s20+$0x0], $0xffff  }
0x329: {  	[tilespmem:$0x1FE40] =	vst v2;
	v2 =	vld.idx.msk [tilespmem:v15+s20+$0x0], $0xffff;
	_ =	sdelay $0x3  }
0x32a: {  	[tilespmem:$0x1FE20] =	vst v1;
	v3 =	vld [tilespmem:$0x1F520]  }
0x32b: {  	v1 =	vadd.s32 v46, v19;
	[tilespmem:$0x1FE50] =	vst v2;
	v2 =	vld [tilespmem:$0x1F510];
	_ =	sdelay $0x2  }
0x32c: {  	v53 =	vld.idx.msk [tilespmem:v5+s19+$0x0], $0xffff  }
0x32d: {  	v5 =	vld [tilespmem:$0x1F4F0]  }
0x32e: {  	v18 =	vsub.f32 v2, v3;
	v2 =	vld.idx.msk [tilespmem:v1+s19+$0x0], $0xffff  }
0x32f: {  	v12 =	vand.u32 $0x7FFFFFFF, v38  }
0x330: {  	v12 =	vadd.f32 v13, v12  }
0x331: {  	v4 =	vand.u32 $0x7FFFFFFF, v50;
	v13 =	vand.u32 $0x7FFFFFFF, v36  }
0x332: {  	v60 =	vld.idx.msk [tilespmem:v9+s19+$0x0], $0xffff;
	v4 =	vadd.f32 v13, v4;
	v13 =	vmul.f32 v12, v42  }
0x333: {  	v9 =	vadd.s32 v46, v5;
	[tilespmem:$0x1FE60] =	vst v2;
	v2 =	vld [tilespmem:$0x1F540]  }
0x334: {  	v4 =	vmul.f32 v4, v43;
	v13 =	vmul.f32 v13, v30;
	_ =	sdelay $0x1  }
0x335: {  	v4 =	vmul.f32 v4, v30;
	v0 =	vadd.f32 v13, v0;
	_ =	sdelay $0x1  }
0x336: {  	v0 =	vadd.f32 v4, v0;
	v4 =	vand.u32 $0x7FFFFFFF, v2;
	v2 =	vld.idx.msk [tilespmem:v9+s19+$0x0], $0xffff;
	_ =	sdelay $0x3  }
0x337: {  	v7 =	vadd.f32 v21, v7;
	v21 =	vld [tilespmem:$0x1F500]  }
0x338: {  	[tilespmem:$0x1FE70] =	vst v2;
	v2 =	vld.idx.msk [tilespmem:v9+s20+$0x0], $0xffff;
	_ =	sdelay $0x2  }
0x339: {  	v8 =	vand.u32 $0x7FFFFFFF, v63;
	v14 =	vand.u32 $0x7FFFFFFF, v14  }
0x33a: {  	v58 =	vld.idx.msk [tilespmem:v15+s19+$0x0], $0xffff;
	v8 =	vadd.f32 v14, v8  }
0x33b: {  	v15 =	vadd.s32 v46, v21;
	[tilespmem:$0x1FE90] =	vst v2;
	v2 =	vld [tilespmem:$0x1F560]  }
0x33c: {  	v8 =	vmul.f32 v8, v52;
	_ =	sdelay $0x1  }
0x33d: {  	v20 =	vmul.f32 v8, v30;
	_ =	sdelay $0x1  }
0x33e: {  	v0 =	vadd.f32 v20, v0;
	v20 =	vand.u32 $0x7FFFFFFF, v2;
	v2 =	vld.idx.msk [tilespmem:v15+s19+$0x0], $0xffff;
	_ =	sdelay $0x4  }
0x33f: {  	[tilespmem:$0x1FEA0] =	vst v2;
	v2 =	vld [tilespmem:$0x1F570];
	_ =	sdelay $0x2  }
0x340: {  	v59 =	vld [tilespmem:$0x1F530]  }
0x341: {  	v1 =	vld.idx.msk [tilespmem:v1+s20+$0x0], $0xffff  }
0x342: {  	v25 =	vand.u32 $0x7FFFFFFF, v2;
	v2 =	vld.idx.msk [tilespmem:v15+s20+$0x0], $0xffff;
	_ =	sdelay $0x2  }
0x343: {  	v7 =	vadd.f32 v17, v7;
	v17 =	vand.u32 $0x7FFFFFFF, v41;
	v13 =	vand.u32 $0x7FFFFFFF, v49  }
0x344: {  	v13 =	vadd.f32 v17, v13;
	v3 =	vld [tilespmem:$0x1F5A0];
	[tilespmem:$0x1FE80] =	vst v1  }
0x345: {  	v18 =	vand.u32 $0x7FFFFFFF, v18;
	v1 =	vadd.s32 v46, v59;
	[tilespmem:$0x1FEC0] =	vst v2;
	v2 =	vld [tilespmem:$0x1F590]  }
0x346: {  	v13 =	vmul.f32 v13, v47;
	v4 =	vadd.f32 v18, v4  }
0x347: {  	v41 =	vld [tilespmem:$0x1F580]  }
0x348: {  	v13 =	vmul.f32 v13, v30;
	v4 =	vmul.f32 v4, v61  }
0x349: {  	v7 =	vadd.f32 v29, v7  }
0x34a: {  	v0 =	vadd.f32 v13, v0;
	v4 =	vmul.f32 v4, v30;
	v29 =	vsub.f32 v2, v3;
	v2 =	vld.idx.msk [tilespmem:v1+s19+$0x0], $0xffff  }
0x34b: {  	v1 =	vld.idx.msk [tilespmem:v1+s20+$0x0], $0xffff  }
0x34c: {  	v4 =	vadd.f32 v4, v0;
	v0 =	vld [tilespmem:$0x1F5E0];
	v15 =	vadd.s32 v46, v41;
	_ =	sdelay $0x3  }
0x34d: {  	[tilespmem:$0x1FED0] =	vst v1;
	v1 =	vld [tilespmem:$0x1F5B0]  }
0x34e: {  	v13 =	vand.u32 $0x7FFFFFFF, v29;
	v29 =	vand.u32 $0x7FFFFFFF, v0;
	v0 =	vld.idx.msk [tilespmem:v15+s19+$0x0], $0xffff;
	_ =	sdelay $0x3  }
0x34f: {  	v6 =	vadd.s32 v62, v1;
	v1 =	vld [tilespmem:$0x1F5C0]  }
0x350: {  	v7 =	vadd.f32 v48, v7;
	[tilespmem:$0x1FEF0] =	vst v0;
	v0 =	vld [tilespmem:$0x1F5F0];
	_ =	sdelay $0x1  }
0x351: {  	v7 =	vadd.f32 v31, v7  }
0x352: {  	v31 =	vadd.f32 v25, v20  }
0x353: {  	v7 =	vadd.f32 v51, v7;
	v51 =	vld [tilespmem:$0x1F550];
	v1 =	vand.u32 $0x7FFFFFFF, v1  }
0x354: {  	v1 =	vadd.f32 v13, v1;
	v13 =	vmul.f32 v31, v56;
	v31 =	vand.u32 $0x7FFFFFFF, v0;
	v0 =	vld.idx.msk [tilespmem:v15+s20+$0x0], $0xffff;
	_ =	sdelay $0x3  }
0x355: {  	v9 =	vadd.s32 v46, v51;
	v3 =	vld [tilespmem:$0x1F610]  }
0x356: {  	[tilespmem:$0x1FF10] =	vst v0;
	v0 =	vld [tilespmem:$0x1F600];
	_ =	sdelay $0x2  }
0x357: {  	v7 =	vadd.f32 v42, v7  }
0x358: {  	[tilespmem:$0x1FEB0] =	vst v2;
	v2 =	vld.idx.msk [tilespmem:v9+s19+$0x0], $0xffff  }
0x359: {  	v7 =	vadd.f32 v43, v7;
	v29 =	vadd.f32 v31, v29;
	v31 =	vmul.f32 v3, v0;
	v3 =	vld [tilespmem:$0x1F620];
	_ =	sdelay $0x1  }
0x35a: {  	v7 =	vadd.f32 v52, v7;
	_ =	sdelay $0x1  }
0x35b: {  	[tilespmem:$0x1FEE0] =	vst v2;
	v2 =	vld.idx.msk [tilespmem:v9+s20+$0x0], $0xffff;
	v9 =	vadd.f32 v47, v7  }
0x35c: {  	v13 =	vmul.f32 v13, v30;
	v1 =	vmul.f32 v1, v3  }
0x35d: {  	v9 =	vadd.f32 v61, v9  }
0x35e: {  	v4 =	vadd.f32 v13, v4;
	v29 =	vmul.f32 v29, v31;
	v61 =	vmul.f32 v1, v30  }
0x35f: {  	v15 =	vadd.s32 v62, v37  }
0x360: {  	v29 =	vmul.f32 v29, v30;
	v4 =	vadd.f32 v61, v4;
	_ =	sdelay $0x1  }
0x361: {  	v0 =	vadd.f32 v29, v4;
	_ =	sdelay $0x1  }
0x362: {  	[tilespmem:$0x1F650] =	vst v0;
	v0 =	vld.idx.msk [tilespmem:v15+s23+$0x0], $0xffff  }
0x363: {  	v9 =	vadd.f32 v56, v9;
	_ =	sdelay $0x1  }
0x364: {  	v9 =	vadd.f32 v3, v9;
	_ =	sdelay $0x1  }
0x365: {  	[tilespmem:$0x1F660] =	vst v0;
	v0 =	vadd.f32 v31, v9  }
0x366: {  	v1 =	vld [tilespmem:$0x1F690]  }
0x367: {  	[tilespmem:$0x1F670] =	vst v0;
	v0 =	vld [tilespmem:$0x1F680];
	_ =	sdelay $0x4  }
0x368: {  	[tilespmem:$0x1FF00] =	vst v2;
	v2 =	vld [tilespmem:$0x1F5D0];
	v0 =	vsub.f32 v0, v1  }
0x369: {  	v1 =	vld [tilespmem:$0x1F6B0]  }
0x36a: {  	[tilespmem:$0x1FF20] =	vst v0;
	v0 =	vld [tilespmem:$0x1F6A0];
	_ =	sdelay $0x2  }
0x36b: {  	v2 =	vadd.s32 v62, v2;
	_ =	sdelay $0x1  }
0x36c: {  	v36 =	vsub.f32 v0, v1;
	v0 =	vld [tilespmem:$0x1F6C0]  }
0x36d: {  	v1 =	vld [tilespmem:$0x1F6D0]  }
0x36e: {  	v13 =	vld.idx.msk [tilespmem:v6+s22+$0x0], $0xffff  }
0x36f: {  	v34 =	vld.idx.msk [tilespmem:v2+s22+$0x0], $0xffff;
	_ =	sdelay $0x2  }
0x370: {  	v0 =	vsub.f32 v0, v1;
	_ =	sdelay $0x1  }
0x371: {  	[tilespmem:$0x1FF30] =	vst v0;
	v0 =	vsub.f32 v13, v34  }
0x372: {  	v1 =	vld [tilespmem:$0x1F6F0]  }
0x373: {  	[tilespmem:$0x1FF70] =	vst v0;
	v0 =	vld [tilespmem:$0x1F6E0];
	_ =	sdelay $0x4  }
0x374: {  	v0 =	vsub.f32 v0, v1  }
0x375: {  	v1 =	vld [tilespmem:$0x1F710]  }
0x376: {  	[tilespmem:$0x1FF40] =	vst v0;
	v0 =	vld [tilespmem:$0x1F700];
	_ =	sdelay $0x4  }
0x377: {  	v63 =	vld.idx.msk [tilespmem:v2+s21+$0x0], $0xffff;
	v0 =	vsub.f32 v0, v1  }
0x378: {  	[tilespmem:$0x1F640] =	vst v2;
	v2 =	vld [tilespmem:$0x1F730]  }
0x379: {  	[tilespmem:$0x1FFC0] =	vst v0;
	v0 =	vld [tilespmem:$0x1F720];
	_ =	sdelay $0x4  }
0x37a: {  	v0 =	vsub.f32 v0, v2  }
0x37b: {  	v2 =	vld [tilespmem:$0x1F750]  }
0x37c: {  	[tilespmem:$0x1FF80] =	vst v0;
	v0 =	vld [tilespmem:$0x1F740];
	_ =	sdelay $0x4  }
0x37d: {  	v0 =	vsub.f32 v0, v2  }
0x37e: {  	v4 =	vld [tilespmem:$0x1F770]  }
0x37f: {  	[tilespmem:$0x1FFD0] =	vst v0;
	v0 =	vld [tilespmem:$0x1F760];
	_ =	sdelay $0x4  }
0x380: {  	v0 =	vsub.f32 v0, v4  }
0x381: {  	v4 =	vld [tilespmem:$0x1F790]  }
0x382: {  	[tilespmem:$0x1FF90] =	vst v0;
	v0 =	vld [tilespmem:$0x1F780];
	_ =	sdelay $0x3  }
0x383: {  	v32 =	vld.idx.msk [tilespmem:v6+s21+$0x0], $0xffff  }
0x384: {  	v29 =	vsub.f32 v0, v4;
	v0 =	vld [tilespmem:$0x1F7A0]  }
0x385: {  	v4 =	vld [tilespmem:$0x1F7B0];
	_ =	sdelay $0x4  }
0x386: {  	v37 =	vsub.f32 v32, v63;
	v32 =	vsub.f32 v0, v4;
	v0 =	vld [tilespmem:$0x1F7C0]  }
0x387: {  	v4 =	vld [tilespmem:$0x1F7D0];
	_ =	sdelay $0x4  }
0x388: {  	v31 =	vsub.f32 v0, v4;
	v0 =	vld [tilespmem:$0x1F7E0]  }
0x389: {  	v4 =	vld [tilespmem:$0x1F7F0];
	_ =	sdelay $0x4  }
0x38a: {  	v0 =	vsub.f32 v0, v4  }
0x38b: {  	v4 =	vld [tilespmem:$0x1F820]  }
0x38c: {  	[tilespmem:$0x1F800] =	vst v0;
	v0 =	vld [tilespmem:$0x1F810];
	_ =	sdelay $0x4  }
0x38d: {  	v38 =	vsub.f32 v0, v4;
	v0 =	vld [tilespmem:$0x1F830]  }
0x38e: {  	v4 =	vld [tilespmem:$0x1F840];
	_ =	sdelay $0x4  }
0x38f: {  	v0 =	vsub.f32 v0, v4  }
0x390: {  	v4 =	vld [tilespmem:$0x1F870]  }
0x391: {  	[tilespmem:$0x1F850] =	vst v0;
	v0 =	vld [tilespmem:$0x1F860];
	_ =	sdelay $0x4  }
0x392: {  	v48 =	vadd.s32 v62, v40;
	v40 =	vsub.f32 v0, v4;
	v0 =	vld [tilespmem:$0x1F880]  }
0x393: {  	v4 =	vld [tilespmem:$0x1F890];
	_ =	sdelay $0x4  }
0x394: {  	v0 =	vsub.f32 v0, v4  }
0x395: {  	v4 =	vld [tilespmem:$0x1F8C0]  }
0x396: {  	[tilespmem:$0x1F8A0] =	vst v0;
	v0 =	vld [tilespmem:$0x1F8B0];
	_ =	sdelay $0x4  }
0x397: {  	v46 =	vsub.f32 v0, v4;
	v0 =	vld [tilespmem:$0x1F8D0]  }
0x398: {  	v4 =	vld [tilespmem:$0x1F8E0];
	_ =	sdelay $0x4  }
0x399: {  	v0 =	vsub.f32 v0, v4  }
0x39a: {  	v4 =	vld [tilespmem:$0x1F910]  }
0x39b: {  	[tilespmem:$0x1F8F0] =	vst v0;
	v0 =	vld [tilespmem:$0x1F900];
	_ =	sdelay $0x4  }
0x39c: {  	v56 =	vsub.f32 v0, v4;
	v0 =	vld [tilespmem:$0x1F920]  }
0x39d: {  	v4 =	vld [tilespmem:$0x1F930];
	_ =	sdelay $0x4  }
0x39e: {  	v0 =	vsub.f32 v0, v4  }
0x39f: {  	v4 =	vld [tilespmem:$0x1F960]  }
0x3a0: {  	[tilespmem:$0x1F940] =	vst v0;
	v0 =	vld [tilespmem:$0x1F950];
	_ =	sdelay $0x3  }
0x3a1: {  	v8 =	vld [tilespmem:$0x1F990]  }
0x3a2: {  	v0 =	vsub.f32 v0, v4;
	v4 =	vld [tilespmem:$0x1F980];
	_ =	sdelay $0x4  }
0x3a3: {  	v4 =	vsub.f32 v4, v8  }
0x3a4: {  	v8 =	vld [tilespmem:$0x1F9C0]  }
0x3a5: {  	[tilespmem:$0x1F9A0] =	vst v4;
	v4 =	vld [tilespmem:$0x1F9B0];
	_ =	sdelay $0x4  }
0x3a6: {  	v4 =	vsub.f32 v4, v8  }
0x3a7: {  	v8 =	vld [tilespmem:$0x1F9F0]  }
0x3a8: {  	[tilespmem:$0x1F9D0] =	vst v4;
	v4 =	vld [tilespmem:$0x1F9E0];
	_ =	sdelay $0x4  }
0x3a9: {  	v4 =	vsub.f32 v4, v8  }
0x3aa: {  	v8 =	vld [tilespmem:$0x1FA20]  }
0x3ab: {  	[tilespmem:$0x1FA00] =	vst v4;
	v4 =	vld [tilespmem:$0x1FA10];
	_ =	sdelay $0x4  }
0x3ac: {  	v4 =	vsub.f32 v4, v8  }
0x3ad: {  	v8 =	vld [tilespmem:$0x1FA50]  }
0x3ae: {  	[tilespmem:$0x1FA30] =	vst v4;
	v4 =	vld [tilespmem:$0x1FA40];
	_ =	sdelay $0x4  }
0x3af: {  	v4 =	vsub.f32 v4, v8  }
0x3b0: {  	v8 =	vld [tilespmem:$0x1FA80]  }
0x3b1: {  	[tilespmem:$0x1FA60] =	vst v4;
	v4 =	vld [tilespmem:$0x1FA70];
	_ =	sdelay $0x4  }
0x3b2: {  	v4 =	vsub.f32 v4, v8  }
0x3b3: {  	v8 =	vld [tilespmem:$0x1FAB0]  }
0x3b4: {  	[tilespmem:$0x1FA90] =	vst v4;
	v4 =	vld [tilespmem:$0x1FAA0];
	_ =	sdelay $0x4  }
0x3b5: {  	v4 =	vsub.f32 v4, v8  }
0x3b6: {  	v8 =	vld [tilespmem:$0x1FAE0]  }
0x3b7: {  	[tilespmem:$0x1FAC0] =	vst v4;
	v4 =	vld [tilespmem:$0x1FAD0];
	_ =	sdelay $0x4  }
0x3b8: {  	v4 =	vsub.f32 v4, v8  }
0x3b9: {  	v8 =	vld [tilespmem:$0x1FB20]  }
0x3ba: {  	[tilespmem:$0x1FAF0] =	vst v4;
	v4 =	vld [tilespmem:$0x1FB10];
	_ =	sdelay $0x4  }
0x3bb: {  	v4 =	vsub.f32 v4, v8  }
0x3bc: {  	v8 =	vld [tilespmem:$0x1FB50]  }
0x3bd: {  	[tilespmem:$0x1FB30] =	vst v4;
	v4 =	vld [tilespmem:$0x1FB40];
	_ =	sdelay $0x4  }
0x3be: {  	v4 =	vsub.f32 v4, v8  }
0x3bf: {  	v8 =	vld [tilespmem:$0x1FB80]  }
0x3c0: {  	[tilespmem:$0x1FB60] =	vst v4;
	v4 =	vld [tilespmem:$0x1FB70];
	_ =	sdelay $0x4  }
0x3c1: {  	v4 =	vsub.f32 v4, v8  }
0x3c2: {  	v8 =	vld [tilespmem:$0x1FBB0]  }
0x3c3: {  	[tilespmem:$0x1FB90] =	vst v4;
	v4 =	vld [tilespmem:$0x1FBA0];
	_ =	sdelay $0x4  }
0x3c4: {  	v4 =	vsub.f32 v4, v8  }
0x3c5: {  	v8 =	vld [tilespmem:$0x1FBF0]  }
0x3c6: {  	[tilespmem:$0x1FBC0] =	vst v4;
	v4 =	vld [tilespmem:$0x1FBE0];
	_ =	sdelay $0x4  }
0x3c7: {  	v4 =	vsub.f32 v4, v8  }
0x3c8: {  	v8 =	vld [tilespmem:$0x1FC20]  }
0x3c9: {  	[tilespmem:$0x1FC00] =	vst v4;
	v4 =	vld [tilespmem:$0x1FC10];
	_ =	sdelay $0x4  }
0x3ca: {  	v4 =	vsub.f32 v4, v8;
	_ =	sdelay $0x1  }
0x3cb: {  	[tilespmem:$0x1FC30] =	vst v4;
	v4 =	vld [tilespmem:$0x1FC40];
	_ =	sdelay $0x4  }
0x3cc: {  	v4 =	vsub.f32 v4, v26  }
0x3cd: {  	v8 =	vld [tilespmem:$0x1FC70]  }
0x3ce: {  	[tilespmem:$0x1FC50] =	vst v4;
	v4 =	vld [tilespmem:$0x1FC60];
	_ =	sdelay $0x4  }
0x3cf: {  	v4 =	vsub.f32 v4, v8  }
0x3d0: {  	v26 =	vadd.s32 v62, v5;
	v5 =	vld [tilespmem:$0x1FCA0]  }
0x3d1: {  	[tilespmem:$0x1FC80] =	vst v4;
	v4 =	vld [tilespmem:$0x1FC90];
	_ =	sdelay $0x4  }
0x3d2: {  	v52 =	vsub.f32 v4, v5;
	v4 =	vld [tilespmem:$0x1FCB0]  }
0x3d3: {  	v5 =	vld [tilespmem:$0x1FCC0];
	_ =	sdelay $0x4  }
0x3d4: {  	v4 =	vsub.f32 v4, v5  }
0x3d5: {  	v8 =	vld [tilespmem:$0x1FCF0]  }
0x3d6: {  	[tilespmem:$0x1FCD0] =	vst v4;
	v4 =	vld [tilespmem:$0x1FCE0]  }
0x3d7: {  	v55 =	vadd.s32 v62, v55;
	_ =	sdelay $0x1  }
0x3d8: {  	v45 =	vadd.s32 v62, v45  }
0x3d9: {  	v7 =	vld.idx.msk [tilespmem:v48+s22+$0x0], $0xffff  }
0x3da: {  	v18 =	vld.idx.msk [tilespmem:v15+s22+$0x0], $0xffff;
	v4 =	vsub.f32 v4, v8  }
0x3db: {  	v3 =	vld.idx.msk [tilespmem:v55+s21+$0x0], $0xffff  }
0x3dc: {  	[tilespmem:$0x1FD00] =	vst v4;
	v4 =	vld [tilespmem:$0x1FD10]  }
0x3dd: {  	v2 =	vld.idx.msk [tilespmem:v45+s21+$0x0], $0xffff;
	_ =	sdelay $0x1  }
0x3de: {  	v28 =	vadd.s32 v62, v24;
	v24 =	vld.idx.msk [tilespmem:v45+s22+$0x0], $0xffff  }
0x3df: {  	v1 =	vld.idx.msk [tilespmem:v55+s22+$0x0], $0xffff  }
0x3e0: {  	v39 =	vsub.f32 v4, v39;
	v4 =	vsub.f32 v18, v7  }
0x3e1: {  	v2 =	vsub.f32 v3, v2;
	v3 =	vld [tilespmem:$0x1FD30]  }
0x3e2: {  	[tilespmem:$0x1FD20] =	vst v4;
	v4 =	vld [tilespmem:$0x1FD40];
	_ =	sdelay $0x1  }
0x3e3: {  	v1 =	vsub.f32 v1, v24  }
0x3e4: {  	v57 =	vadd.s32 v62, v57  }
0x3e5: {  	[tilespmem:$0x1FD70] =	vst v1;
	v1 =	vld [tilespmem:$0x1FD80]  }
0x3e6: {  	v3 =	vsub.f32 v3, v4;
	v4 =	vld [tilespmem:$0x1FD90];
	_ =	sdelay $0x2  }
0x3e7: {  	v10 =	vld.idx.msk [tilespmem:v57+s21+$0x0], $0xffff  }
0x3e8: {  	[tilespmem:$0x1F630] =	vst v6;
	v6 =	vld.idx.msk [tilespmem:v28+s21+$0x0], $0xffff  }
0x3e9: {  	v63 =	vld.idx.msk [tilespmem:v28+s22+$0x0], $0xffff;
	v1 =	vsub.f32 v1, v4  }
0x3ea: {  	v34 =	vadd.s32 v62, v33;
	v33 =	vld.idx.msk [tilespmem:v57+s22+$0x0], $0xffff  }
0x3eb: {  	[tilespmem:$0x1FDA0] =	vst v1;
	v1 =	vld [tilespmem:$0x1FDB0];
	_ =	sdelay $0x1  }
0x3ec: {  	[tilespmem:$0x1FD50] =	vst v3;
	v3 =	vsub.f32 v54, v53  }
0x3ed: {  	v50 =	vadd.s32 v62, v22  }
0x3ee: {  	[tilespmem:$0x1FD60] =	vst v3;
	v3 =	vsub.f32 v10, v6  }
0x3ef: {  	v6 =	vsub.f32 v1, v35;
	v1 =	vsub.f32 v33, v63  }
0x3f0: {  	v49 =	vld.idx.msk [tilespmem:v48+s21+$0x0], $0xffff  }
0x3f1: {  	[tilespmem:$0x1FDC0] =	vst v1;
	v1 =	vld [tilespmem:$0x1FDD0]  }
0x3f2: {  	v14 =	vadd.s32 v62, v11;
	v11 =	vld.idx.msk [tilespmem:v50+s21+$0x0], $0xffff  }
0x3f3: {  	v47 =	vld.idx.msk [tilespmem:v50+s22+$0x0], $0xffff  }
0x3f4: {  	v42 =	vld.idx.msk [tilespmem:v15+s21+$0x0], $0xffff  }
0x3f5: {  	v12 =	vld.idx.msk [tilespmem:v34+s21+$0x0], $0xffff  }
0x3f6: {  	[tilespmem:$0x1F970] =	vst v0;
	v0 =	vld.idx.msk [tilespmem:v34+s22+$0x0], $0xffff;
	v1 =	vsub.f32 v1, v44  }
0x3f7: {  	v4 =	vld [tilespmem:$0x1FE00]  }
0x3f8: {  	[tilespmem:$0x1FDE0] =	vst v1;
	v1 =	vld [tilespmem:$0x1FDF0]  }
0x3f9: {  	v22 =	vadd.s32 v62, v19  }
0x3fa: {  	v61 =	vsub.f32 v42, v49;
	v42 =	vadd.s32 v62, v21;
	v49 =	vadd.s32 v62, v59  }
0x3fb: {  	v15 =	vadd.s32 v62, v16;
	v9 =	vadd.s32 v62, v27;
	v13 =	vadd.s32 v62, v23  }
0x3fc: {  	v10 =	vadd.s32 v62, v51;
	v63 =	vadd.s32 v62, v41;
	v62 =	vsub.f32 v0, v47;
	v0 =	vld [tilespmem:$0x1FE10]  }
0x3fd: {  	v11 =	vsub.f32 v12, v11;
	v12 =	vsub.f32 v1, v4;
	v4 =	vld [tilespmem:$0x1FE20];
	_ =	sdelay $0x1  }
0x3fe: {  	v17 =	vld.idx.msk [tilespmem:v14+s22+$0x0], $0xffff  }
0x3ff: {  	v16 =	vld.idx.msk [tilespmem:v14+s21+$0x0], $0xffff  }
0x400: {  	[tilespmem:$0x1FBD0] =	vst v14;
	v14 =	vld.idx.msk [tilespmem:v13+s21+$0x0], $0xffff  }
0x401: {  	v5 =	vld.idx.msk [tilespmem:v15+s21+$0x0], $0xffff;
	v0 =	vsub.f32 v0, v4  }
0x402: {  	v4 =	vld [tilespmem:$0x1FE50]  }
0x403: {  	[tilespmem:$0x1FE30] =	vst v0;
	v0 =	vld [tilespmem:$0x1FE40];
	_ =	sdelay $0x2  }
0x404: {  	v23 =	vld.idx.msk [tilespmem:v9+s22+$0x0], $0xffff  }
0x405: {  	v19 =	vld.idx.msk [tilespmem:v13+s22+$0x0], $0xffff  }
0x406: {  	v14 =	vsub.f32 v14, v5;
	v5 =	vsub.f32 v0, v4;
	v0 =	vld [tilespmem:$0x1FE60]  }
0x407: {  	v4 =	vld [tilespmem:$0x1FE70]  }
0x408: {  	v24 =	vld.idx.msk [tilespmem:v26+s21+$0x0], $0xffff  }
0x409: {  	v8 =	vld.idx.msk [tilespmem:v15+s22+$0x0], $0xffff  }
0x40a: {  	v18 =	vld.idx.msk [tilespmem:v22+s21+$0x0], $0xffff  }
0x40b: {  	v58 =	vsub.f32 v60, v58;
	v7 =	vld [tilespmem:$0x1FE90]  }
0x40c: {  	v60 =	vsub.f32 v23, v17;
	v17 =	vsub.f32 v0, v4;
	v4 =	vld [tilespmem:$0x1FE80]  }
0x40d: {  	v21 =	vld.idx.msk [tilespmem:v42+s21+$0x0], $0xffff  }
0x40e: {  	v27 =	vld.idx.msk [tilespmem:v9+s21+$0x0], $0xffff  }
0x40f: {  	[tilespmem:$0x1FB00] =	vst v9;
	v9 =	vld [tilespmem:$0x1FEB0]  }
0x410: {  	v8 =	vsub.f32 v19, v8;
	v1 =	vld.idx.msk [tilespmem:v49+s21+$0x0], $0xffff  }
0x411: {  	v19 =	vsub.f32 v18, v24;
	v18 =	vsub.f32 v4, v7;
	v4 =	vld [tilespmem:$0x1FEA0];
	_ =	sdelay $0x3  }
0x412: {  	v24 =	vsub.f32 v21, v1;
	v1 =	vld [tilespmem:$0x1FEC0]  }
0x413: {  	v23 =	vsub.f32 v4, v9;
	v4 =	vld [tilespmem:$0x1FED0]  }
0x414: {  	v25 =	vld.idx.msk [tilespmem:v22+s22+$0x0], $0xffff  }
0x415: {  	v20 =	vld.idx.msk [tilespmem:v26+s22+$0x0], $0xffff  }
0x416: {  	v30 =	vld.idx.msk [tilespmem:v10+s21+$0x0], $0xffff  }
0x417: {  	v0 =	vld.idx.msk [tilespmem:v63+s21+$0x0], $0xffff  }
0x418: {  	v21 =	vsub.f32 v1, v4;
	v1 =	vld [tilespmem:$0x1FEE0]  }
0x419: {  	v4 =	vld [tilespmem:$0x1FEF0];
	_ =	sdelay $0x3  }
0x41a: {  	v30 =	vsub.f32 v30, v0;
	v0 =	vld [tilespmem:$0x1FF00]  }
0x41b: {  	v20 =	vsub.f32 v25, v20;
	v25 =	vsub.f32 v1, v4;
	v4 =	vld [tilespmem:$0x1FF10];
	_ =	sdelay $0x4  }
0x41c: {  	v33 =	vsub.f32 v0, v4;
	v4 =	vld [tilespmem:$0x1FF20];
	_ =	sdelay $0x3  }
0x41d: {  	v9 =	vld [tilespmem:$0x1FF40]  }
0x41e: {  	v41 =	vsub.f32 v4, v37;
	v4 =	vld [tilespmem:$0x1FF30];
	_ =	sdelay $0x4  }
0x41f: {  	v51 =	vsub.f32 v4, v9;
	v4 =	vld [tilespmem:$0x1FF50]  }
0x420: {  	v9 =	vld [tilespmem:$0x1FF60];
	_ =	sdelay $0x4  }
0x421: {  	v44 =	vmul.f32 v9, v4;
	v4 =	vld [tilespmem:$0x1FF70];
	_ =	sdelay $0x3  }
0x422: {  	v9 =	vld [tilespmem:$0x1FF90]  }
0x423: {  	v36 =	vsub.f32 v36, v4;
	v4 =	vld [tilespmem:$0x1FF80];
	_ =	sdelay $0x2  }
0x424: {  	v43 =	vld.idx.msk [tilespmem:v42+s22+$0x0], $0xffff  }
0x425: {  	v47 =	vld.idx.msk [tilespmem:v49+s22+$0x0], $0xffff  }
0x426: {  	v53 =	vsub.f32 v4, v9;
	v4 =	vld [tilespmem:$0x1FFA0]  }
0x427: {  	v9 =	vld [tilespmem:$0x1FFB0]  }
0x428: {  	v48 =	vld.idx.msk [tilespmem:v48+s23+$0x0], $0xffff  }
0x429: {  	v50 =	vld.idx.msk [tilespmem:v50+s23+$0x0], $0xffff  }
0x42a: {  	v16 =	vsub.f32 v27, v16;
	v27 =	vld.idx.msk [tilespmem:v10+s22+$0x0], $0xffff  }
0x42b: {  	v7 =	vld.idx.msk [tilespmem:v63+s22+$0x0], $0xffff  }
0x42c: {  	v1 =	vsub.f32 v43, v47;
	v47 =	vmul.f32 v9, v4;
	v4 =	vld [tilespmem:$0x1FFC0]  }
0x42d: {  	v9 =	vld [tilespmem:$0x1FFD0]  }
0x42e: {  	v57 =	vld.idx.msk [tilespmem:v57+s23+$0x0], $0xffff  }
0x42f: {  	v55 =	vld.idx.msk [tilespmem:v55+s23+$0x0], $0xffff  }
0x430: {  	v45 =	vld.idx.msk [tilespmem:v45+s23+$0x0], $0xffff  }
0x431: {  	v43 =	vld.idx.msk [tilespmem:v34+s23+$0x0], $0xffff  }
0x432: {  	s0 =	simm.s32 $0x20;
	v0 =	vsub.f32 v27, v7;
	v7 =	vld.idx.msk [tilespmem:v28+s23+$0x0], $0xffff;
	v37 =	vsub.f32 v4, v9  }
.LBB2_6:
0x433: {  	v4 =	vld [tilespmem:$0x1FB00];
	_ =	sdelay $0x7  }
0x434: {  	v27 =	vld.idx.msk [tilespmem:v4+s23+$0x0], $0xffff  }
0x435: {  	v4 =	vld [tilespmem:$0x1F800];
	_ =	sdelay $0x3  }
0x436: {  	v9 =	vld [tilespmem:$0x1E890]  }
0x437: {  	v28 =	vsub.f32 v32, v4;
	v4 =	vld [tilespmem:$0x1E7C0];
	_ =	sdelay $0x4  }
0x438: {  	v4 =	vmul.f32 v9, v4;
	_ =	sdelay $0x1  }
0x439: {  	[tilespmem:$0x1E100] =	vst v4;
	v4 =	vsub.f32 v29, v31;
	_ =	sdelay $0x1  }
0x43a: {  	[tilespmem:$0x1E0F0] =	vst v4;
	v4 =	vld [tilespmem:$0x1FBD0];
	_ =	sdelay $0x6  }
0x43b: {  	v9 =	vld [tilespmem:$0x1F8A0]  }
0x43c: {  	[tilespmem:$0x1E110] =	vst v37;
	v37 =	vld.idx.msk [tilespmem:v4+s23+$0x0], $0xffff  }
0x43d: {  	v4 =	vld [tilespmem:$0x1F850];
	_ =	sdelay $0x3  }
0x43e: {  	v29 =	vld [tilespmem:$0x1EB50]  }
0x43f: {  	v4 =	vsub.f32 v4, v9;
	v9 =	vld [tilespmem:$0x1EA80];
	_ =	sdelay $0x4  }
0x440: {  	[tilespmem:$0x1E120] =	vst v47;
	v31 =	vld.idx.msk [tilespmem:v13+s23+$0x0], $0xffff;
	v47 =	vmul.f32 v29, v9;
	v9 =	vsub.f32 v38, v40  }
0x441: {  	v13 =	vld [tilespmem:$0x1F940]  }
0x442: {  	[tilespmem:$0x1E0E0] =	vst v9;
	v9 =	vld [tilespmem:$0x1F8F0];
	_ =	sdelay $0x4  }
0x443: {  	v29 =	vsub.f32 v9, v13;
	v9 =	vld [tilespmem:$0x1ED10]  }
0x444: {  	v13 =	vld [tilespmem:$0x1EDB0];
	_ =	sdelay $0x2  }
0x445: {  	v34 =	vld.idx.msk [tilespmem:v15+s23+$0x0], $0xffff  }
0x446: {  	v15 =	vld [tilespmem:$0x1FA00]  }
0x447: {  	v13 =	vmul.f32 v13, v9;
	v9 =	vld [tilespmem:$0x1F9A0];
	_ =	sdelay $0x4  }
0x448: {  	v32 =	vsub.f32 v9, v15;
	v9 =	vld [tilespmem:$0x1EF80]  }
0x449: {  	v15 =	vld [tilespmem:$0x1F030];
	_ =	sdelay $0x3  }
0x44a: {  	v35 =	vld [tilespmem:$0x1F9D0]  }
0x44b: {  	v9 =	vmul.f32 v15, v9;
	v15 =	vld [tilespmem:$0x1F970];
	_ =	sdelay $0x2  }
0x44c: {  	v59 =	vmov v5;
	v5 =	vsub.f32 v46, v56;
	v40 =	vld.idx.msk [tilespmem:v22+s23+$0x0], $0xffff  }
0x44d: {  	v22 =	vld [tilespmem:$0x1FAC0]  }
0x44e: {  	[tilespmem:$0x1E0D0] =	vst v5;
	v5 =	vsub.f32 v15, v35;
	v15 =	vld [tilespmem:$0x1FA60];
	_ =	sdelay $0x4  }
0x44f: {  	v35 =	vsub.f32 v15, v22;
	v15 =	vld [tilespmem:$0x1F180]  }
0x450: {  	v22 =	vld [tilespmem:$0x1F1F0];
	_ =	sdelay $0x4  }
0x451: {  	v46 =	vmul.f32 v22, v15;
	v15 =	vld [tilespmem:$0x1FA30]  }
0x452: {  	v22 =	vld [tilespmem:$0x1FA90];
	_ =	sdelay $0x4  }
0x453: {  	[tilespmem:$0x1E0C0] =	vst v5;
	v5 =	vsub.f32 v15, v22;
	v15 =	vld [tilespmem:$0x1FB30]  }
0x454: {  	v22 =	vld [tilespmem:$0x1FB90];
	_ =	sdelay $0x2  }
0x455: {  	[tilespmem:$0x1E130] =	vst v36  }
0x456: {  	v36 =	vld.idx.msk [tilespmem:v26+s23+$0x0], $0xffff;
	[tilespmem:$0x1E0B0] =	vst v5  }
0x457: {  	v38 =	vmov v44;
	v44 =	vsub.f32 v15, v22;
	v15 =	vld [tilespmem:$0x1F2E0]  }
0x458: {  	v22 =	vld [tilespmem:$0x1F320];
	_ =	sdelay $0x3  }
0x459: {  	v26 =	vld [tilespmem:$0x1FB60]  }
0x45a: {  	v15 =	vmul.f32 v22, v15;
	v22 =	vld [tilespmem:$0x1FAF0];
	_ =	sdelay $0x4  }
0x45b: {  	v54 =	vsub.f32 v22, v26;
	v22 =	vld [tilespmem:$0x1FC00]  }
0x45c: {  	v26 =	vld [tilespmem:$0x1FC50];
	_ =	sdelay $0x4  }
0x45d: {  	v56 =	vsub.f32 v22, v26;
	v22 =	vld [tilespmem:$0x1F380]  }
0x45e: {  	v26 =	vld [tilespmem:$0x1F3A0];
	_ =	sdelay $0x3  }
0x45f: {  	v5 =	vmov v53;
	v53 =	vld [tilespmem:$0x1FC30]  }
0x460: {  	v22 =	vmul.f32 v26, v22;
	v26 =	vld [tilespmem:$0x1FBC0];
	_ =	sdelay $0x4  }
0x461: {  	v53 =	vsub.f32 v26, v53;
	v26 =	vld [tilespmem:$0x1F660];
	_ =	sdelay $0x3  }
0x462: {  	v52 =	vsub.f32 v52, v61;
	v61 =	vld [tilespmem:$0x1FCD0]  }
0x463: {  	v26 =	vmul.f32 v48, v26;
	v48 =	vld [tilespmem:$0x1FC80];
	_ =	sdelay $0x3  }
0x464: {  	v39 =	vsub.f32 v39, v2;
	v2 =	vld [tilespmem:$0x1FD00]  }
0x465: {  	v48 =	vsub.f32 v48, v61;
	v61 =	vld.idx.msk [tilespmem:v10+s23+$0x0], $0xffff  }
0x466: {  	v10 =	vmul.f32 v45, v55;
	v55 =	vld [tilespmem:$0x1FD20];
	_ =	sdelay $0x4  }
0x467: {  	v45 =	vsub.f32 v2, v55;
	v2 =	vld.idx.msk [tilespmem:v63+s23+$0x0], $0xffff  }
0x468: {  	v63 =	vld [tilespmem:$0x1FD60];
	_ =	sdelay $0x4  }
0x469: {  	v55 =	vsub.f32 v63, v3;
	v3 =	vld [tilespmem:$0x1FD50]  }
0x46a: {  	v63 =	vld [tilespmem:$0x1FD70]  }
0x46b: {  	v6 =	vsub.f32 v6, v11;
	v18 =	vsub.f32 v18, v20;
	v42 =	vld.idx.msk [tilespmem:v42+s23+$0x0], $0xffff  }
0x46c: {  	v20 =	vsub.f32 v25, v30;
	v30 =	vsub.f32 v33, v0;
	v49 =	vld.idx.msk [tilespmem:v49+s23+$0x0], $0xffff  }
0x46d: {  	v23 =	vsub.f32 v23, v24;
	s31 =	sadd.s32 $0x10, s31;
	v21 =	vsub.f32 v21, v1;
	v11 =	vmul.f32 v50, v43;
	v50 =	vld [tilespmem:$0x1FDC0]  }
0x46e: {  	v20 =	vand.u32 $0x7FFFFFFF, v20;
	v30 =	vand.u32 $0x7FFFFFFF, v30;
	v25 =	vmul.f32 v2, v61;
	v2 =	vld [tilespmem:s31+$0x0]  }
0x46f: {  	v7 =	vmul.f32 v7, v57;
	v20 =	vadd.f32 v30, v20;
	v57 =	vsub.f32 v3, v63;
	v3 =	vld [tilespmem:$0x1FDA0]  }
0x470: {  	v17 =	vsub.f32 v17, v19;
	v23 =	vand.u32 $0x7FFFFFFF, v23;
	v21 =	vand.u32 $0x7FFFFFFF, v21  }
0x471: {  	v21 =	vadd.f32 v21, v23;
	v24 =	vmul.f32 v49, v42;
	v20 =	vmul.f32 v20, v25  }
0x472: {  	v17 =	vand.u32 $0x7FFFFFFF, v17;
	v18 =	vand.u32 $0x7FFFFFFF, v18  }
0x473: {  	v17 =	vadd.f32 v18, v17;
	v18 =	vmul.f32 v20, v2;
	v20 =	vmul.f32 v21, v24;
	v21 =	vld [tilespmem:$0x1F650]  }
0x474: {  	v43 =	vsub.f32 v3, v50;
	v3 =	vld [tilespmem:$0x1FDE0];
	_ =	sdelay $0x2  }
0x475: {  	v14 =	vsub.f32 v58, v14  }
0x476: {  	v8 =	vsub.f32 v59, v8;
	v18 =	vadd.f32 v18, v21;
	v21 =	vld [tilespmem:$0x1F670]  }
0x477: {  	v12 =	vsub.f32 v12, v16;
	v16 =	vmul.f32 v37, v27;
	v27 =	vsub.f32 v3, v62;
	v3 =	vld [tilespmem:$0x1FE30]  }
0x478: {  	v14 =	vand.u32 $0x7FFFFFFF, v14;
	v8 =	vand.u32 $0x7FFFFFFF, v8;
	v19 =	vmul.f32 v36, v40  }
0x479: {  	v8 =	vadd.f32 v8, v14;
	v31 =	vmul.f32 v34, v31;
	v20 =	vmul.f32 v20, v2  }
0x47a: {  	v6 =	vand.u32 $0x7FFFFFFF, v6;
	v17 =	vmul.f32 v17, v19  }
0x47b: {  	v12 =	vand.u32 $0x7FFFFFFF, v12;
	v8 =	vmul.f32 v8, v31;
	v18 =	vadd.f32 v20, v18  }
0x47c: {  	v17 =	vmul.f32 v17, v2;
	v21 =	vadd.f32 v25, v21;
	v58 =	vsub.f32 v3, v60  }
0x47d: {  	v0 =	vand.u32 $0x7FFFFFFF, v5;
	v61 =	vand.u32 $0x7FFFFFFF, v56;
	v8 =	vmul.f32 v8, v2  }
0x47e: {  	v17 =	vadd.f32 v17, v18;
	v20 =	vadd.f32 v24, v21;
	v14 =	vand.u32 $0x7FFFFFFF, v58  }
0x47f: {  	v30 =	vand.u32 $0x7FFFFFFF, v55;
	v63 =	vand.u32 $0x7FFFFFFF, v39;
	v12 =	vadd.f32 v14, v12  }
0x480: {  	v8 =	vadd.f32 v8, v17;
	v18 =	vadd.f32 v19, v20;
	v14 =	vand.u32 $0x7FFFFFFF, v27  }
0x481: {  	v6 =	vadd.f32 v14, v6;
	v14 =	vand.u32 $0x7FFFFFFF, v43;
	v12 =	vmul.f32 v12, v16  }
0x482: {  	v19 =	vand.u32 $0x7FFFFFFF, v57;
	v60 =	vand.u32 $0x7FFFFFFF, v52;
	v14 =	vadd.f32 v14, v30  }
0x483: {  	v17 =	vadd.f32 v31, v18;
	v6 =	vmul.f32 v6, v11;
	v12 =	vmul.f32 v12, v2  }
0x484: {  	v18 =	vadd.f32 v19, v63;
	v19 =	vand.u32 $0x7FFFFFFF, v45;
	v14 =	vmul.f32 v14, v7  }
0x485: {  	v6 =	vmul.f32 v6, v2;
	v8 =	vadd.f32 v12, v8;
	v12 =	vadd.f32 v16, v17  }
0x486: {  	v16 =	vmul.f32 v18, v10;
	v17 =	vadd.f32 v19, v60;
	v18 =	vand.u32 $0x7FFFFFFF, v48  }
0x487: {  	v5 =	vld [tilespmem:$0x1E0B0];
	v6 =	vadd.f32 v6, v8;
	v8 =	vadd.f32 v11, v12;
	v11 =	vmul.f32 v14, v2  }
0x488: {  	v62 =	vand.u32 $0x7FFFFFFF, v44;
	v14 =	vadd.f32 v18, v61  }
0x489: {  	v12 =	vmul.f32 v17, v26;
	v17 =	vand.u32 $0x7FFFFFFF, v53;
	v6 =	vadd.f32 v11, v6  }
0x48a: {  	v7 =	vadd.f32 v7, v8;
	v11 =	vmul.f32 v14, v22;
	v14 =	vadd.f32 v17, v62  }
0x48b: {  	v8 =	vmul.f32 v16, v2  }
0x48c: {  	v7 =	vadd.f32 v10, v7;
	v10 =	vmul.f32 v14, v15;
	v14 =	vand.u32 $0x7FFFFFFF, v5;
	v5 =	vld [tilespmem:$0x1E0C0]  }
0x48d: {  	v1 =	vand.u32 $0x7FFFFFFF, v28;
	v28 =	vand.u32 $0x7FFFFFFF, v35  }
0x48e: {  	v16 =	vand.u32 $0x7FFFFFFF, v54;
	v6 =	vadd.f32 v8, v6;
	v8 =	vmul.f32 v12, v2  }
0x48f: {  	v32 =	vand.u32 $0x7FFFFFFF, v32;
	v12 =	vadd.f32 v16, v28  }
0x490: {  	v6 =	vadd.f32 v8, v6;
	v7 =	vadd.f32 v26, v7;
	v8 =	vmul.f32 v11, v2  }
0x491: {  	v11 =	vmul.f32 v12, v46;
	v12 =	vadd.f32 v14, v32;
	v14 =	vand.u32 $0x7FFFFFFF, v5;
	v5 =	vld [tilespmem:$0x1E0D0]  }
0x492: {  	v29 =	vand.u32 $0x7FFFFFFF, v29;
	v6 =	vadd.f32 v8, v6;
	v8 =	vmul.f32 v10, v2  }
0x493: {  	v7 =	vadd.f32 v22, v7;
	v10 =	vmul.f32 v12, v9;
	v12 =	vadd.f32 v14, v29  }
0x494: {  	v6 =	vadd.f32 v8, v6;
	v8 =	vmul.f32 v11, v2  }
0x495: {  	v4 =	vand.u32 $0x7FFFFFFF, v4;
	v7 =	vadd.f32 v15, v7;
	v11 =	vmul.f32 v12, v13;
	v12 =	vld [tilespmem:$0x1E0E0]  }
0x496: {  	v6 =	vadd.f32 v8, v6;
	v8 =	vmul.f32 v10, v2;
	v10 =	vld [tilespmem:$0x1F630];
	v14 =	vand.u32 $0x7FFFFFFF, v5  }
0x497: {  	v4 =	vadd.f32 v14, v4;
	v14 =	vld [tilespmem:$0x1F640]  }
0x498: {  	v7 =	vadd.f32 v46, v7  }
0x499: {  	v15 =	vld [tilespmem:$0x1E100]  }
0x49a: {  	v7 =	vadd.f32 v9, v7;
	v9 =	vld [tilespmem:$0x1E110];
	v12 =	vand.u32 $0x7FFFFFFF, v12  }
0x49b: {  	v6 =	vadd.f32 v8, v6;
	v8 =	vmul.f32 v11, v2;
	v1 =	vadd.f32 v12, v1;
	v12 =	vld [tilespmem:$0x1E0F0]  }
0x49c: {  	v11 =	vld [tilespmem:$0x1E120]  }
0x49d: {  	v6 =	vadd.f32 v8, v6;
	v8 =	vld [tilespmem:$0x1E130]  }
0x49e: {  	v4 =	vmul.f32 v4, v47;
	v10 =	vld.idx.msk [tilespmem:v10+s23+$0x0], $0xffff  }
0x49f: {  	v59 =	vand.u32 $0x7FFFFFFF, v51;
	v3 =	vand.u32 $0x7FFFFFFF, v41;
	v14 =	vld.idx.msk [tilespmem:v14+s23+$0x0], $0xffff  }
0x4a0: {  	v7 =	vadd.f32 v13, v7;
	v4 =	vmul.f32 v4, v2;
	v12 =	vand.u32 $0x7FFFFFFF, v12  }
0x4a1: {  	v9 =	vand.u32 $0x7FFFFFFF, v9;
	v1 =	vmul.f32 v1, v15;
	v0 =	vadd.f32 v12, v0  }
0x4a2: {  	v5 =	vadd.f32 v9, v59;
	v8 =	vand.u32 $0x7FFFFFFF, v8;
	v4 =	vadd.f32 v4, v6  }
0x4a3: {  	v6 =	vadd.f32 v47, v7;
	v1 =	vmul.f32 v1, v2;
	v0 =	vmul.f32 v0, v11  }
0x4a4: {  	v5 =	vmul.f32 v5, v38;
	v3 =	vadd.f32 v8, v3;
	v7 =	vmul.f32 v14, v10  }
0x4a5: {  	v1 =	vadd.f32 v1, v4;
	v4 =	vadd.f32 v15, v6;
	v0 =	vmul.f32 v0, v2  }
0x4a6: {  	v3 =	vmul.f32 v3, v7  }
0x4a7: {  	v0 =	vadd.f32 v0, v1;
	v1 =	vadd.f32 v11, v4;
	v4 =	vmul.f32 v5, v2;
	_ =	sdelay $0x1  }
0x4a8: {  	v0 =	vadd.f32 v4, v0;
	v2 =	vmul.f32 v3, v2  }
0x4a9: {  	s30 =	sadd.s32 $0x10, s30;
	v3 =	vld [tilespmem:$0x1FFF0]  }
0x4aa: {  	v8 =	vld [tilespmem:s30+$0x0];
	v1 =	vadd.f32 v38, v1;
	v0 =	vadd.f32 v2, v0  }
0x4ab: {  	v9 =	vld [tilespmem:$0x1E730]  }
0x4ac: {  	v6 =	vmov s0;
	[tilespmem:$0x1F650] =	vst v0;
	v0 =	vadd.f32 v7, v1;
	v7 =	vld [tilespmem:$0x1E710]  }
0x4ad: {  	s29 =	sadd.s32 $0x10, s29;
	v5 =	vshll.u32 v6, $0x5  }
0x4ae: {  	v4 =	vld [tilespmem:s29+$0x0];
	v3 =	vor.u32 v3, v5  }
0x4af: {  	v6 =	vld [tilespmem:$0x1F5B0];
	v62 =	vadd.s32 v3, v8  }
0x4b0: {  	v10 =	vld [tilespmem:$0x1E740];
	v2 =	vadd.s32 v62, v9  }
0x4b1: {  	[tilespmem:$0x1F670] =	vst v0;
	v8 =	vld [tilespmem:$0x1E720];
	v0 =	vadd.s32 v62, v7;
	_ =	sdelay $0x1  }
0x4b2: {  	v63 =	vadd.s32 v3, v4  }
0x4b3: {  	v4 =	vadd.s32 v63, v6  }
0x4b4: {  	v3 =	vadd.s32 v62, v10;
	v12 =	vld.idx.msk [tilespmem:v2+s23+$0x0], $0xffff  }
0x4b5: {  	v1 =	vadd.s32 v62, v8;
	v5 =	vld.idx.msk [tilespmem:v0+s23+$0x0], $0xffff  }
0x4b6: {  	v14 =	vld [tilespmem:$0x1E750]  }
0x4b7: {  	v11 =	vld [tilespmem:$0x1F5D0]  }
0x4b8: {  	v18 =	vld.idx.msk [tilespmem:v4+s19+$0x0], $0xffff  }
0x4b9: {  	[tilespmem:$0x1E6D0] =	vst v12;
	v12 =	vld.idx.msk [tilespmem:v3+s23+$0x0], $0xffff  }
0x4ba: {  	[tilespmem:$0x1E670] =	vst v5;
	v5 =	vld.idx.msk [tilespmem:v1+s23+$0x0], $0xffff  }
0x4bb: {  	v17 =	vld.idx.msk [tilespmem:v4+s20+$0x0], $0xffff;
	v4 =	vadd.s32 v63, v7;
	_ =	sdelay $0x2  }
0x4bc: {  	[tilespmem:$0x1E6E0] =	vst v12;
	v12 =	vadd.s32 v62, v6;
	v6 =	vadd.s32 v62, v14  }
0x4bd: {  	v16 =	vld [tilespmem:$0x1E770];
	[tilespmem:$0x1E680] =	vst v5;
	v5 =	vadd.s32 v63, v11  }
0x4be: {  	v38 =	vld.idx.msk [tilespmem:v4+s19+$0x0], $0xffff  }
0x4bf: {  	v37 =	vld.idx.msk [tilespmem:v4+s20+$0x0], $0xffff  }
0x4c0: {  	v4 =	vld.idx.msk [tilespmem:v0+s21+$0x0], $0xffff  }
0x4c1: {  	v7 =	vadd.s32 v63, v8;
	v8 =	vld.idx.msk [tilespmem:v6+s23+$0x0], $0xffff  }
0x4c2: {  	v20 =	vld.idx.msk [tilespmem:v5+s19+$0x0], $0xffff  }
0x4c3: {  	v19 =	vld.idx.msk [tilespmem:v5+s20+$0x0], $0xffff;
	v5 =	vadd.s32 v62, v16  }
0x4c4: {  	v0 =	vld.idx.msk [tilespmem:v0+s22+$0x0], $0xffff  }
0x4c5: {  	v21 =	vld.idx.msk [tilespmem:v12+s21+$0x0], $0xffff  }
0x4c6: {  	v31 =	vld.idx.msk [tilespmem:v12+s22+$0x0], $0xffff  }
0x4c7: {  	[tilespmem:$0x1F630] =	vst v12;
	v12 =	vld [tilespmem:$0x1E920]  }
0x4c8: {  	[tilespmem:$0x1E7C0] =	vst v8;
	v8 =	vld.idx.msk [tilespmem:v5+s23+$0x0], $0xffff;
	_ =	sdelay $0x2  }
0x4c9: {  	v13 =	vld [tilespmem:$0x1E9F0]  }
0x4ca: {  	[tilespmem:$0x1E180] =	vst v0;
	v0 =	vld.idx.msk [tilespmem:v1+s21+$0x0], $0xffff  }
0x4cb: {  	v1 =	vld.idx.msk [tilespmem:v1+s22+$0x0], $0xffff;
	[tilespmem:$0x1E890] =	vst v8;
	v8 =	vadd.s32 v62, v12;
	_ =	sdelay $0x2  }
0x4cc: {  	v53 =	vld.idx.msk [tilespmem:v7+s19+$0x0], $0xffff  }
0x4cd: {  	v44 =	vld.idx.msk [tilespmem:v7+s20+$0x0], $0xffff  }
0x4ce: {  	v7 =	vadd.s32 v62, v13;
	[tilespmem:$0x1E190] =	vst v1;
	v1 =	vld.idx.msk [tilespmem:v8+s23+$0x0], $0xffff;
	_ =	sdelay $0x3  }
0x4cf: {  	[tilespmem:$0x1E140] =	vst v4  }
0x4d0: {  	v4 =	vadd.s32 v63, v9;
	[tilespmem:$0x1EA80] =	vst v1;
	v1 =	vld.idx.msk [tilespmem:v7+s23+$0x0], $0xffff;
	_ =	sdelay $0x4  }
0x4d1: {  	[tilespmem:$0x1EB50] =	vst v1;
	v1 =	vld.idx.msk [tilespmem:v4+s19+$0x0], $0xffff;
	_ =	sdelay $0x3  }
0x4d2: {  	[tilespmem:$0x1E150] =	vst v0  }
0x4d3: {  	v0 =	vadd.s32 v63, v10;
	[tilespmem:$0x1E160] =	vst v1;
	v1 =	vld.idx.msk [tilespmem:v4+s20+$0x0], $0xffff;
	_ =	sdelay $0x1  }
0x4d4: {  	v11 =	vadd.s32 v62, v11  }
0x4d5: {  	v28 =	vld.idx.msk [tilespmem:v3+s21+$0x0], $0xffff  }
0x4d6: {  	v10 =	vld [tilespmem:$0x1EBD0]  }
0x4d7: {  	[tilespmem:$0x1E1A0] =	vst v1;
	v1 =	vld.idx.msk [tilespmem:v0+s19+$0x0], $0xffff  }
0x4d8: {  	v3 =	vld.idx.msk [tilespmem:v3+s22+$0x0], $0xffff  }
0x4d9: {  	v15 =	vld.idx.msk [tilespmem:v11+s21+$0x0], $0xffff  }
0x4da: {  	v34 =	vld.idx.msk [tilespmem:v11+s22+$0x0], $0xffff  }
0x4db: {  	[tilespmem:$0x1F640] =	vst v11;
	v11 =	vld [tilespmem:$0x1EC90]  }
0x4dc: {  	v0 =	vld.idx.msk [tilespmem:v0+s20+$0x0], $0xffff;
	[tilespmem:$0x1E170] =	vst v1;
	v1 =	vadd.s32 v62, v10;
	_ =	sdelay $0x3  }
0x4dd: {  	[tilespmem:$0x1E1F0] =	vst v3  }
0x4de: {  	[tilespmem:$0x1E1B0] =	vst v0;
	v0 =	vadd.s32 v62, v11;
	v3 =	vld.idx.msk [tilespmem:v1+s23+$0x0], $0xffff;
	_ =	sdelay $0x4  }
0x4df: {  	v4 =	vadd.s32 v63, v14;
	[tilespmem:$0x1ED10] =	vst v3;
	v3 =	vld.idx.msk [tilespmem:v0+s23+$0x0], $0xffff;
	_ =	sdelay $0x2  }
0x4e0: {  	v25 =	vld.idx.msk [tilespmem:v2+s21+$0x0], $0xffff  }
0x4e1: {  	v2 =	vld.idx.msk [tilespmem:v2+s22+$0x0], $0xffff  }
0x4e2: {  	[tilespmem:$0x1EDB0] =	vst v3;
	v3 =	vld.idx.msk [tilespmem:v4+s19+$0x0], $0xffff;
	_ =	sdelay $0x3  }
0x4e3: {  	[tilespmem:$0x1E1E0] =	vst v2  }
0x4e4: {  	v2 =	vadd.s32 v63, v16;
	[tilespmem:$0x1E1C0] =	vst v3;
	v3 =	vld.idx.msk [tilespmem:v4+s20+$0x0], $0xffff;
	_ =	sdelay $0x3  }
0x4e5: {  	v4 =	vld [tilespmem:$0x1EE30]  }
0x4e6: {  	[tilespmem:$0x1E210] =	vst v3;
	v3 =	vld.idx.msk [tilespmem:v2+s19+$0x0], $0xffff;
	_ =	sdelay $0x1  }
0x4e7: {  	v22 =	vld.idx.msk [tilespmem:v5+s21+$0x0], $0xffff  }
0x4e8: {  	v5 =	vld.idx.msk [tilespmem:v5+s22+$0x0], $0xffff  }
0x4e9: {  	v14 =	vld [tilespmem:$0x1EEF0]  }
0x4ea: {  	v2 =	vld.idx.msk [tilespmem:v2+s20+$0x0], $0xffff;
	[tilespmem:$0x1E1D0] =	vst v3;
	v3 =	vadd.s32 v62, v4;
	_ =	sdelay $0x3  }
0x4eb: {  	v9 =	vld.idx.msk [tilespmem:v6+s21+$0x0], $0xffff;
	[tilespmem:$0x1E260] =	vst v5  }
0x4ec: {  	[tilespmem:$0x1E220] =	vst v2;
	v2 =	vadd.s32 v62, v14;
	v5 =	vld.idx.msk [tilespmem:v3+s23+$0x0], $0xffff;
	_ =	sdelay $0x3  }
0x4ed: {  	[tilespmem:$0x1E200] =	vst v9  }
0x4ee: {  	v9 =	vadd.s32 v63, v12;
	[tilespmem:$0x1EF80] =	vst v5;
	v5 =	vld.idx.msk [tilespmem:v2+s23+$0x0], $0xffff;
	_ =	sdelay $0x3  }
0x4ef: {  	v6 =	vld.idx.msk [tilespmem:v6+s22+$0x0], $0xffff  }
0x4f0: {  	[tilespmem:$0x1F030] =	vst v5;
	v5 =	vld.idx.msk [tilespmem:v9+s19+$0x0], $0xffff;
	_ =	sdelay $0x3  }
0x4f1: {  	[tilespmem:$0x1E250] =	vst v6  }
0x4f2: {  	v6 =	vadd.s32 v63, v13;
	[tilespmem:$0x1E230] =	vst v5;
	v5 =	vld.idx.msk [tilespmem:v9+s20+$0x0], $0xffff;
	_ =	sdelay $0x3  }
0x4f3: {  	v12 =	vld [tilespmem:$0x1F0A0]  }
0x4f4: {  	[tilespmem:$0x1E270] =	vst v5;
	v5 =	vld.idx.msk [tilespmem:v6+s19+$0x0], $0xffff;
	_ =	sdelay $0x1  }
0x4f5: {  	v26 =	vld.idx.msk [tilespmem:v7+s21+$0x0], $0xffff  }
0x4f6: {  	v13 =	vld [tilespmem:$0x1F110]  }
0x4f7: {  	v7 =	vld.idx.msk [tilespmem:v7+s22+$0x0], $0xffff  }
0x4f8: {  	v6 =	vld.idx.msk [tilespmem:v6+s20+$0x0], $0xffff;
	[tilespmem:$0x1E240] =	vst v5;
	v5 =	vadd.s32 v62, v12;
	_ =	sdelay $0x3  }
0x4f9: {  	[tilespmem:$0x1E2C0] =	vst v7  }
0x4fa: {  	[tilespmem:$0x1E280] =	vst v6;
	v6 =	vadd.s32 v62, v13;
	v7 =	vld.idx.msk [tilespmem:v5+s23+$0x0], $0xffff;
	_ =	sdelay $0x4  }
0x4fb: {  	v9 =	vadd.s32 v63, v10;
	[tilespmem:$0x1F180] =	vst v7;
	v7 =	vld.idx.msk [tilespmem:v6+s23+$0x0], $0xffff;
	_ =	sdelay $0x2  }
0x4fc: {  	v35 =	vld.idx.msk [tilespmem:v8+s21+$0x0], $0xffff  }
0x4fd: {  	v8 =	vld.idx.msk [tilespmem:v8+s22+$0x0], $0xffff  }
0x4fe: {  	[tilespmem:$0x1F1F0] =	vst v7;
	v7 =	vld.idx.msk [tilespmem:v9+s19+$0x0], $0xffff;
	_ =	sdelay $0x3  }
0x4ff: {  	[tilespmem:$0x1E2B0] =	vst v8  }
0x500: {  	v8 =	vadd.s32 v63, v11;
	[tilespmem:$0x1E290] =	vst v7;
	v7 =	vld.idx.msk [tilespmem:v9+s20+$0x0], $0xffff;
	_ =	sdelay $0x3  }
0x501: {  	v10 =	vld [tilespmem:$0x1F270]  }
0x502: {  	[tilespmem:$0x1E2E0] =	vst v7;
	v7 =	vld.idx.msk [tilespmem:v8+s19+$0x0], $0xffff;
	_ =	sdelay $0x1  }
0x503: {  	v11 =	vld [tilespmem:$0x1F200]  }
0x504: {  	v29 =	vld.idx.msk [tilespmem:v0+s21+$0x0], $0xffff  }
0x505: {  	v0 =	vld.idx.msk [tilespmem:v0+s22+$0x0], $0xffff  }
0x506: {  	v8 =	vld.idx.msk [tilespmem:v8+s20+$0x0], $0xffff;
	[tilespmem:$0x1E2A0] =	vst v7;
	v7 =	vadd.s32 v62, v10;
	_ =	sdelay $0x3  }
0x507: {  	[tilespmem:$0x1E320] =	vst v0;
	v9 =	vld.idx.msk [tilespmem:v1+s21+$0x0], $0xffff  }
0x508: {  	[tilespmem:$0x1E2F0] =	vst v8;
	v8 =	vadd.s32 v62, v11;
	v0 =	vld.idx.msk [tilespmem:v7+s23+$0x0], $0xffff;
	_ =	sdelay $0x3  }
0x509: {  	[tilespmem:$0x1E2D0] =	vst v9  }
0x50a: {  	v9 =	vadd.s32 v63, v4;
	[tilespmem:$0x1F2E0] =	vst v0;
	v0 =	vld.idx.msk [tilespmem:v8+s23+$0x0], $0xffff;
	_ =	sdelay $0x3  }
0x50b: {  	v1 =	vld.idx.msk [tilespmem:v1+s22+$0x0], $0xffff  }
0x50c: {  	[tilespmem:$0x1F320] =	vst v0;
	v0 =	vld.idx.msk [tilespmem:v9+s19+$0x0], $0xffff;
	_ =	sdelay $0x3  }
0x50d: {  	[tilespmem:$0x1E310] =	vst v1;
	v1 =	vadd.s32 v63, v14;
	v4 =	vld [tilespmem:$0x1F2F0]  }
0x50e: {  	[tilespmem:$0x1E300] =	vst v0;
	v0 =	vld.idx.msk [tilespmem:v9+s20+$0x0], $0xffff  }
0x50f: {  	v40 =	vld.idx.msk [tilespmem:v2+s21+$0x0], $0xffff  }
0x510: {  	v2 =	vld.idx.msk [tilespmem:v2+s22+$0x0], $0xffff  }
0x511: {  	v14 =	vld [tilespmem:$0x1F330]  }
0x512: {  	v32 =	vld.idx.msk [tilespmem:v1+s19+$0x0], $0xffff  }
0x513: {  	v1 =	vld.idx.msk [tilespmem:v1+s20+$0x0], $0xffff;
	[tilespmem:$0x1E340] =	vst v0;
	v0 =	vadd.s32 v62, v4;
	_ =	sdelay $0x3  }
0x514: {  	[tilespmem:$0x1E380] =	vst v2;
	v9 =	vld.idx.msk [tilespmem:v3+s21+$0x0], $0xffff  }
0x515: {  	[tilespmem:$0x1E350] =	vst v1;
	v1 =	vadd.s32 v62, v14;
	v2 =	vld.idx.msk [tilespmem:v0+s23+$0x0], $0xffff;
	_ =	sdelay $0x2  }
0x516: {  	v3 =	vld.idx.msk [tilespmem:v3+s22+$0x0], $0xffff  }
0x517: {  	[tilespmem:$0x1E330] =	vst v9  }
0x518: {  	v9 =	vadd.s32 v63, v12;
	[tilespmem:$0x1F380] =	vst v2;
	v2 =	vld.idx.msk [tilespmem:v1+s23+$0x0], $0xffff;
	_ =	sdelay $0x2  }
0x519: {  	[tilespmem:$0x1E370] =	vst v3;
	v3 =	vadd.s32 v63, v13;
	_ =	sdelay $0x1  }
0x51a: {  	[tilespmem:$0x1F3A0] =	vst v2;
	v2 =	vld.idx.msk [tilespmem:v9+s19+$0x0], $0xffff  }
0x51b: {  	v46 =	vld.idx.msk [tilespmem:v5+s21+$0x0], $0xffff  }
0x51c: {  	v5 =	vld.idx.msk [tilespmem:v5+s22+$0x0], $0xffff  }
0x51d: {  	v36 =	vld.idx.msk [tilespmem:v3+s19+$0x0], $0xffff  }
0x51e: {  	v3 =	vld.idx.msk [tilespmem:v3+s20+$0x0], $0xffff  }
0x51f: {  	[tilespmem:$0x1E360] =	vst v2;
	v2 =	vld.idx.msk [tilespmem:v9+s20+$0x0], $0xffff;
	_ =	sdelay $0x2  }
0x520: {  	[tilespmem:$0x1E3C0] =	vst v5  }
0x521: {  	[tilespmem:$0x1E3A0] =	vst v3;
	v3 =	vadd.s32 v63, v11  }
0x522: {  	v5 =	vld.idx.msk [tilespmem:v6+s22+$0x0], $0xffff;
	[tilespmem:$0x1E390] =	vst v2;
	v2 =	vadd.s32 v63, v10;
	_ =	sdelay $0x3  }
0x523: {  	v41 =	vld.idx.msk [tilespmem:v3+s19+$0x0], $0xffff  }
0x524: {  	[tilespmem:$0x1E3D0] =	vst v5;
	v5 =	vld.idx.msk [tilespmem:v2+s19+$0x0], $0xffff  }
0x525: {  	v2 =	vld.idx.msk [tilespmem:v2+s20+$0x0], $0xffff  }
0x526: {  	v3 =	vld.idx.msk [tilespmem:v3+s20+$0x0], $0xffff;
	_ =	sdelay $0x3  }
0x527: {  	[tilespmem:$0x1E3E0] =	vst v2;
	v2 =	vadd.s32 v63, v4;
	v4 =	vld.idx.msk [tilespmem:v7+s22+$0x0], $0xffff  }
0x528: {  	[tilespmem:$0x1E3F0] =	vst v3;
	v3 =	vadd.s32 v63, v14;
	_ =	sdelay $0x3  }
0x529: {  	[tilespmem:$0x1E410] =	vst v4;
	v4 =	vld.idx.msk [tilespmem:v8+s22+$0x0], $0xffff  }
0x52a: {  	v27 =	vld.idx.msk [tilespmem:v3+s19+$0x0], $0xffff  }
0x52b: {  	v3 =	vld.idx.msk [tilespmem:v3+s20+$0x0], $0xffff;
	_ =	sdelay $0x2  }
0x52c: {  	[tilespmem:$0x1E420] =	vst v4;
	v4 =	vld.idx.msk [tilespmem:v2+s19+$0x0], $0xffff;
	_ =	sdelay $0x1  }
0x52d: {  	[tilespmem:$0x1E450] =	vst v3;
	v3 =	vld.idx.msk [tilespmem:v0+s21+$0x0], $0xffff  }
0x52e: {  	v0 =	vld.idx.msk [tilespmem:v0+s22+$0x0], $0xffff  }
0x52f: {  	v2 =	vld.idx.msk [tilespmem:v2+s20+$0x0], $0xffff  }
0x530: {  	[tilespmem:$0x1E400] =	vst v4;
	v4 =	vld [tilespmem:$0x1F390];
	_ =	sdelay $0x3  }
0x531: {  	[tilespmem:$0x1E470] =	vst v0  }
0x532: {  	v0 =	vld.idx.msk [tilespmem:v1+s22+$0x0], $0xffff;
	[tilespmem:$0x1E440] =	vst v2;
	v2 =	vadd.s32 v63, v4;
	_ =	sdelay $0x4  }
0x533: {  	[tilespmem:$0x1E480] =	vst v0;
	v0 =	vld.idx.msk [tilespmem:v2+s19+$0x0], $0xffff  }
0x534: {  	[tilespmem:$0x1E3B0] =	vst v5;
	v5 =	vld [tilespmem:$0x1F3B0];
	_ =	sdelay $0x3  }
0x535: {  	[tilespmem:$0x1E460] =	vst v0;
	v0 =	vld.idx.msk [tilespmem:v2+s20+$0x0], $0xffff  }
0x536: {  	v48 =	vadd.s32 v62, v5;
	v2 =	vld [tilespmem:$0x1F3C0];
	_ =	sdelay $0x1  }
0x537: {  	[tilespmem:$0x1E430] =	vst v3;
	v3 =	vadd.s32 v63, v5;
	_ =	sdelay $0x2  }
0x538: {  	[tilespmem:$0x1E4A0] =	vst v0;
	v0 =	vadd.s32 v63, v2;
	v55 =	vadd.s32 v62, v2;
	v2 =	vld.idx.msk [tilespmem:v48+s22+$0x0], $0xffff  }
0x539: {  	v9 =	vld.idx.msk [tilespmem:v1+s21+$0x0], $0xffff  }
0x53a: {  	v52 =	vld.idx.msk [tilespmem:v3+s19+$0x0], $0xffff  }
0x53b: {  	v1 =	vld.idx.msk [tilespmem:v3+s20+$0x0], $0xffff  }
0x53c: {  	v3 =	vld [tilespmem:$0x1F3F0]  }
0x53d: {  	v45 =	vadd.s32 v62, v4;
	[tilespmem:$0x1E4E0] =	vst v2;
	v2 =	vld.idx.msk [tilespmem:v0+s19+$0x0], $0xffff  }
0x53e: {  	v0 =	vld.idx.msk [tilespmem:v0+s20+$0x0], $0xffff;
	_ =	sdelay $0x3  }
0x53f: {  	[tilespmem:$0x1E4B0] =	vst v1;
	v1 =	vld.idx.msk [tilespmem:v45+s21+$0x0], $0xffff  }
0x540: {  	v30 =	vadd.s32 v62, v3;
	[tilespmem:$0x1E4F0] =	vst v0;
	v0 =	vld [tilespmem:$0x1F400];
	_ =	sdelay $0x3  }
0x541: {  	[tilespmem:$0x1E490] =	vst v1  }
0x542: {  	v1 =	vadd.s32 v63, v3;
	v3 =	vadd.s32 v63, v0;
	v57 =	vadd.s32 v62, v0;
	v0 =	vld.idx.msk [tilespmem:v30+s22+$0x0], $0xffff;
	_ =	sdelay $0x3  }
0x543: {  	v4 =	vld.idx.msk [tilespmem:v45+s22+$0x0], $0xffff  }
0x544: {  	[tilespmem:$0x1E530] =	vst v0;
	v0 =	vld.idx.msk [tilespmem:v3+s19+$0x0], $0xffff;
	_ =	sdelay $0x3  }
0x545: {  	[tilespmem:$0x1E4D0] =	vst v4;
	v4 =	vld [tilespmem:$0x1F410]  }
0x546: {  	[tilespmem:$0x1E510] =	vst v0;
	v0 =	vld.idx.msk [tilespmem:v3+s20+$0x0], $0xffff;
	_ =	sdelay $0x1  }
0x547: {  	v54 =	vld.idx.msk [tilespmem:v7+s21+$0x0], $0xffff  }
0x548: {  	v39 =	vld.idx.msk [tilespmem:v1+s19+$0x0], $0xffff  }
0x549: {  	v1 =	vld.idx.msk [tilespmem:v1+s20+$0x0], $0xffff  }
0x54a: {  	v7 =	vadd.s32 v62, v4;
	[tilespmem:$0x1E550] =	vst v0;
	v0 =	vld [tilespmem:$0x1F440];
	_ =	sdelay $0x3  }
0x54b: {  	[tilespmem:$0x1E500] =	vst v1;
	v1 =	vadd.s32 v63, v4  }
0x54c: {  	v5 =	vadd.s32 v63, v0;
	v43 =	vadd.s32 v62, v0;
	v0 =	vld.idx.msk [tilespmem:v7+s22+$0x0], $0xffff;
	_ =	sdelay $0x3  }
0x54d: {  	v3 =	vld.idx.msk [tilespmem:v1+s19+$0x0], $0xffff  }
0x54e: {  	[tilespmem:$0x1E590] =	vst v0;
	v0 =	vld.idx.msk [tilespmem:v5+s19+$0x0], $0xffff  }
0x54f: {  	v1 =	vld.idx.msk [tilespmem:v1+s20+$0x0], $0xffff;
	_ =	sdelay $0x2  }
0x550: {  	v4 =	vld [tilespmem:$0x1F450]  }
0x551: {  	[tilespmem:$0x1E570] =	vst v0;
	v0 =	vld.idx.msk [tilespmem:v5+s20+$0x0], $0xffff  }
0x552: {  	[tilespmem:$0x1E560] =	vst v1;
	v1 =	vld.idx.msk [tilespmem:v57+s21+$0x0], $0xffff  }
0x553: {  	v42 =	vld.idx.msk [tilespmem:v6+s21+$0x0], $0xffff  }
0x554: {  	v49 =	vld.idx.msk [tilespmem:v8+s21+$0x0], $0xffff  }
0x555: {  	v8 =	vld.idx.msk [tilespmem:v43+s22+$0x0], $0xffff  }
0x556: {  	v50 =	vadd.s32 v62, v4;
	[tilespmem:$0x1E5B0] =	vst v0;
	v0 =	vld [tilespmem:$0x1F460]  }
0x557: {  	v6 =	vld.idx.msk [tilespmem:v57+s22+$0x0], $0xffff;
	[tilespmem:$0x1E540] =	vst v1;
	v1 =	vadd.s32 v63, v4;
	_ =	sdelay $0x3  }
0x558: {  	[tilespmem:$0x1E5D0] =	vst v8;
	v5 =	vadd.s32 v63, v0;
	v8 =	vadd.s32 v62, v0;
	v0 =	vld.idx.msk [tilespmem:v50+s22+$0x0], $0xffff  }
0x559: {  	[tilespmem:$0x1E580] =	vst v6;
	v6 =	vld.idx.msk [tilespmem:v1+s19+$0x0], $0xffff  }
0x55a: {  	v1 =	vld.idx.msk [tilespmem:v1+s20+$0x0], $0xffff;
	_ =	sdelay $0x2  }
0x55b: {  	[tilespmem:$0x1E5E0] =	vst v0;
	v0 =	vld.idx.msk [tilespmem:v5+s20+$0x0], $0xffff  }
0x55c: {  	v4 =	vld [tilespmem:$0x1F490]  }
0x55d: {  	[tilespmem:$0x1E5C0] =	vst v1;
	v1 =	vld.idx.msk [tilespmem:v43+s21+$0x0], $0xffff;
	_ =	sdelay $0x2  }
0x55e: {  	[tilespmem:$0x1E5F0] =	vst v0;
	v0 =	vld [tilespmem:$0x1F4A0];
	_ =	sdelay $0x1  }
0x55f: {  	[tilespmem:$0x1E5A0] =	vst v1;
	v1 =	vadd.s32 v63, v4;
	_ =	sdelay $0x2  }
0x560: {  	v56 =	vld.idx.msk [tilespmem:v5+s19+$0x0], $0xffff;
	v5 =	vadd.s32 v63, v0;
	v13 =	vadd.s32 v62, v0;
	v0 =	vsub.f32 v18, v20;
	_ =	sdelay $0x1  }
0x561: {  	v12 =	vld.idx.msk [tilespmem:v1+s19+$0x0], $0xffff;
	[tilespmem:$0x1E630] =	vst v0;
	v0 =	vsub.f32 v21, v15  }
0x562: {  	v58 =	vld.idx.msk [tilespmem:v1+s20+$0x0], $0xffff  }
0x563: {  	v1 =	vld [tilespmem:$0x1F4B0];
	[tilespmem:$0x1E640] =	vst v0;
	v0 =	vsub.f32 v17, v19;
	_ =	sdelay $0x1  }
0x564: {  	[tilespmem:$0x1E690] =	vst v0;
	v0 =	vsub.f32 v38, v53  }
0x565: {  	v4 =	vadd.s32 v62, v4  }
0x566: {  	[tilespmem:$0x1E650] =	vst v0;
	v0 =	vsub.f32 v31, v34  }
0x567: {  	v51 =	vadd.s32 v63, v1;
	v15 =	vadd.s32 v62, v1;
	v1 =	vld [tilespmem:$0x1E150]  }
0x568: {  	[tilespmem:$0x1E6A0] =	vst v0;
	v0 =	vld [tilespmem:$0x1E140];
	_ =	sdelay $0x1  }
0x569: {  	v16 =	vld.idx.msk [tilespmem:v4+s21+$0x0], $0xffff  }
0x56a: {  	v33 =	vld.idx.msk [tilespmem:v4+s22+$0x0], $0xffff  }
0x56b: {  	[tilespmem:$0x1FBD0] =	vst v4;
	v4 =	vld [tilespmem:$0x1E170]  }
0x56c: {  	v0 =	vsub.f32 v0, v1;
	v1 =	vld [tilespmem:$0x1E160];
	_ =	sdelay $0x4  }
0x56d: {  	v1 =	vsub.f32 v1, v4  }
0x56e: {  	v4 =	vld [tilespmem:$0x1E190]  }
0x56f: {  	[tilespmem:$0x1E6B0] =	vst v1;
	v1 =	vld [tilespmem:$0x1E180];
	_ =	sdelay $0x4  }
0x570: {  	v1 =	vsub.f32 v1, v4;
	_ =	sdelay $0x1  }
0x571: {  	[tilespmem:$0x1E700] =	vst v1;
	v1 =	vsub.f32 v25, v28  }
0x572: {  	v4 =	vld [tilespmem:$0x1E1B0]  }
0x573: {  	[tilespmem:$0x1E6C0] =	vst v1;
	v1 =	vld [tilespmem:$0x1E1A0];
	_ =	sdelay $0x3  }
0x574: {  	v23 =	vld.idx.msk [tilespmem:v5+s19+$0x0], $0xffff  }
0x575: {  	v24 =	vld.idx.msk [tilespmem:v5+s20+$0x0], $0xffff;
	v1 =	vsub.f32 v1, v4  }
0x576: {  	v5 =	vld [tilespmem:$0x1E1D0]  }
0x577: {  	[tilespmem:$0x1E600] =	vst v1;
	v1 =	vld [tilespmem:$0x1E1C0];
	_ =	sdelay $0x4  }
0x578: {  	v21 =	vsub.f32 v1, v5;
	v1 =	vld [tilespmem:$0x1E1E0]  }
0x579: {  	v5 =	vld [tilespmem:$0x1E1F0];
	_ =	sdelay $0x4  }
0x57a: {  	v25 =	vsub.f32 v1, v5;
	v1 =	vld [tilespmem:$0x1E200];
	_ =	sdelay $0x3  }
0x57b: {  	v47 =	vld.idx.msk [tilespmem:v8+s21+$0x0], $0xffff  }
0x57c: {  	[tilespmem:$0x1FB00] =	vst v8;
	v60 =	vld.idx.msk [tilespmem:v8+s22+$0x0], $0xffff;
	v1 =	vsub.f32 v1, v22  }
0x57d: {  	v8 =	vld [tilespmem:$0x1E220];
	[tilespmem:$0x1E660] =	vst v0;
	v0 =	vsub.f32 v37, v44  }
0x57e: {  	[tilespmem:$0x1F800] =	vst v1;
	v1 =	vld [tilespmem:$0x1E210]  }
0x57f: {  	[tilespmem:$0x1E6F0] =	vst v0;
	v0 =	vld [tilespmem:$0x1F4E0];
	_ =	sdelay $0x3  }
0x580: {  	v1 =	vsub.f32 v1, v8  }
0x581: {  	v34 =	vadd.s32 v63, v0;
	v22 =	vadd.s32 v62, v0;
	v0 =	vld [tilespmem:$0x1E230]  }
0x582: {  	[tilespmem:$0x1E610] =	vst v1;
	v1 =	vld [tilespmem:$0x1E240];
	_ =	sdelay $0x4  }
0x583: {  	v0 =	vsub.f32 v0, v1  }
0x584: {  	v1 =	vld [tilespmem:$0x1E260]  }
0x585: {  	[tilespmem:$0x1F850] =	vst v0;
	v0 =	vld [tilespmem:$0x1E250];
	_ =	sdelay $0x4  }
0x586: {  	v20 =	vld [tilespmem:$0x1E280];
	v18 =	vsub.f32 v0, v1;
	v0 =	vsub.f32 v35, v26  }
0x587: {  	v4 =	vld [tilespmem:$0x1F4F0]  }
0x588: {  	[tilespmem:$0x1F8A0] =	vst v0;
	v0 =	vld [tilespmem:$0x1E270];
	_ =	sdelay $0x3  }
0x589: {  	v28 =	vadd.s32 v63, v4;
	v26 =	vadd.s32 v62, v4;
	v4 =	vld [tilespmem:$0x1E2A0]  }
0x58a: {  	v20 =	vsub.f32 v0, v20;
	v0 =	vld [tilespmem:$0x1E290];
	_ =	sdelay $0x4  }
0x58b: {  	v0 =	vsub.f32 v0, v4  }
0x58c: {  	v4 =	vld [tilespmem:$0x1E2C0]  }
0x58d: {  	[tilespmem:$0x1F8F0] =	vst v0;
	v0 =	vld [tilespmem:$0x1E2B0];
	_ =	sdelay $0x4  }
0x58e: {  	v0 =	vsub.f32 v0, v4;
	_ =	sdelay $0x1  }
0x58f: {  	[tilespmem:$0x1E620] =	vst v0;
	v0 =	vld [tilespmem:$0x1E2D0];
	_ =	sdelay $0x4  }
0x590: {  	v0 =	vsub.f32 v0, v29  }
0x591: {  	v4 =	vld [tilespmem:$0x1E2F0]  }
0x592: {  	[tilespmem:$0x1F940] =	vst v0;
	v0 =	vld [tilespmem:$0x1E2E0];
	_ =	sdelay $0x4  }
0x593: {  	v0 =	vsub.f32 v0, v4;
	v4 =	vld [tilespmem:$0x1E300];
	_ =	sdelay $0x4  }
0x594: {  	v4 =	vsub.f32 v4, v32  }
0x595: {  	v29 =	vld [tilespmem:$0x1E320]  }
0x596: {  	[tilespmem:$0x1F9A0] =	vst v4;
	v4 =	vld [tilespmem:$0x1E310];
	_ =	sdelay $0x4  }
0x597: {  	v4 =	vsub.f32 v4, v29;
	_ =	sdelay $0x1  }
0x598: {  	[tilespmem:$0x1F9D0] =	vst v4;
	v4 =	vld [tilespmem:$0x1E330];
	_ =	sdelay $0x2  }
0x599: {  	v38 =	vld [tilespmem:$0x1E360]  }
0x59a: {  	v44 =	vld [tilespmem:$0x1E380]  }
0x59b: {  	v4 =	vsub.f32 v4, v40;
	v40 =	vld [tilespmem:$0x1E370]  }
0x59c: {  	v37 =	vld.idx.msk [tilespmem:v34+s20+$0x0], $0xffff  }
0x59d: {  	v1 =	vld.idx.msk [tilespmem:v34+s19+$0x0], $0xffff  }
0x59e: {  	v34 =	vsub.f32 v38, v36;
	v38 =	vsub.f32 v46, v42;
	v42 =	vld [tilespmem:$0x1E390]  }
0x59f: {  	[tilespmem:$0x1F970] =	vst v0;
	v0 =	vld [tilespmem:$0x1F500]  }
0x5a0: {  	[tilespmem:$0x1FA60] =	vst v34;
	v34 =	vsub.f32 v40, v44;
	v44 =	vld [tilespmem:$0x1E3A0];
	_ =	sdelay $0x4  }
0x5a1: {  	v31 =	vadd.s32 v63, v0;
	[tilespmem:$0x1FA90] =	vst v34;
	v34 =	vsub.f32 v42, v44;
	v42 =	vadd.s32 v62, v0;
	v0 =	vld [tilespmem:$0x1E3B0];
	_ =	sdelay $0x4  }
0x5a2: {  	v0 =	vsub.f32 v0, v41  }
0x5a3: {  	v46 =	vld [tilespmem:$0x1E3D0]  }
0x5a4: {  	[tilespmem:$0x1FB30] =	vst v0;
	v0 =	vld [tilespmem:$0x1E3C0];
	_ =	sdelay $0x4  }
0x5a5: {  	v0 =	vsub.f32 v0, v46;
	_ =	sdelay $0x1  }
0x5a6: {  	v29 =	vld [tilespmem:$0x1E350];
	[tilespmem:$0x1FB60] =	vst v0;
	v0 =	vsub.f32 v54, v49  }
0x5a7: {  	v54 =	vld [tilespmem:$0x1E3F0]  }
0x5a8: {  	[tilespmem:$0x1FB90] =	vst v0;
	v0 =	vld [tilespmem:$0x1E3E0]  }
0x5a9: {  	[tilespmem:$0x1FA00] =	vst v4;
	v4 =	vld [tilespmem:$0x1E340];
	_ =	sdelay $0x3  }
0x5aa: {  	v0 =	vsub.f32 v0, v54  }
0x5ab: {  	v4 =	vsub.f32 v4, v29  }
0x5ac: {  	[tilespmem:$0x1FBC0] =	vst v0;
	v0 =	vld [tilespmem:$0x1E400]  }
0x5ad: {  	[tilespmem:$0x1FA30] =	vst v4;
	v4 =	vld [tilespmem:$0x1F530];
	_ =	sdelay $0x3  }
0x5ae: {  	v0 =	vsub.f32 v0, v27  }
0x5af: {  	v29 =	vadd.s32 v63, v4;
	v49 =	vadd.s32 v62, v4;
	v4 =	vld [tilespmem:$0x1E420]  }
0x5b0: {  	[tilespmem:$0x1FC00] =	vst v0;
	v0 =	vld [tilespmem:$0x1E410];
	_ =	sdelay $0x4  }
0x5b1: {  	v0 =	vsub.f32 v0, v4;
	_ =	sdelay $0x1  }
0x5b2: {  	[tilespmem:$0x1FC30] =	vst v0;
	v0 =	vld [tilespmem:$0x1E430];
	_ =	sdelay $0x4  }
0x5b3: {  	v0 =	vsub.f32 v0, v9  }
0x5b4: {  	v4 =	vld [tilespmem:$0x1E450]  }
0x5b5: {  	[tilespmem:$0x1FC50] =	vst v0;
	v0 =	vld [tilespmem:$0x1E440];
	_ =	sdelay $0x4  }
0x5b6: {  	v0 =	vsub.f32 v0, v4;
	v4 =	vld [tilespmem:$0x1E460];
	_ =	sdelay $0x3  }
0x5b7: {  	v9 =	vld [tilespmem:$0x1E480]  }
0x5b8: {  	v52 =	vsub.f32 v4, v52;
	v4 =	vld [tilespmem:$0x1E470];
	_ =	sdelay $0x4  }
0x5b9: {  	v4 =	vsub.f32 v4, v9  }
0x5ba: {  	v61 =	vld.idx.msk [tilespmem:v48+s21+$0x0], $0xffff  }
0x5bb: {  	[tilespmem:$0x1FCD0] =	vst v4;
	v4 =	vld [tilespmem:$0x1E490];
	_ =	sdelay $0x3  }
0x5bc: {  	v9 =	vld [tilespmem:$0x1E4B0]  }
0x5bd: {  	v61 =	vsub.f32 v4, v61;
	v4 =	vld [tilespmem:$0x1E4A0];
	_ =	sdelay $0x1  }
0x5be: {  	[tilespmem:$0x1E4C0] =	vst v2;
	v2 =	vld.idx.msk [tilespmem:v55+s22+$0x0], $0xffff  }
0x5bf: {  	[tilespmem:$0x1FAC0] =	vst v38;
	v38 =	vld [tilespmem:$0x1F580]  }
0x5c0: {  	[tilespmem:$0x1FC80] =	vst v0;
	v0 =	vld [tilespmem:$0x1F550]  }
0x5c1: {  	v4 =	vsub.f32 v4, v9;
	v9 =	vld [tilespmem:$0x1E4C0];
	_ =	sdelay $0x1  }
0x5c2: {  	v10 =	vld.idx.msk [tilespmem:v55+s21+$0x0], $0xffff;
	[tilespmem:$0x1E520] =	vst v2  }
0x5c3: {  	v2 =	vld.idx.msk [tilespmem:v30+s21+$0x0], $0xffff;
	[tilespmem:$0x1FAF0] =	vst v34  }
0x5c4: {  	v34 =	vadd.s32 v63, v0;
	[tilespmem:$0x1FD00] =	vst v4;
	v4 =	vadd.s32 v63, v38;
	v63 =	vld [tilespmem:$0x1E4E0]  }
0x5c5: {  	v39 =	vsub.f32 v9, v39;
	v9 =	vld [tilespmem:$0x1E4D0];
	_ =	sdelay $0x3  }
0x5c6: {  	v2 =	vsub.f32 v10, v2;
	v10 =	vld [tilespmem:$0x1E4F0]  }
0x5c7: {  	v9 =	vsub.f32 v9, v63;
	v63 =	vld [tilespmem:$0x1E500];
	_ =	sdelay $0x4  }
0x5c8: {  	v10 =	vsub.f32 v10, v63;
	v63 =	vld [tilespmem:$0x1E510];
	_ =	sdelay $0x4  }
0x5c9: {  	v3 =	vsub.f32 v63, v3  }
0x5ca: {  	v63 =	vld [tilespmem:$0x1E530]  }
0x5cb: {  	[tilespmem:$0x1FD60] =	vst v3;
	v3 =	vld [tilespmem:$0x1E520];
	_ =	sdelay $0x3  }
0x5cc: {  	v59 =	vld.idx.msk [tilespmem:v7+s21+$0x0], $0xffff  }
0x5cd: {  	v54 =	vsub.f32 v3, v63;
	v3 =	vld [tilespmem:$0x1E540];
	_ =	sdelay $0x3  }
0x5ce: {  	v63 =	vld [tilespmem:$0x1E560]  }
0x5cf: {  	v3 =	vsub.f32 v3, v59;
	v59 =	vld [tilespmem:$0x1E550];
	_ =	sdelay $0x4  }
0x5d0: {  	v63 =	vsub.f32 v59, v63  }
0x5d1: {  	v11 =	vld.idx.msk [tilespmem:v50+s21+$0x0], $0xffff  }
0x5d2: {  	[tilespmem:$0x1FDA0] =	vst v63;
	v63 =	vadd.s32 v62, v38;
	v38 =	vld [tilespmem:$0x1E580]  }
0x5d3: {  	[tilespmem:$0x1FD50] =	vst v10;
	v10 =	vadd.s32 v62, v0;
	v62 =	vld [tilespmem:$0x1E590]  }
0x5d4: {  	v17 =	vld.idx.msk [tilespmem:v51+s19+$0x0], $0xffff  }
0x5d5: {  	v14 =	vld.idx.msk [tilespmem:v13+s21+$0x0], $0xffff  }
0x5d6: {  	v53 =	vld.idx.msk [tilespmem:v51+s20+$0x0], $0xffff  }
0x5d7: {  	v59 =	vld [tilespmem:$0x1E570]  }
0x5d8: {  	v38 =	vsub.f32 v38, v62;
	v62 =	vld [tilespmem:$0x1E5A0]  }
0x5d9: {  	v5 =	vld.idx.msk [tilespmem:v15+s21+$0x0], $0xffff  }
0x5da: {  	v27 =	vld.idx.msk [tilespmem:v42+s21+$0x0], $0xffff  }
0x5db: {  	[tilespmem:$0x1FD20] =	vst v9;
	v9 =	vld.idx.msk [tilespmem:v49+s21+$0x0], $0xffff  }
0x5dc: {  	v6 =	vsub.f32 v59, v6;
	v59 =	vld [tilespmem:$0x1E5B0]  }
0x5dd: {  	v11 =	vsub.f32 v62, v11;
	v62 =	vld [tilespmem:$0x1E5C0]  }
0x5de: {  	[tilespmem:$0x1FD70] =	vst v54;
	v54 =	vld.idx.msk [tilespmem:v34+s19+$0x0], $0xffff  }
0x5df: {  	v34 =	vld.idx.msk [tilespmem:v34+s20+$0x0], $0xffff  }
0x5e0: {  	[tilespmem:$0x1FDC0] =	vst v38;
	v38 =	vld.idx.msk [tilespmem:v4+s19+$0x0], $0xffff  }
0x5e1: {  	v4 =	vld.idx.msk [tilespmem:v4+s20+$0x0], $0xffff  }
0x5e2: {  	v62 =	vsub.f32 v59, v62;
	v59 =	vld [tilespmem:$0x1E5F0]  }
0x5e3: {  	v35 =	vld.idx.msk [tilespmem:v28+s19+$0x0], $0xffff  }
0x5e4: {  	v16 =	vsub.f32 v47, v16;
	v41 =	vld.idx.msk [tilespmem:v42+s22+$0x0], $0xffff  }
0x5e5: {  	v60 =	vsub.f32 v60, v33;
	v14 =	vsub.f32 v14, v5;
	v0 =	vld.idx.msk [tilespmem:v49+s22+$0x0], $0xffff  }
0x5e6: {  	v5 =	vsub.f32 v24, v53;
	v24 =	vsub.f32 v27, v9;
	v9 =	vld [tilespmem:$0x1E640]  }
0x5e7: {  	v33 =	vsub.f32 v34, v4;
	v4 =	vld [tilespmem:$0x1E630];
	v47 =	vsub.f32 v59, v58  }
0x5e8: {  	v58 =	vsub.f32 v23, v17;
	v17 =	vsub.f32 v1, v35;
	v1 =	vld.idx.msk [tilespmem:v45+s23+$0x0], $0xffff  }
0x5e9: {  	v19 =	vld.idx.msk [tilespmem:v13+s22+$0x0], $0xffff  }
0x5ea: {  	v51 =	vld.idx.msk [tilespmem:v22+s21+$0x0], $0xffff  }
0x5eb: {  	v8 =	vld.idx.msk [tilespmem:v15+s22+$0x0], $0xffff  }
0x5ec: {  	v40 =	vld.idx.msk [tilespmem:v26+s21+$0x0], $0xffff  }
0x5ed: {  	[tilespmem:$0x1F660] =	vst v1;
	v1 =	vsub.f32 v41, v0;
	v41 =	vsub.f32 v4, v9;
	v4 =	vld [tilespmem:$0x1E650]  }
0x5ee: {  	v9 =	vld [tilespmem:$0x1E660];
	_ =	sdelay $0x2  }
0x5ef: {  	v44 =	vld.idx.msk [tilespmem:v29+s19+$0x0], $0xffff  }
0x5f0: {  	v8 =	vsub.f32 v19, v8;
	v46 =	vld.idx.msk [tilespmem:v31+s19+$0x0], $0xffff  }
0x5f1: {  	v19 =	vsub.f32 v51, v40;
	v51 =	vsub.f32 v4, v9;
	v4 =	vld [tilespmem:$0x1E670]  }
0x5f2: {  	v9 =	vld [tilespmem:$0x1E680]  }
0x5f3: {  	v48 =	vld.idx.msk [tilespmem:v48+s23+$0x0], $0xffff  }
0x5f4: {  	v55 =	vld.idx.msk [tilespmem:v55+s23+$0x0], $0xffff  }
0x5f5: {  	v36 =	vld.idx.msk [tilespmem:v26+s22+$0x0], $0xffff  }
0x5f6: {  	v32 =	vld.idx.msk [tilespmem:v22+s22+$0x0], $0xffff  }
0x5f7: {  	v23 =	vsub.f32 v46, v44;
	v44 =	vmul.f32 v9, v4;
	v4 =	vld [tilespmem:$0x1E690]  }
0x5f8: {  	v9 =	vld [tilespmem:$0x1E6A0]  }
0x5f9: {  	v57 =	vld.idx.msk [tilespmem:v57+s23+$0x0], $0xffff  }
0x5fa: {  	v7 =	vld.idx.msk [tilespmem:v7+s23+$0x0], $0xffff  }
0x5fb: {  	v53 =	vld.idx.msk [tilespmem:v63+s22+$0x0], $0xffff  }
0x5fc: {  	[tilespmem:$0x1FE30] =	vst v47;
	v47 =	vld.idx.msk [tilespmem:v10+s22+$0x0], $0xffff  }
0x5fd: {  	v46 =	vmov v20;
	v20 =	vsub.f32 v32, v36;
	v36 =	vsub.f32 v4, v9;
	v4 =	vld [tilespmem:$0x1E6B0]  }
0x5fe: {  	v9 =	vld [tilespmem:$0x1E6C0]  }
0x5ff: {  	v43 =	vld.idx.msk [tilespmem:v43+s23+$0x0], $0xffff  }
0x600: {  	v12 =	vsub.f32 v56, v12;
	v56 =	vld [tilespmem:$0x1E5D0]  }
0x601: {  	v28 =	vld.idx.msk [tilespmem:v28+s20+$0x0], $0xffff  }
0x602: {  	[tilespmem:$0x1FDE0] =	vst v62;
	v62 =	vld [tilespmem:$0x1E5E0]  }
0x603: {  	v0 =	vsub.f32 v47, v53;
	v53 =	vsub.f32 v4, v9;
	v4 =	vld [tilespmem:$0x1E6D0]  }
0x604: {  	v9 =	vld [tilespmem:$0x1E6E0]  }
0x605: {  	v29 =	vld.idx.msk [tilespmem:v29+s20+$0x0], $0xffff  }
0x606: {  	v31 =	vld.idx.msk [tilespmem:v31+s20+$0x0], $0xffff  }
0x607: {  	v59 =	vld.idx.msk [tilespmem:v63+s21+$0x0], $0xffff  }
0x608: {  	v62 =	vsub.f32 v56, v62;
	v56 =	vld.idx.msk [tilespmem:v10+s21+$0x0], $0xffff  }
0x609: {  	v47 =	vmul.f32 v9, v4;
	v4 =	vld [tilespmem:$0x1E6F0]  }
0x60a: {  	p0 =	sne.s32 s0, $0xF0;
	v9 =	vld [tilespmem:$0x1E700]  }
.Ltmp2:
0x60b: {  	v50 =	vld.idx.msk [tilespmem:v50+s23+$0x0], $0xffff;
	(pc) =	sbr.rel @p0 .LBB2_6-.Ltmp2, $4  }
0x60c: {  	v32 =	vmov v21;
	v21 =	vsub.f32 v31, v29;
	v29 =	vld [tilespmem:$0x1E600]  }
0x60d: {  	v31 =	vmov v25;
	v25 =	vsub.f32 v54, v38;
	v38 =	vld [tilespmem:$0x1E610]  }
0x60e: {  	v40 =	vmov v18;
	v18 =	vsub.f32 v37, v28;
	v45 =	vld.idx.msk [tilespmem:v30+s23+$0x0], $0xffff  }
0x60f: {  	s0 =	sadd.s32 $0x10, s0;
	v30 =	vsub.f32 v56, v59;
	v56 =	vld [tilespmem:$0x1E620];
	v37 =	vsub.f32 v4, v9  }
0x610: {  	v4 =	vld [tilespmem:$0x1F800];
	_ =	sdelay $0x3  }
0x611: {  	v9 =	vld [tilespmem:$0x1F8A0]  }
0x612: {  	v59 =	vsub.f32 v32, v4;
	v4 =	vld [tilespmem:$0x1F850];
	_ =	sdelay $0x3  }
0x613: {  	v32 =	vld [tilespmem:$0x1F940]  }
0x614: {  	v27 =	vsub.f32 v4, v9;
	v4 =	vld [tilespmem:$0x1F8F0];
	_ =	sdelay $0x2  }
0x615: {  	v34 =	vld [tilespmem:$0x1FA00]  }
0x616: {  	v35 =	vld [tilespmem:$0x1FA60]  }
0x617: {  	v28 =	vsub.f32 v4, v32;
	v4 =	vld [tilespmem:$0x1F9A0]  }
0x618: {  	v32 =	vld [tilespmem:$0x1FAC0];
	_ =	sdelay $0x3  }
0x619: {  	v4 =	vsub.f32 v4, v34;
	v34 =	vld [tilespmem:$0x1FB30]  }
0x61a: {  	v9 =	vsub.f32 v35, v32;
	v35 =	vld [tilespmem:$0x1FB90];
	_ =	sdelay $0x1  }
0x61b: {  	v54 =	vsub.f32 v29, v31;
	v31 =	vld [tilespmem:$0x1FC00]  }
0x61c: {  	v0 =	vsub.f32 v33, v0;
	v32 =	vld [tilespmem:$0x1FC50]  }
0x61d: {  	v10 =	vld.idx.msk [tilespmem:v10+s23+$0x0], $0xffff;
	v1 =	vsub.f32 v21, v1;
	v17 =	vsub.f32 v17, v19  }
0x61e: {  	v18 =	vsub.f32 v18, v20;
	v29 =	vsub.f32 v34, v35;
	v34 =	vld.idx.msk [tilespmem:v63+s23+$0x0], $0xffff  }
0x61f: {  	v30 =	vsub.f32 v25, v30;
	v35 =	vsub.f32 v39, v2;
	v63 =	vld [tilespmem:$0x1FD60]  }
0x620: {  	v39 =	vld.idx.msk [tilespmem:v42+s23+$0x0], $0xffff;
	v42 =	vsub.f32 v12, v16;
	v16 =	vsub.f32 v23, v24  }
0x621: {  	v0 =	vand.u32 $0x7FFFFFFF, v0;
	v1 =	vand.u32 $0x7FFFFFFF, v1;
	v31 =	vsub.f32 v31, v32  }
0x622: {  	s0 =	sadd.s32 $0x10, s31;
	v32 =	vsub.f32 v52, v61;
	v61 =	vand.u32 $0x7FFFFFFF, v30;
	v16 =	vand.u32 $0x7FFFFFFF, v16  }
0x623: {  	v2 =	vld [tilespmem:s0+$0x0];
	v0 =	vadd.f32 v0, v61;
	v1 =	vadd.f32 v1, v16;
	v16 =	vand.u32 $0x7FFFFFFF, v17  }
0x624: {  	v17 =	vand.u32 $0x7FFFFFFF, v18;
	v3 =	vsub.f32 v63, v3;
	v10 =	vmul.f32 v34, v10;
	v63 =	vld.idx.msk [tilespmem:v22+s23+$0x0], $0xffff  }
0x625: {  	v22 =	vadd.f32 v17, v16;
	v17 =	vld [tilespmem:$0x1F650]  }
0x626: {  	v0 =	vmul.f32 v0, v10;
	_ =	sdelay $0x1  }
0x627: {  	v0 =	vmul.f32 v0, v2  }
0x628: {  	v19 =	vld.idx.msk [tilespmem:v26+s23+$0x0], $0xffff  }
0x629: {  	v0 =	vadd.f32 v0, v17;
	v17 =	vld [tilespmem:$0x1F670]  }
0x62a: {  	v13 =	vld.idx.msk [tilespmem:v13+s23+$0x0], $0xffff  }
0x62b: {  	v52 =	vld.idx.msk [tilespmem:v49+s23+$0x0], $0xffff  }
0x62c: {  	v15 =	vld.idx.msk [tilespmem:v15+s23+$0x0], $0xffff  }
0x62d: {  	v18 =	vld [tilespmem:$0x1FBD0]  }
0x62e: {  	v10 =	vadd.f32 v10, v17;
	v17 =	vld [tilespmem:$0x1FB00];
	_ =	sdelay $0x1  }
0x62f: {  	v12 =	vmul.f32 v52, v39  }
0x630: {  	v14 =	vsub.f32 v58, v14;
	v5 =	vsub.f32 v5, v8;
	v26 =	vld [tilespmem:$0x1FDE0]  }
0x631: {  	v1 =	vmul.f32 v1, v12;
	v16 =	vmul.f32 v19, v63;
	v19 =	vld [tilespmem:$0x1FE30]  }
0x632: {  	v14 =	vand.u32 $0x7FFFFFFF, v14;
	v5 =	vand.u32 $0x7FFFFFFF, v5;
	v13 =	vmul.f32 v15, v13;
	v34 =	vld [tilespmem:$0x1FDA0]  }
0x633: {  	v5 =	vadd.f32 v5, v14;
	v39 =	vld [tilespmem:$0x1FDC0];
	v1 =	vmul.f32 v1, v2;
	v8 =	vmul.f32 v22, v16  }
0x634: {  	v6 =	vsub.f32 v6, v11;
	v18 =	vld.idx.msk [tilespmem:v18+s23+$0x0], $0xffff  }
0x635: {  	v5 =	vmul.f32 v5, v13;
	v0 =	vadd.f32 v1, v0;
	v8 =	vmul.f32 v8, v2;
	v17 =	vld.idx.msk [tilespmem:v17+s23+$0x0], $0xffff  }
0x636: {  	v6 =	vand.u32 $0x7FFFFFFF, v6;
	v49 =	vmul.f32 v50, v43;
	v61 =	vld [tilespmem:$0x1FD20];
	v19 =	vsub.f32 v19, v60  }
0x637: {  	v24 =	vand.u32 $0x7FFFFFFF, v42;
	v5 =	vmul.f32 v5, v2;
	v60 =	vld [tilespmem:$0x1FD00];
	v0 =	vadd.f32 v8, v0  }
0x638: {  	v25 =	vand.u32 $0x7FFFFFFF, v19;
	v23 =	vadd.f32 v12, v10;
	v12 =	vsub.f32 v26, v62  }
0x639: {  	v50 =	vld [tilespmem:$0x1FD50];
	v3 =	vand.u32 $0x7FFFFFFF, v3;
	v10 =	vadd.f32 v25, v24;
	v0 =	vadd.f32 v5, v0  }
0x63a: {  	v52 =	vld [tilespmem:$0x1FD70];
	v33 =	vand.u32 $0x7FFFFFFF, v12;
	v12 =	vsub.f32 v34, v39;
	v30 =	vmul.f32 v18, v17  }
0x63b: {  	v21 =	vld [tilespmem:$0x1FC80];
	v62 =	vmul.f32 v45, v55;
	v1 =	vadd.f32 v16, v23;
	v6 =	vadd.f32 v33, v6  }
0x63c: {  	v22 =	vld [tilespmem:$0x1FCD0];
	v11 =	vsub.f32 v60, v61;
	v5 =	vand.u32 $0x7FFFFFFF, v12;
	v42 =	vmul.f32 v10, v30  }
0x63d: {  	v24 =	vld [tilespmem:$0x1FBC0];
	v1 =	vadd.f32 v13, v1;
	v3 =	vadd.f32 v5, v3;
	v5 =	vmul.f32 v6, v49  }
0x63e: {  	v25 =	vld [tilespmem:$0x1FC30];
	v6 =	vmul.f32 v7, v57;
	v8 =	vmul.f32 v42, v2  }
0x63f: {  	v26 =	vld [tilespmem:$0x1F3A0];
	v12 =	vsub.f32 v50, v52;
	v63 =	vand.u32 $0x7FFFFFFF, v11;
	v1 =	vadd.f32 v30, v1  }
0x640: {  	v23 =	vld [tilespmem:$0x1F660];
	v5 =	vmul.f32 v5, v2;
	v3 =	vmul.f32 v3, v6;
	v0 =	vadd.f32 v8, v0  }
0x641: {  	v34 =	vld [tilespmem:$0x1F320];
	v11 =	vsub.f32 v21, v22;
	v7 =	vand.u32 $0x7FFFFFFF, v35;
	v1 =	vadd.f32 v49, v1  }
0x642: {  	v39 =	vld [tilespmem:$0x1FA30];
	v58 =	vand.u32 $0x7FFFFFFF, v12;
	v3 =	vmul.f32 v3, v2;
	v0 =	vadd.f32 v5, v0  }
0x643: {  	v33 =	vld [tilespmem:$0x1F2E0];
	v7 =	vadd.f32 v58, v7;
	v1 =	vadd.f32 v6, v1;
	v6 =	vand.u32 $0x7FFFFFFF, v11  }
0x644: {  	v5 =	vand.u32 $0x7FFFFFFF, v32;
	v32 =	vld [tilespmem:$0x1FB60];
	v0 =	vadd.f32 v3, v0;
	v3 =	vand.u32 $0x7FFFFFFF, v31  }
0x645: {  	v7 =	vmul.f32 v7, v62;
	v3 =	vadd.f32 v6, v3;
	v6 =	vld [tilespmem:$0x1F380]  }
0x646: {  	v11 =	vsub.f32 v24, v25;
	v31 =	vld [tilespmem:$0x1FAF0]  }
0x647: {  	v7 =	vmul.f32 v7, v2;
	v10 =	vmul.f32 v48, v23;
	v42 =	vld [tilespmem:$0x1FA90];
	v5 =	vadd.f32 v63, v5  }
0x648: {  	v1 =	vadd.f32 v62, v1;
	v30 =	vand.u32 $0x7FFFFFFF, v11  }
0x649: {  	v43 =	vld [tilespmem:$0x1F180];
	v5 =	vmul.f32 v5, v10;
	v0 =	vadd.f32 v7, v0;
	v7 =	vand.u32 $0x7FFFFFFF, v29  }
0x64a: {  	v45 =	vld [tilespmem:$0x1F1F0];
	v8 =	vmul.f32 v34, v33;
	v7 =	vadd.f32 v30, v7;
	v6 =	vmul.f32 v26, v6  }
0x64b: {  	v1 =	vadd.f32 v10, v1;
	v5 =	vmul.f32 v5, v2;
	v11 =	vsub.f32 v31, v32  }
0x64c: {  	v10 =	vsub.f32 v39, v42;
	v7 =	vmul.f32 v7, v8;
	v3 =	vmul.f32 v3, v6  }
0x64d: {  	v48 =	vld [tilespmem:$0x1F9D0];
	v0 =	vadd.f32 v5, v0;
	v5 =	vand.u32 $0x7FFFFFFF, v9;
	v35 =	vand.u32 $0x7FFFFFFF, v11  }
0x64e: {  	v1 =	vadd.f32 v6, v1;
	v6 =	vmul.f32 v7, v2;
	v7 =	vld [tilespmem:$0x1F970];
	v3 =	vmul.f32 v3, v2  }
0x64f: {  	v55 =	vld [tilespmem:$0x1EA80];
	v9 =	vmul.f32 v45, v43;
	v5 =	vadd.f32 v35, v5  }
0x650: {  	v49 =	vld [tilespmem:$0x1F030];
	v0 =	vadd.f32 v3, v0;
	v3 =	vand.u32 $0x7FFFFFFF, v4;
	v4 =	vand.u32 $0x7FFFFFFF, v10  }
0x651: {  	v3 =	vadd.f32 v4, v3;
	v4 =	vmul.f32 v5, v9;
	v5 =	vld [tilespmem:$0x1EF80]  }
0x652: {  	v61 =	vld [tilespmem:$0x1E7C0]  }
0x653: {  	v52 =	vld [tilespmem:$0x1EDB0];
	v7 =	vsub.f32 v7, v48  }
0x654: {  	v50 =	vsub.f32 v46, v56;
	v56 =	vld [tilespmem:$0x1EB50];
	v1 =	vadd.f32 v8, v1  }
0x655: {  	v62 =	vld [tilespmem:$0x1E890];
	v0 =	vadd.f32 v6, v0;
	v6 =	vand.u32 $0x7FFFFFFF, v28;
	v7 =	vand.u32 $0x7FFFFFFF, v7  }
0x656: {  	v1 =	vadd.f32 v9, v1;
	v6 =	vadd.f32 v7, v6;
	v7 =	vld [tilespmem:$0x1ED10];
	v5 =	vmul.f32 v49, v5  }
0x657: {  	v57 =	vsub.f32 v38, v40;
	v63 =	vld [tilespmem:$0x1F640];
	v4 =	vmul.f32 v4, v2  }
0x658: {  	v3 =	vmul.f32 v3, v5;
	v1 =	vadd.f32 v5, v1;
	v5 =	vand.u32 $0x7FFFFFFF, v59;
	v59 =	vld [tilespmem:$0x1F630]  }
0x659: {  	v58 =	vand.u32 $0x7FFFFFFF, v57  }
0x65a: {  	v12 =	vmul.f32 v62, v61;
	v8 =	vand.u32 $0x7FFFFFFF, v50;
	v0 =	vadd.f32 v4, v0  }
0x65b: {  	v4 =	vand.u32 $0x7FFFFFFF, v27;
	v7 =	vmul.f32 v52, v7;
	v3 =	vmul.f32 v3, v2  }
0x65c: {  	v9 =	vmul.f32 v56, v55;
	v4 =	vadd.f32 v8, v4;
	v5 =	vadd.f32 v58, v5  }
0x65d: {  	v0 =	vadd.f32 v3, v0;
	v3 =	vmul.f32 v6, v7  }
0x65e: {  	v60 =	vand.u32 $0x7FFFFFFF, v54;
	v4 =	vmul.f32 v4, v9;
	v5 =	vmul.f32 v5, v12  }
0x65f: {  	v8 =	vld.idx.msk [tilespmem:v63+s23+$0x0], $0xffff;
	v1 =	vadd.f32 v7, v1;
	v6 =	vand.u32 $0x7FFFFFFF, v53;
	v3 =	vmul.f32 v3, v2  }
0x660: {  	v7 =	vand.u32 $0x7FFFFFFF, v37;
	v6 =	vadd.f32 v60, v6;
	v5 =	vmul.f32 v5, v2;
	v10 =	vld.idx.msk [tilespmem:v59+s23+$0x0], $0xffff  }
0x661: {  	v0 =	vadd.f32 v3, v0;
	v3 =	vmul.f32 v4, v2;
	v4 =	vand.u32 $0x7FFFFFFF, v51  }
0x662: {  	v1 =	vadd.f32 v9, v1;
	v6 =	vmul.f32 v6, v47;
	v4 =	vadd.f32 v7, v4  }
0x663: {  	v7 =	vand.u32 $0x7FFFFFFF, v36;
	v0 =	vadd.f32 v3, v0;
	v3 =	vand.u32 $0x7FFFFFFF, v41  }
0x664: {  	v1 =	vadd.f32 v12, v1;
	v3 =	vadd.f32 v7, v3;
	v4 =	vmul.f32 v4, v44  }
0x665: {  	v0 =	vadd.f32 v5, v0;
	v5 =	vmul.f32 v6, v2;
	v7 =	vmul.f32 v8, v10  }
0x666: {  	v1 =	vadd.f32 v47, v1  }
0x667: {  	v4 =	vmul.f32 v4, v2;
	v0 =	vadd.f32 v5, v0;
	v3 =	vmul.f32 v3, v7  }
0x668: {  	v1 =	vadd.f32 v44, v1  }
0x669: {  	v0 =	vadd.f32 v4, v0;
	v2 =	vmul.f32 v3, v2  }
0x66a: {  	v1 =	vadd.f32 v7, v1  }
0x66b: {  	s28 =	sadd.s32 $0x1, s28;
	v0 =	vadd.f32 v2, v0  }
0x66c: {  	p0 =	sne.s32 s28, s13;
	[tilespmem:$0xAC70] =	vst v1  }
.Ltmp3:
0x66d: {  	s31 =	simm.s32 $0xAC60;
	[tilespmem:$0xAC60] =	vst v0;
	(pc) =	sbr.rel @p0 .LBB2_1-.Ltmp3, $4  }
0x66e: {  	[hbm4b:s12+s2] =	stream.linear.scatter [tilespmem:s31], [sflag:$0x3], $0x20, $0x38;
	[tilespmem:$0xAC80] =	vst v63  }
0x66f: {  	_ =	swait.ge [sflag:s14], $0x20  }
0x670: {  	[sflag:s14] =	ssyncset.done $0x0;
	v4 =	vld [tilespmem:$0x1FFE0]  }
0x671: {  	v18 =	vld [tilespmem:$0x1FFF0];
	[sflag:s14] =	ssyncadd.s32 $0xFFFFFFE0  }
0x672: {  	_ =	sfence.sel $0x180000  }
0x673: {  	[bflag:$0x0] =	sbarrier.arrive $0xFFFF  }
0x674: {  	_ =	strace $0x90000047  }
0x675: {  	s0 =	stileid.u32;
	[bflag:$0x2] =	sbarrier.arrive $0xFFFF  }
0x676: {  	p0 =	sne.s32 s0, $0x0;
	s0 =	rddreg [dreg:$0x4]  }
0x677: {  	s0 =	sadd.s32 @!p0 $0x100000, s0  }
0x678: {  	[sflag:s0] =	ssyncadd.tile.s32 @!p0 $0x1;
	_ =	shalt  }
.Lfunc_end2:
_tile_overlayer_lowered:
.L_overlay_start_2:
0x679: {  	(tag) =	ssettag $0x2  }
0x67a: {  	s0 =	rddreg [dreg:$0x0];
	s2 =	stileid.u32  }
0x67b: {  	s1 =	rddreg [dreg:$0x1];
	p0 =	sne.s32 s2, $0x0  }
0x67c: {  	s3 =	rddreg [dreg:$0x2];
	[bflag:$0x3] =	sbarrier.arrive $0xFFFF;
	s2 =	simm.s32 @!p0 $0x1C03  }
0x67d: {  	[timem:s3], [sflag:s2] =	dma.local @!p0 [hbm:s0], s1  }
0x67e: {  	s0 =	simm.s32 @!p0 $0x3  }
0x67f: {  	_ =	swait.ge @!p0 [sflag:s0], s1  }
0x680: {  	s1 =	ssub.s32 @!p0 $0x0, s1;
	[sflag:s0] =	ssyncset.done @!p0 $0x0  }
0x681: {  	[sflag:s0] =	ssyncadd.s32 @!p0 s1  }
0x682: {  	[bflag:$0x3] =	sbarrier.arrive $0xFFFF  }
0x683: {  	_ =	shalt  }

</sc_bundles>
